<compile_context>
chip_gen: v7x
topology: tpu7x:2x2x1
jax: 0.10.2.dev20260603
libtpu: 0.0.44.dev20260713+nightly
codegen_flags: <defaults>
</compile_context>

<pallas_src>
import functools
import math

import jax
import jax.numpy as jnp
from jax import lax
from jax.experimental import pallas as pl
from jax.experimental.pallas import tpu as pltpu
from jax.experimental.pallas import tpu_sc as plsc

_N = 300000
_NBX, _NBY, _NBZ = 128, 128, 8
_NB = _NBX * _NBY * _NBZ
_SQ2 = math.sqrt(2.0)
_CX = 16.0 * _SQ2
_CY = 16.0 * _SQ2
_CZ = 8.0 * _SQ2
_TGT = 0.9 * (16.0 * 16.0 * 8.0)
_INV_VOL = 1.0 / (16.0 * 16.0 * 8.0)

_NC, _NS, _L = 2, 16, 16
_NW = _NC * _NS
_BLK = 512
_GRP = _BLK // _L
_NBLK = 19
_PT = _BLK * _NBLK
_NP = _PT * _NW
_ROWS = 27 * _BLK // 128
_REC = 6 * _BLK
_SLC = _NB // _NS


def _sc_body(inh, out_h,
             in0, in1, idx0, w0, idx1, w1, slcv, smap,
             sem0, sem1, isem0, isem1):
    c = lax.axis_index("c")
    s = lax.axis_index("s")
    wid = s * _NC + c
    wbase = wid * _NBLK

    pltpu.async_copy(inh.at[pl.ds(wbase * _REC, _REC)], in0, isem0)
    pltpu.async_copy(inh.at[pl.ds((wbase + 1) * _REC, _REC)], in1, isem1)

    z16 = jnp.zeros((_L,), jnp.float32)

    def zloop(i, carry):
        slcv[pl.ds(i * _L, _L)] = z16
        return carry

    lax.fori_loop(0, _SLC // _L, zloop, 0)
    pltpu.sync_copy(slcv, smap.at[pl.ds(s * _SLC, _SLC)])
    plsc.subcore_barrier()

    def wait_in(inv, isem):
        pltpu.make_async_copy(inh.at[pl.ds(0, _REC)], inv, isem).wait()

    def compute_block(inv, idxv, wv):
        def group(g, cnt):
            o = g * _L
            sx = inv[pl.ds(3 * _BLK + o, _L)]
            sy = inv[pl.ds(4 * _BLK + o, _L)]
            sz = inv[pl.ds(5 * _BLK + o, _L)]
            cx = jnp.maximum(sx, _CX)
            cy = jnp.maximum(sy, _CY)
            cz = jnp.maximum(sz, _CZ)
            x = inv[pl.ds(o, _L)] + (sx - cx) * 0.5
            y = inv[pl.ds(_BLK + o, _L)] + (sy - cy) * 0.5
            z = inv[pl.ds(2 * _BLK + o, _L)] + (sz - cz) * 0.5
            ratio = (sx * sy * sz) / (cx * cy * cz)

            bx = (x * 0.0625).astype(jnp.int32)
            by = (y * 0.0625).astype(jnp.int32)
            bz = (z * 0.125).astype(jnp.int32)
            tx = x - bx.astype(jnp.float32) * 16.0
            ty = y - by.astype(jnp.float32) * 16.0
            tz = z - bz.astype(jnp.float32) * 8.0
            ox = (16.0 - tx,
                  jnp.clip(tx + cx - 16.0, 0.0, 16.0),
                  jnp.clip(tx + cx - 32.0, 0.0, 16.0))
            oy = (16.0 - ty,
                  jnp.clip(ty + cy - 16.0, 0.0, 16.0),
                  jnp.clip(ty + cy - 32.0, 0.0, 16.0))
            oz = (8.0 - tz,
                  jnp.clip(tz + cz - 8.0, 0.0, 8.0),
                  jnp.clip(tz + cz - 16.0, 0.0, 8.0))

            ibase = (bx * _NBY + by) * _NBZ + bz
            o2 = g * _L
            for dx in range(3):
                ax = ratio * ox[dx]
                for dy in range(3):
                    axy = ax * oy[dy]
                    ixy = ibase + (dx * _NBY * _NBZ + dy * _NBZ)
                    for dz in range(3):
                        cmb = (dx * 3 + dy) * 3 + dz
                        idxv[pl.ds(cmb * _BLK + o2, _L)] = ixy + dz
                        wv[pl.ds(cmb * _BLK + o2, _L)] = axy * oz[dz]
            return cnt

        lax.fori_loop(0, _GRP, group, 0)
        return _ROWS

    def issue_block(idxv, wv, sem, rows):
        def srow(r, rcarry):
            pltpu.async_copy(wv.at[pl.ds(r * 128, 128)],
                             smap.at[idxv.at[pl.ds(r * 128, 128)]],
                             sem, add=True)
            return rcarry

        lax.fori_loop(0, rows, srow, 0)

    def drain(idxv, wv, sem, rows):
        def w1(r, rcarry):
            pltpu.make_async_copy(wv.at[pl.ds(r * 128, 128)],
                                  smap.at[idxv.at[pl.ds(r * 128, 128)]],
                                  sem).wait()
            return rcarry

        lax.fori_loop(0, rows, w1, 0)

    def half(blk, inv, isem, idxv, wv, sem, prev_rows):
        wait_in(inv, isem)
        drain(idxv, wv, sem, prev_rows)
        rows = compute_block(inv, idxv, wv)

        @pl.when(blk + 2 < _NBLK)
        def _():
            pltpu.async_copy(inh.at[pl.ds((wbase + blk + 2) * _REC, _REC)],
                             inv, isem)

        issue_block(idxv, wv, sem, rows)
        return rows

    def pair(i, carry):
        r0, r1 = carry
        r0 = half(i * 2, in0, isem0, idx0, w0, sem0, r0)
        r1 = half(i * 2 + 1, in1, isem1, idx1, w1, sem1, r1)
        return (r0, r1)

    r0, r1 = lax.fori_loop(0, (_NBLK - 1) // 2, pair,
                           (jnp.int32(0), jnp.int32(0)))
    wait_in(in0, isem0)
    drain(idx0, w0, sem0, r0)
    rows_t = compute_block(in0, idx0, w0)
    issue_block(idx0, w0, sem0, rows_t)
    drain(idx0, w0, sem0, rows_t)
    drain(idx1, w1, sem1, r1)
    plsc.subcore_barrier()

    pltpu.sync_copy(smap.at[pl.ds(s * _SLC, _SLC)], slcv)
    pltpu.sync_copy(slcv, out_h.at[c, pl.ds(s * _SLC, _SLC)])


_sc_call = functools.partial(
    pl.kernel,
    out_type=jax.ShapeDtypeStruct((_NC, _NB), jnp.float32),
    mesh=plsc.VectorSubcoreMesh(core_axis_name="c", subcore_axis_name="s",
                                num_cores=_NC, num_subcores=_NS),
    scratch_types=[
        pltpu.VMEM((_REC,), jnp.float32),
        pltpu.VMEM((_REC,), jnp.float32),
        pltpu.VMEM((_ROWS * 128,), jnp.int32),
        pltpu.VMEM((_ROWS * 128,), jnp.float32),
        pltpu.VMEM((_ROWS * 128,), jnp.int32),
        pltpu.VMEM((_ROWS * 128,), jnp.float32),
        pltpu.VMEM((_SLC,), jnp.float32),
        pltpu.VMEM_SHARED((_NB,), jnp.float32),
        pltpu.SemaphoreType.DMA,
        pltpu.SemaphoreType.DMA,
        pltpu.SemaphoreType.DMA,
        pltpu.SemaphoreType.DMA,
    ],
)(_sc_body)


def _tc_tail(p_ref, init_ref, out_ref):
    t = p_ref[0] + p_ref[1] + init_ref[...]
    cost = jnp.sum(jnp.maximum(t - _TGT, 0.0))
    mx = jnp.max(t) * _INV_VOL
    rr = lax.broadcasted_iota(jnp.int32, (8, 128), 0)
    cc = lax.broadcasted_iota(jnp.int32, (8, 128), 1)
    out_ref[...] = jnp.where((rr == 0) & (cc == 0), cost,
                             jnp.where((rr == 0) & (cc == 1), mx, 0.0))


def kernel(pos, node_size_x, node_size_y, node_size_z, initial_density_map):
    pad = _NP - _N
    x = jnp.concatenate([pos[:_N], jnp.full((pad,), 100.0, jnp.float32)])
    y = jnp.concatenate([pos[_N:2 * _N], jnp.full((pad,), 100.0, jnp.float32)])
    z = jnp.concatenate([pos[2 * _N:3 * _N], jnp.full((pad,), 10.0, jnp.float32)])
    sx = jnp.concatenate([node_size_x, jnp.zeros((pad,), jnp.float32)])
    sy = jnp.concatenate([node_size_y, jnp.ones((pad,), jnp.float32)])
    sz = jnp.concatenate([node_size_z, jnp.ones((pad,), jnp.float32)])
    rec = jnp.stack([a.reshape(_NW * _NBLK, _BLK) for a in (x, y, z, sx, sy, sz)],
                    axis=1).reshape(-1)

    parts = _sc_call(rec)

    out = pl.pallas_call(
        _tc_tail,
        out_shape=jax.ShapeDtypeStruct((8, 128), jnp.float32),
    )(parts.reshape(_NC, 1024, 128), initial_density_map.reshape(1024, 128))
    return out[0, :2]

# --- scband reference (transcript-rebuilt; emitter-appended) ---
"""Pipeline reference for scband-electric-overflow-26104811225785 (READ-ONLY COPY).

The authoritative reference and input builder live on the scoring server;
editing this copy changes nothing except your own understanding.
"""

import math
import jax, jax.numpy as jnp
import numpy as np

NUM_MOVABLE = 250000
NUM_FILLER = 50000
N = NUM_MOVABLE + NUM_FILLER
XL, XH = 0.0, 2048.0
YL, YH = 0.0, 2048.0
ZL, ZH = 0.0, 64.0
BSX, BSY, BSZ = 16.0, 16.0, 8.0
NBX, NBY, NBZ = 128, 128, 8
TARGET_DENSITY = 0.9
SQRT2 = math.sqrt(2.0)
K = 3  # max bins spanned per axis by a stretched cell (size <= sqrt2*bin)


def setup_inputs(seed: int = 0):
    key = jax.random.key(seed)
    k1, k2, k3, k4, k5, k6 = jax.random.split(key, 6)
    node_size_x = jax.random.uniform(k1, (N,), minval=1.0, maxval=4.0, dtype=jnp.float32)
    node_size_y = jax.random.uniform(k2, (N,), minval=1.0, maxval=4.0, dtype=jnp.float32)
    node_size_z = jax.random.uniform(k3, (N,), minval=0.5, maxval=2.0, dtype=jnp.float32)
    px = jax.random.uniform(k4, (N,), minval=XL + 12.0, maxval=XH - SQRT2 * BSX - 4.0, dtype=jnp.float32)
    py = jax.random.uniform(k5, (N,), minval=YL + 12.0, maxval=YH - SQRT2 * BSY - 4.0, dtype=jnp.float32)
    pz = jax.random.uniform(k6, (N,), minval=ZL + 6.0, maxval=ZH - SQRT2 * BSZ - 2.0, dtype=jnp.float32)
    pos = jnp.concatenate([px, py, pz]).astype(jnp.float32)
    initial_density_map = jnp.zeros((NBX, NBY, NBZ), dtype=jnp.float32)
    return {"pos": pos, "node_size_x": node_size_x, "node_size_y": node_size_y,
            "node_size_z": node_size_z, "initial_density_map": initial_density_map}


def _axis_overlap(lo, size_clamped, xl, bin_size, num_bins):
    hi = lo + size_clamped
    b0 = jnp.floor((lo - xl) / bin_size).astype(jnp.int32)
    offs = jnp.arange(K, dtype=jnp.int32)
    b = b0[:, None] + offs[None, :]
    bin_lo = xl + b.astype(jnp.float32) * bin_size
    bin_hi = bin_lo + bin_size
    ov = jnp.minimum(hi[:, None], bin_hi) - jnp.maximum(lo[:, None], bin_lo)
    ov = jnp.clip(ov, 0.0, None)
    valid = (b >= 0) & (b < num_bins)
    ov = jnp.where(valid, ov, 0.0)
    b = jnp.clip(b, 0, num_bins - 1)
    return b, ov


def reference(pos, node_size_x, node_size_y, node_size_z, initial_density_map):
    # reset(): stretched sizes, offsets, area ratio (faithful to ElectricOverflow.reset)
    nsx_c = jnp.clip(node_size_x, BSX * SQRT2, None)
    off_x = (node_size_x - nsx_c) * 0.5
    nsy_c = jnp.clip(node_size_y, BSY * SQRT2, None)
    off_y = (node_size_y - nsy_c) * 0.5
    nsz_c = jnp.clip(node_size_z, BSZ * SQRT2, None)
    off_z = (node_size_z - nsz_c) * 0.5
    ratio = (node_size_x * node_size_y * node_size_z) / (nsx_c * nsy_c * nsz_c)
    # density map: exact overlap of stretched boxes with bins, scaled by ratio
    x = pos[:N] + off_x
    y = pos[N:2 * N] + off_y
    z = pos[2 * N:3 * N] + off_z
    bx, ovx = _axis_overlap(x, nsx_c, XL, BSX, NBX)
    by, ovy = _axis_overlap(y, nsy_c, YL, BSY, NBY)
    bz, ovz = _axis_overlap(z, nsz_c, ZL, BSZ, NBZ)
    w = (ratio[:, None, None, None] * ovx[:, :, None, None]
         * ovy[:, None, :, None] * ovz[:, None, None, :])
    idx = ((bx[:, :, None, None] * NBY + by[:, None, :, None]) * NBZ
           + bz[:, None, None, :])
    dm = jnp.zeros((NBX * NBY * NBZ,), dtype=jnp.float32)
    dm = dm.at[idx.reshape(-1)].add(w.reshape(-1))
    dm = dm.reshape(NBX, NBY, NBZ) + initial_density_map
    # ElectricOverflow.forward tail: overflow cost + max density
    bin_vol = BSX * BSY * BSZ
    density_cost = jnp.clip(dm - TARGET_DENSITY * bin_vol, 0.0, None).sum()[None]
    max_density = dm.max()[None] / bin_vol
    return jnp.concatenate([density_cost, max_density])

if __name__ == "__main__":
    import jax
    _d = setup_inputs()
    print(jax.jit(kernel)(*tuple(_d.values())))

</pallas_src>

<mosaic_0001>
#map = affine_map<(d0, d1) -> (0)>
#map1 = affine_map<(d0, d1) -> (0, 0)>
module attributes {stable_mosaic.version = 14 : i64} {
  func.func @_sc_body(%arg0: i32, %arg1: i32, %arg2: memref<1867776xf32, #tpu.memory_space<hbm>>, %arg3: memref<2x131072xf32, #tpu.memory_space<hbm>>, %arg4: memref<3072xf32, #tpu.memory_space<vmem>>, %arg5: memref<3072xf32, #tpu.memory_space<vmem>>, %arg6: memref<13824xi32, #tpu.memory_space<vmem>>, %arg7: memref<13824xf32, #tpu.memory_space<vmem>>, %arg8: memref<13824xi32, #tpu.memory_space<vmem>>, %arg9: memref<13824xf32, #tpu.memory_space<vmem>>, %arg10: memref<8192xf32, #tpu.memory_space<vmem>>, %arg11: memref<131072xf32, #tpu.memory_space<vmem_shared>>, %arg12: memref<!tpu.dma_semaphore, #tpu.memory_space<semaphore_mem>>, %arg13: memref<!tpu.dma_semaphore, #tpu.memory_space<semaphore_mem>>, %arg14: memref<!tpu.dma_semaphore, #tpu.memory_space<semaphore_mem>>, %arg15: memref<!tpu.dma_semaphore, #tpu.memory_space<semaphore_mem>>) attributes {dimension_semantics = [#tpu.dimension_semantics<core_parallel>, #tpu.dimension_semantics<subcore_parallel>], iteration_bounds = array<i64: 2, 16>, scalar_prefetch = 0 : i64, scratch_operands = 12 : i64, tpu.core_type = #tpu.core_type<sc_vector_subcore>, window_params = [{transform_indices = #map}, {transform_indices = #map1}]} {
    %mul3A = arith.constant 2 : i32
    %mul3A_0 = arith.muli %arg1, %mul3A : i32
    %add3A = arith.addi %mul3A_0, %arg0 : i32
    %mul3A_1 = arith.constant 19 : i32
    %mul3A_2 = arith.muli %add3A, %mul3A_1 : i32
    %mul3A_3 = arith.constant 3072 : i32
    %mul3A_4 = arith.muli %mul3A_2, %mul3A_3 : i32
    %dma_start3A = tpu.memref_slice %arg2[%mul3A_4] : memref<1867776xf32, #tpu.memory_space<hbm>> -> memref<3072xf32, #tpu.memory_space<hbm>>
    %dma_start3A_5 = tpu.memref_slice %arg2[%mul3A_4] : memref<1867776xf32, #tpu.memory_space<hbm>> -> memref<3072xf32, #tpu.memory_space<hbm>>
    tpu.enqueue_dma source(%dma_start3A_5 : memref<3072xf32, #tpu.memory_space<hbm>>) target(%arg4 : memref<3072xf32, #tpu.memory_space<vmem>>) target_semaphore(%arg14 : memref<!tpu.dma_semaphore, #tpu.memory_space<semaphore_mem>>)
    %add3A_6 = arith.constant 1 : i32
    %add3A_7 = arith.addi %mul3A_2, %add3A_6 : i32
    %mul3A_8 = arith.constant 3072 : i32
    %mul3A_9 = arith.muli %add3A_7, %mul3A_8 : i32
    %dma_start3A_10 = tpu.memref_slice %arg2[%mul3A_9] : memref<1867776xf32, #tpu.memory_space<hbm>> -> memref<3072xf32, #tpu.memory_space<hbm>>
    %dma_start3A_11 = tpu.memref_slice %arg2[%mul3A_9] : memref<1867776xf32, #tpu.memory_space<hbm>> -> memref<3072xf32, #tpu.memory_space<hbm>>
    tpu.enqueue_dma source(%dma_start3A_11 : memref<3072xf32, #tpu.memory_space<hbm>>) target(%arg5 : memref<3072xf32, #tpu.memory_space<vmem>>) target_semaphore(%arg15 : memref<!tpu.dma_semaphore, #tpu.memory_space<semaphore_mem>>)
    %broadcast_in_dim3A = arith.constant 0.000000e+00 : f32
    %broadcast_in_dim3A_12 = vector.broadcast %broadcast_in_dim3A : f32 to vector<16xf32>
    %scan3A = arith.constant 0 : i32
    %scan3A_13 = arith.constant 0 : i32
    %scan3A_14 = arith.constant 512 : i32
    %scan3A_15 = arith.addi %scan3A_13, %scan3A_14 : i32
    %scan3A_16 = arith.constant 1 : i32
    scf.for %scan3A_73 = %scan3A_13 to %scan3A_15 step %scan3A_16  : i32 {
      %mul3A_74 = arith.constant 16 : i32
      %mul3A_75 = arith.muli %scan3A_73, %mul3A_74 : i32
      %swap3A = arith.index_cast %mul3A_75 : i32 to index
      %swap3A_76 = tpu.vector_load %arg10[%swap3A] {strides = array<i32>} : memref<8192xf32, #tpu.memory_space<vmem>>, vector<16xf32>,
      %swap3A_77 = vector.shape_cast %swap3A_76 : vector<16xf32> to vector<16xf32>
      %swap3A_78 = vector.shape_cast %broadcast_in_dim3A_12 : vector<16xf32> to vector<16xf32>
      tpu.vector_store %arg10[%swap3A], %swap3A_78 {strides = array<i32>} : memref<8192xf32, #tpu.memory_space<vmem>>, vector<16xf32>,
    }
    %scan3A_17 = arith.constant 512 : i32
    %mul3A_18 = arith.constant 8192 : i32
    %mul3A_19 = arith.muli %arg1, %mul3A_18 : i32
    "tpu.region"() ({
      %run_scoped3A = tpu.sem_alloc : memref<!tpu.dma_semaphore, #tpu.memory_space<semaphore_mem>>
      %dma_start3A_73 = tpu.memref_slice %arg11[%mul3A_19] : memref<131072xf32, #tpu.memory_space<vmem_shared>> -> memref<8192xf32, #tpu.memory_space<vmem_shared>>
      %dma_start3A_74 = tpu.memref_slice %arg11[%mul3A_19] : memref<131072xf32, #tpu.memory_space<vmem_shared>> -> memref<8192xf32, #tpu.memory_space<vmem_shared>>
      tpu.enqueue_dma source(%arg10 : memref<8192xf32, #tpu.memory_space<vmem>>) target(%dma_start3A_74 : memref<8192xf32, #tpu.memory_space<vmem_shared>>) target_semaphore(%run_scoped3A : memref<!tpu.dma_semaphore, #tpu.memory_space<semaphore_mem>>)
      %dma_wait3A_75 = tpu.memref_slice %arg11[%mul3A_19] : memref<131072xf32, #tpu.memory_space<vmem_shared>> -> memref<8192xf32, #tpu.memory_space<vmem_shared>>
      %dma_wait3A_76 = tpu.memref_slice %arg11[%mul3A_19] : memref<131072xf32, #tpu.memory_space<vmem_shared>> -> memref<8192xf32, #tpu.memory_space<vmem_shared>>
      tpu.wait_dma2 semaphore(%run_scoped3A : memref<!tpu.dma_semaphore, #tpu.memory_space<semaphore_mem>>) src(%arg10 : memref<8192xf32, #tpu.memory_space<vmem>>) dst(%dma_wait3A_76 : memref<8192xf32, #tpu.memory_space<vmem_shared>>)
      tpu.yield
    }) : () -> ()
    %barrier3A = arith.constant 0 : index
    tpu.barrier barrier_id(%barrier3A)
    %scan3A_20 = arith.constant 0 : i32
    %scan3A_21 = arith.constant 0 : i32
    %scan3A_22 = arith.constant 0 : i32
    %scan3A_23 = arith.constant 9 : i32
    %scan3A_24 = arith.addi %scan3A_22, %scan3A_23 : i32
    %scan3A_25 = arith.constant 1 : i32
    %scan3A_26:2 = scf.for %scan3A_73 = %scan3A_22 to %scan3A_24 step %scan3A_25 iter_args(%scan3A_74 = %scan3A_20, %scan3A_75 = %scan3A_21) -> (i32, i32)  : i32 {
      %mul3A_76 = arith.constant 2 : i32
      %mul3A_77 = arith.muli %scan3A_73, %mul3A_76 : i32
      %dma_wait3A_78 = arith.constant 0 : i32
      %dma_wait3A_79 = tpu.memref_slice %arg2[%dma_wait3A_78] : memref<1867776xf32, #tpu.memory_space<hbm>> -> memref<3072xf32, #tpu.memory_space<hbm>>
      %dma_wait3A_80 = arith.constant 0 : i32
      %dma_wait3A_81 = tpu.memref_slice %arg2[%dma_wait3A_80] : memref<1867776xf32, #tpu.memory_space<hbm>> -> memref<3072xf32, #tpu.memory_space<hbm>>
      tpu.wait_dma2 semaphore(%arg14 : memref<!tpu.dma_semaphore, #tpu.memory_space<semaphore_mem>>) src(%dma_wait3A_81 : memref<3072xf32, #tpu.memory_space<hbm>>) dst(%arg4 : memref<3072xf32, #tpu.memory_space<vmem>>)
      %while3A_82 = arith.constant 0 : i32
      %while3A_83 = arith.constant 0 : i32
      %while3A_84 = arith.subi %scan3A_74, %while3A_83 : i32
      %while3A_85 = arith.addi %while3A_83, %while3A_84 : i32
      %while3A_86 = arith.constant 1 : i32
      %while3A_87 = arith.divsi %while3A_84, %while3A_86 : i32
      %while3A_88 = arith.muli %while3A_87, %while3A_86 : i32
      %while3A_89 = arith.addi %while3A_83, %while3A_88 : i32
      %while3A_90 = arith.constant 1 : i32
      scf.for %while3A_147 = %while3A_83 to %while3A_89 step %while3A_90  : i32 {
        %mul3A_148 = arith.constant 128 : i32
        %mul3A_149 = arith.muli %while3A_147, %mul3A_148 : i32
        %mul3A_150 = arith.constant 128 : i32
        %mul3A_151 = arith.muli %while3A_147, %mul3A_150 : i32
        %dma_wait3A_152 = tpu.memref_slice %arg7[%mul3A_149] : memref<13824xf32, #tpu.memory_space<vmem>> -> memref<128xf32, #tpu.memory_space<vmem>>
        %dma_wait3A_153 = tpu.memref_slice %arg6[%mul3A_151] : memref<13824xi32, #tpu.memory_space<vmem>> -> memref<128xi32, #tpu.memory_space<vmem>>
        %dma_wait3A_154 = arith.constant 0 : i32
        %dma_wait3A_155 = tpu.memref_slice %arg11[%dma_wait3A_154] : memref<131072xf32, #tpu.memory_space<vmem_shared>> -> memref<131072xf32, #tpu.memory_space<vmem_shared>>
        tpu.wait_indirect_dma semaphore(%arg12 : memref<!tpu.dma_semaphore, #tpu.memory_space<semaphore_mem>>) src(%dma_wait3A_152 : memref<128xf32, #tpu.memory_space<vmem>>) dst(%dma_wait3A_155 : memref<131072xf32, #tpu.memory_space<vmem_shared>>)
      }
      %while3A_91 = arith.constant 1 : i32
      scf.for %while3A_147 = %while3A_89 to %while3A_85 step %while3A_91  : i32 {
        %mul3A_148 = arith.constant 128 : i32
        %mul3A_149 = arith.muli %while3A_147, %mul3A_148 : i32
        %mul3A_150 = arith.constant 128 : i32
        %mul3A_151 = arith.muli %while3A_147, %mul3A_150 : i32
        %dma_wait3A_152 = tpu.memref_slice %arg7[%mul3A_149] : memref<13824xf32, #tpu.memory_space<vmem>> -> memref<128xf32, #tpu.memory_space<vmem>>
        %dma_wait3A_153 = tpu.memref_slice %arg6[%mul3A_151] : memref<13824xi32, #tpu.memory_space<vmem>> -> memref<128xi32, #tpu.memory_space<vmem>>
        %dma_wait3A_154 = arith.constant 0 : i32
        %dma_wait3A_155 = tpu.memref_slice %arg11[%dma_wait3A_154] : memref<131072xf32, #tpu.memory_space<vmem_shared>> -> memref<131072xf32, #tpu.memory_space<vmem_shared>>
        tpu.wait_indirect_dma semaphore(%arg12 : memref<!tpu.dma_semaphore, #tpu.memory_space<semaphore_mem>>) src(%dma_wait3A_152 : memref<128xf32, #tpu.memory_space<vmem>>) dst(%dma_wait3A_155 : memref<131072xf32, #tpu.memory_space<vmem_shared>>)
      }
      %scan3A_92 = arith.constant 0 : i32
      %scan3A_93 = arith.constant 0 : i32
      %scan3A_94 = arith.constant 32 : i32
      %scan3A_95 = arith.addi %scan3A_93, %scan3A_94 : i32
      %scan3A_96 = arith.constant 1 : i32
      scf.for %scan3A_147 = %scan3A_93 to %scan3A_95 step %scan3A_96  : i32 {
        %mul3A_148 = arith.constant 16 : i32
        %mul3A_149 = arith.muli %scan3A_147, %mul3A_148 : i32
        %add3A_150 = arith.constant 1536 : i32
        %add3A_151 = arith.addi %add3A_150, %mul3A_149 : i32
        %get3A = arith.index_cast %add3A_151 : i32 to index
        %get3A_152 = tpu.vector_load %arg4[%get3A] {strides = array<i32>} : memref<3072xf32, #tpu.memory_space<vmem>>, vector<16xf32>,
        %get3A_153 = vector.shape_cast %get3A_152 : vector<16xf32> to vector<16xf32>
        %add3A_154 = arith.constant 2048 : i32
        %add3A_155 = arith.addi %add3A_154, %mul3A_149 : i32
        %get3A_156 = arith.index_cast %add3A_155 : i32 to index
        %get3A_157 = tpu.vector_load %arg4[%get3A_156] {strides = array<i32>} : memref<3072xf32, #tpu.memory_space<vmem>>, vector<16xf32>,
        %get3A_158 = vector.shape_cast %get3A_157 : vector<16xf32> to vector<16xf32>
        %add3A_159 = arith.constant 2560 : i32
        %add3A_160 = arith.addi %add3A_159, %mul3A_149 : i32
        %get3A_161 = arith.index_cast %add3A_160 : i32 to index
        %get3A_162 = tpu.vector_load %arg4[%get3A_161] {strides = array<i32>} : memref<3072xf32, #tpu.memory_space<vmem>>, vector<16xf32>,
        %get3A_163 = vector.shape_cast %get3A_162 : vector<16xf32> to vector<16xf32>
        %max3A = arith.constant 22.6274166 : f32
        %max3A_164 = vector.broadcast %max3A : f32 to vector<16xf32>
        %max3A_165 = arith.maximumf %get3A_153, %max3A_164 : vector<16xf32>
        %max3A_166 = arith.constant 22.6274166 : f32
        %max3A_167 = vector.broadcast %max3A_166 : f32 to vector<16xf32>
        %max3A_168 = arith.maximumf %get3A_158, %max3A_167 : vector<16xf32>
        %max3A_169 = arith.constant 11.3137083 : f32
        %max3A_170 = vector.broadcast %max3A_169 : f32 to vector<16xf32>
        %max3A_171 = arith.maximumf %get3A_163, %max3A_170 : vector<16xf32>
        %get3A_172 = arith.index_cast %mul3A_149 : i32 to index
        %get3A_173 = tpu.vector_load %arg4[%get3A_172] {strides = array<i32>} : memref<3072xf32, #tpu.memory_space<vmem>>, vector<16xf32>,
        %get3A_174 = vector.shape_cast %get3A_173 : vector<16xf32> to vector<16xf32>
        %sub3A = arith.subf %get3A_153, %max3A_165 : vector<16xf32>
        %mul3A_175 = arith.constant 5.000000e-01 : f32
        %mul3A_176 = vector.broadcast %mul3A_175 : f32 to vector<16xf32>
        %mul3A_177 = arith.mulf %sub3A, %mul3A_176 : vector<16xf32>
        %add3A_178 = arith.addf %get3A_174, %mul3A_177 : vector<16xf32>
        %add3A_179 = arith.constant 512 : i32
        %add3A_180 = arith.addi %add3A_179, %mul3A_149 : i32
        %get3A_181 = arith.index_cast %add3A_180 : i32 to index
        %get3A_182 = tpu.vector_load %arg4[%get3A_181] {strides = array<i32>} : memref<3072xf32, #tpu.memory_space<vmem>>, vector<16xf32>,
        %get3A_183 = vector.shape_cast %get3A_182 : vector<16xf32> to vector<16xf32>
        %sub3A_184 = arith.subf %get3A_158, %max3A_168 : vector<16xf32>
        %mul3A_185 = arith.constant 5.000000e-01 : f32
        %mul3A_186 = vector.broadcast %mul3A_185 : f32 to vector<16xf32>
        %mul3A_187 = arith.mulf %sub3A_184, %mul3A_186 : vector<16xf32>
        %add3A_188 = arith.addf %get3A_183, %mul3A_187 : vector<16xf32>
        %add3A_189 = arith.constant 1024 : i32
        %add3A_190 = arith.addi %add3A_189, %mul3A_149 : i32
        %get3A_191 = arith.index_cast %add3A_190 : i32 to index
        %get3A_192 = tpu.vector_load %arg4[%get3A_191] {strides = array<i32>} : memref<3072xf32, #tpu.memory_space<vmem>>, vector<16xf32>,
        %get3A_193 = vector.shape_cast %get3A_192 : vector<16xf32> to vector<16xf32>
        %sub3A_194 = arith.subf %get3A_163, %max3A_171 : vector<16xf32>
        %mul3A_195 = arith.constant 5.000000e-01 : f32
        %mul3A_196 = vector.broadcast %mul3A_195 : f32 to vector<16xf32>
        %mul3A_197 = arith.mulf %sub3A_194, %mul3A_196 : vector<16xf32>
        %add3A_198 = arith.addf %get3A_193, %mul3A_197 : vector<16xf32>
        %mul3A_199 = arith.mulf %get3A_153, %get3A_158 : vector<16xf32>
        %mul3A_200 = arith.mulf %mul3A_199, %get3A_163 : vector<16xf32>
        %mul3A_201 = arith.mulf %max3A_165, %max3A_168 : vector<16xf32>
        %mul3A_202 = arith.mulf %mul3A_201, %max3A_171 : vector<16xf32>
        %div3A = arith.divf %mul3A_200, %mul3A_202 : vector<16xf32>
        %mul3A_203 = arith.constant 6.250000e-02 : f32
        %mul3A_204 = vector.broadcast %mul3A_203 : f32 to vector<16xf32>
        %mul3A_205 = arith.mulf %add3A_178, %mul3A_204 : vector<16xf32>
        %convert_element_type3A_206 = arith.fptosi %mul3A_205 : vector<16xf32> to vector<16xi32>
        %mul3A_207 = arith.constant 6.250000e-02 : f32
        %mul3A_208 = vector.broadcast %mul3A_207 : f32 to vector<16xf32>
        %mul3A_209 = arith.mulf %add3A_188, %mul3A_208 : vector<16xf32>
        %convert_element_type3A_210 = arith.fptosi %mul3A_209 : vector<16xf32> to vector<16xi32>
        %mul3A_211 = arith.constant 1.250000e-01 : f32
        %mul3A_212 = vector.broadcast %mul3A_211 : f32 to vector<16xf32>
        %mul3A_213 = arith.mulf %add3A_198, %mul3A_212 : vector<16xf32>
        %convert_element_type3A_214 = arith.fptosi %mul3A_213 : vector<16xf32> to vector<16xi32>
        %convert_element_type3A_215 = arith.sitofp %convert_element_type3A_206 : vector<16xi32> to vector<16xf32>
        %mul3A_216 = arith.constant 1.600000e+01 : f32
        %mul3A_217 = vector.broadcast %mul3A_216 : f32 to vector<16xf32>
        %mul3A_218 = arith.mulf %convert_element_type3A_215, %mul3A_217 : vector<16xf32>
        %sub3A_219 = arith.subf %add3A_178, %mul3A_218 : vector<16xf32>
        %convert_element_type3A_220 = arith.sitofp %convert_element_type3A_210 : vector<16xi32> to vector<16xf32>
        %mul3A_221 = arith.constant 1.600000e+01 : f32
        %mul3A_222 = vector.broadcast %mul3A_221 : f32 to vector<16xf32>
        %mul3A_223 = arith.mulf %convert_element_type3A_220, %mul3A_222 : vector<16xf32>
        %sub3A_224 = arith.subf %add3A_188, %mul3A_223 : vector<16xf32>
        %convert_element_type3A_225 = arith.sitofp %convert_element_type3A_214 : vector<16xi32> to vector<16xf32>
        %mul3A_226 = arith.constant 8.000000e+00 : f32
        %mul3A_227 = vector.broadcast %mul3A_226 : f32 to vector<16xf32>
        %mul3A_228 = arith.mulf %convert_element_type3A_225, %mul3A_227 : vector<16xf32>
        %sub3A_229 = arith.subf %add3A_198, %mul3A_228 : vector<16xf32>
        %sub3A_230 = arith.constant 1.600000e+01 : f32
        %sub3A_231 = vector.broadcast %sub3A_230 : f32 to vector<16xf32>
        %sub3A_232 = arith.subf %sub3A_231, %sub3A_219 : vector<16xf32>
        %add3A_233 = arith.addf %sub3A_219, %max3A_165 : vector<16xf32>
        %sub3A_234 = arith.constant 1.600000e+01 : f32
        %sub3A_235 = vector.broadcast %sub3A_234 : f32 to vector<16xf32>
        %sub3A_236 = arith.subf %add3A_233, %sub3A_235 : vector<16xf32>
        %jit3A = arith.constant 0.000000e+00 : f32
        %jit3A_237 = arith.constant 1.600000e+01 : f32
        %max3A_238 = vector.broadcast %jit3A : f32 to vector<16xf32>
        %max3A_239 = arith.maximumf %max3A_238, %sub3A_236 : vector<16xf32>
        %min3A = vector.broadcast %jit3A_237 : f32 to vector<16xf32>
        %min3A_240 = arith.minimumf %min3A, %max3A_239 : vector<16xf32>
        %add3A_241 = arith.addf %sub3A_219, %max3A_165 : vector<16xf32>
        %sub3A_242 = arith.constant 3.200000e+01 : f32
        %sub3A_243 = vector.broadcast %sub3A_242 : f32 to vector<16xf32>
        %sub3A_244 = arith.subf %add3A_241, %sub3A_243 : vector<16xf32>
        %jit3A_245 = arith.constant 0.000000e+00 : f32
        %jit3A_246 = arith.constant 1.600000e+01 : f32
        %max3A_247 = vector.broadcast %jit3A_245 : f32 to vector<16xf32>
        %max3A_248 = arith.maximumf %max3A_247, %sub3A_244 : vector<16xf32>
        %min3A_249 = vector.broadcast %jit3A_246 : f32 to vector<16xf32>
        %min3A_250 = arith.minimumf %min3A_249, %max3A_248 : vector<16xf32>
        %sub3A_251 = arith.constant 1.600000e+01 : f32
        %sub3A_252 = vector.broadcast %sub3A_251 : f32 to vector<16xf32>
        %sub3A_253 = arith.subf %sub3A_252, %sub3A_224 : vector<16xf32>
        %add3A_254 = arith.addf %sub3A_224, %max3A_168 : vector<16xf32>
        %sub3A_255 = arith.constant 1.600000e+01 : f32
        %sub3A_256 = vector.broadcast %sub3A_255 : f32 to vector<16xf32>
        %sub3A_257 = arith.subf %add3A_254, %sub3A_256 : vector<16xf32>
        %jit3A_258 = arith.constant 0.000000e+00 : f32
        %jit3A_259 = arith.constant 1.600000e+01 : f32
        %max3A_260 = vector.broadcast %jit3A_258 : f32 to vector<16xf32>
        %max3A_261 = arith.maximumf %max3A_260, %sub3A_257 : vector<16xf32>
        %min3A_262 = vector.broadcast %jit3A_259 : f32 to vector<16xf32>
        %min3A_263 = arith.minimumf %min3A_262, %max3A_261 : vector<16xf32>
        %add3A_264 = arith.addf %sub3A_224, %max3A_168 : vector<16xf32>
        %sub3A_265 = arith.constant 3.200000e+01 : f32
        %sub3A_266 = vector.broadcast %sub3A_265 : f32 to vector<16xf32>
        %sub3A_267 = arith.subf %add3A_264, %sub3A_266 : vector<16xf32>
        %jit3A_268 = arith.constant 0.000000e+00 : f32
        %jit3A_269 = arith.constant 1.600000e+01 : f32
        %max3A_270 = vector.broadcast %jit3A_268 : f32 to vector<16xf32>
        %max3A_271 = arith.maximumf %max3A_270, %sub3A_267 : vector<16xf32>
        %min3A_272 = vector.broadcast %jit3A_269 : f32 to vector<16xf32>
        %min3A_273 = arith.minimumf %min3A_272, %max3A_271 : vector<16xf32>
        %sub3A_274 = arith.constant 8.000000e+00 : f32
        %sub3A_275 = vector.broadcast %sub3A_274 : f32 to vector<16xf32>
        %sub3A_276 = arith.subf %sub3A_275, %sub3A_229 : vector<16xf32>
        %add3A_277 = arith.addf %sub3A_229, %max3A_171 : vector<16xf32>
        %sub3A_278 = arith.constant 8.000000e+00 : f32
        %sub3A_279 = vector.broadcast %sub3A_278 : f32 to vector<16xf32>
        %sub3A_280 = arith.subf %add3A_277, %sub3A_279 : vector<16xf32>
        %jit3A_281 = arith.constant 0.000000e+00 : f32
        %jit3A_282 = arith.constant 8.000000e+00 : f32
        %max3A_283 = vector.broadcast %jit3A_281 : f32 to vector<16xf32>
        %max3A_284 = arith.maximumf %max3A_283, %sub3A_280 : vector<16xf32>
        %min3A_285 = vector.broadcast %jit3A_282 : f32 to vector<16xf32>
        %min3A_286 = arith.minimumf %min3A_285, %max3A_284 : vector<16xf32>
        %add3A_287 = arith.addf %sub3A_229, %max3A_171 : vector<16xf32>
        %sub3A_288 = arith.constant 1.600000e+01 : f32
        %sub3A_289 = vector.broadcast %sub3A_288 : f32 to vector<16xf32>
        %sub3A_290 = arith.subf %add3A_287, %sub3A_289 : vector<16xf32>
        %jit3A_291 = arith.constant 0.000000e+00 : f32
        %jit3A_292 = arith.constant 8.000000e+00 : f32
        %max3A_293 = vector.broadcast %jit3A_291 : f32 to vector<16xf32>
        %max3A_294 = arith.maximumf %max3A_293, %sub3A_290 : vector<16xf32>
        %min3A_295 = vector.broadcast %jit3A_292 : f32 to vector<16xf32>
        %min3A_296 = arith.minimumf %min3A_295, %max3A_294 : vector<16xf32>
        %mul3A_297 = arith.constant 128 : i32
        %mul3A_298 = vector.broadcast %mul3A_297 : i32 to vector<16xi32>
        %mul3A_299 = arith.muli %convert_element_type3A_206, %mul3A_298 : vector<16xi32>
        %add3A_300 = arith.addi %mul3A_299, %convert_element_type3A_210 : vector<16xi32>
        %mul3A_301 = arith.constant 8 : i32
        %mul3A_302 = vector.broadcast %mul3A_301 : i32 to vector<16xi32>
        %mul3A_303 = arith.muli %add3A_300, %mul3A_302 : vector<16xi32>
        %add3A_304 = arith.addi %mul3A_303, %convert_element_type3A_214 : vector<16xi32>
        %mul3A_305 = arith.constant 16 : i32
        %mul3A_306 = arith.muli %scan3A_147, %mul3A_305 : i32
        %mul3A_307 = arith.mulf %div3A, %sub3A_232 : vector<16xf32>
        %mul3A_308 = arith.mulf %mul3A_307, %sub3A_253 : vector<16xf32>
        %add3A_309 = arith.constant 0 : i32
        %add3A_310 = vector.broadcast %add3A_309 : i32 to vector<16xi32>
        %add3A_311 = arith.addi %add3A_304, %add3A_310 : vector<16xi32>
        %add3A_312 = arith.constant 0 : i32
        %add3A_313 = vector.broadcast %add3A_312 : i32 to vector<16xi32>
        %add3A_314 = arith.addi %add3A_311, %add3A_313 : vector<16xi32>
        %add3A_315 = arith.constant 0 : i32
        %add3A_316 = arith.addi %add3A_315, %mul3A_306 : i32
        %swap3A = arith.index_cast %add3A_316 : i32 to index
        %swap3A_317 = tpu.vector_load %arg6[%swap3A] {strides = array<i32>} : memref<13824xi32, #tpu.memory_space<vmem>>, vector<16xi32>,
        %swap3A_318 = vector.shape_cast %swap3A_317 : vector<16xi32> to vector<16xi32>
        %swap3A_319 = vector.shape_cast %add3A_314 : vector<16xi32> to vector<16xi32>
        tpu.vector_store %arg6[%swap3A], %swap3A_319 {strides = array<i32>} : memref<13824xi32, #tpu.memory_space<vmem>>, vector<16xi32>,
        %mul3A_320 = arith.mulf %mul3A_308, %sub3A_276 : vector<16xf32>
        %add3A_321 = arith.constant 0 : i32
        %add3A_322 = arith.addi %add3A_321, %mul3A_306 : i32
        %swap3A_323 = arith.index_cast %add3A_322 : i32 to index
        %swap3A_324 = tpu.vector_load %arg7[%swap3A_323] {strides = array<i32>} : memref<13824xf32, #tpu.memory_space<vmem>>, vector<16xf32>,
        %swap3A_325 = vector.shape_cast %swap3A_324 : vector<16xf32> to vector<16xf32>
        %swap3A_326 = vector.shape_cast %mul3A_320 : vector<16xf32> to vector<16xf32>
        tpu.vector_store %arg7[%swap3A_323], %swap3A_326 {strides = array<i32>} : memref<13824xf32, #tpu.memory_space<vmem>>, vector<16xf32>,
        %add3A_327 = arith.constant 1 : i32
        %add3A_328 = vector.broadcast %add3A_327 : i32 to vector<16xi32>
        %add3A_329 = arith.addi %add3A_311, %add3A_328 : vector<16xi32>
        %add3A_330 = arith.constant 512 : i32
        %add3A_331 = arith.addi %add3A_330, %mul3A_306 : i32
        %swap3A_332 = arith.index_cast %add3A_331 : i32 to index
        %swap3A_333 = tpu.vector_load %arg6[%swap3A_332] {strides = array<i32>} : memref<13824xi32, #tpu.memory_space<vmem>>, vector<16xi32>,
        %swap3A_334 = vector.shape_cast %swap3A_333 : vector<16xi32> to vector<16xi32>
        %swap3A_335 = vector.shape_cast %add3A_329 : vector<16xi32> to vector<16xi32>
        tpu.vector_store %arg6[%swap3A_332], %swap3A_335 {strides = array<i32>} : memref<13824xi32, #tpu.memory_space<vmem>>, vector<16xi32>,
        %mul3A_336 = arith.mulf %mul3A_308, %min3A_286 : vector<16xf32>
        %add3A_337 = arith.constant 512 : i32
        %add3A_338 = arith.addi %add3A_337, %mul3A_306 : i32
        %swap3A_339 = arith.index_cast %add3A_338 : i32 to index
        %swap3A_340 = tpu.vector_load %arg7[%swap3A_339] {strides = array<i32>} : memref<13824xf32, #tpu.memory_space<vmem>>, vector<16xf32>,
        %swap3A_341 = vector.shape_cast %swap3A_340 : vector<16xf32> to vector<16xf32>
        %swap3A_342 = vector.shape_cast %mul3A_336 : vector<16xf32> to vector<16xf32>
        tpu.vector_store %arg7[%swap3A_339], %swap3A_342 {strides = array<i32>} : memref<13824xf32, #tpu.memory_space<vmem>>, vector<16xf32>,
        %add3A_343 = arith.constant 2 : i32
        %add3A_344 = vector.broadcast %add3A_343 : i32 to vector<16xi32>
        %add3A_345 = arith.addi %add3A_311, %add3A_344 : vector<16xi32>
        %add3A_346 = arith.constant 1024 : i32
        %add3A_347 = arith.addi %add3A_346, %mul3A_306 : i32
        %swap3A_348 = arith.index_cast %add3A_347 : i32 to index
        %swap3A_349 = tpu.vector_load %arg6[%swap3A_348] {strides = array<i32>} : memref<13824xi32, #tpu.memory_space<vmem>>, vector<16xi32>,
        %swap3A_350 = vector.shape_cast %swap3A_349 : vector<16xi32> to vector<16xi32>
        %swap3A_351 = vector.shape_cast %add3A_345 : vector<16xi32> to vector<16xi32>
        tpu.vector_store %arg6[%swap3A_348], %swap3A_351 {strides = array<i32>} : memref<13824xi32, #tpu.memory_space<vmem>>, vector<16xi32>,
        %mul3A_352 = arith.mulf %mul3A_308, %min3A_296 : vector<16xf32>
        %add3A_353 = arith.constant 1024 : i32
        %add3A_354 = arith.addi %add3A_353, %mul3A_306 : i32
        %swap3A_355 = arith.index_cast %add3A_354 : i32 to index
        %swap3A_356 = tpu.vector_load %arg7[%swap3A_355] {strides = array<i32>} : memref<13824xf32, #tpu.memory_space<vmem>>, vector<16xf32>,
        %swap3A_357 = vector.shape_cast %swap3A_356 : vector<16xf32> to vector<16xf32>
        %swap3A_358 = vector.shape_cast %mul3A_352 : vector<16xf32> to vector<16xf32>
        tpu.vector_store %arg7[%swap3A_355], %swap3A_358 {strides = array<i32>} : memref<13824xf32, #tpu.memory_space<vmem>>, vector<16xf32>,
        %mul3A_359 = arith.mulf %mul3A_307, %min3A_263 : vector<16xf32>
        %add3A_360 = arith.constant 8 : i32
        %add3A_361 = vector.broadcast %add3A_360 : i32 to vector<16xi32>
        %add3A_362 = arith.addi %add3A_304, %add3A_361 : vector<16xi32>
        %add3A_363 = arith.constant 0 : i32
        %add3A_364 = vector.broadcast %add3A_363 : i32 to vector<16xi32>
        %add3A_365 = arith.addi %add3A_362, %add3A_364 : vector<16xi32>
        %add3A_366 = arith.constant 1536 : i32
        %add3A_367 = arith.addi %add3A_366, %mul3A_306 : i32
        %swap3A_368 = arith.index_cast %add3A_367 : i32 to index
        %swap3A_369 = tpu.vector_load %arg6[%swap3A_368] {strides = array<i32>} : memref<13824xi32, #tpu.memory_space<vmem>>, vector<16xi32>,
        %swap3A_370 = vector.shape_cast %swap3A_369 : vector<16xi32> to vector<16xi32>
        %swap3A_371 = vector.shape_cast %add3A_365 : vector<16xi32> to vector<16xi32>
        tpu.vector_store %arg6[%swap3A_368], %swap3A_371 {strides = array<i32>} : memref<13824xi32, #tpu.memory_space<vmem>>, vector<16xi32>,
        %mul3A_372 = arith.mulf %mul3A_359, %sub3A_276 : vector<16xf32>
        %add3A_373 = arith.constant 1536 : i32
        %add3A_374 = arith.addi %add3A_373, %mul3A_306 : i32
        %swap3A_375 = arith.index_cast %add3A_374 : i32 to index
        %swap3A_376 = tpu.vector_load %arg7[%swap3A_375] {strides = array<i32>} : memref<13824xf32, #tpu.memory_space<vmem>>, vector<16xf32>,
        %swap3A_377 = vector.shape_cast %swap3A_376 : vector<16xf32> to vector<16xf32>
        %swap3A_378 = vector.shape_cast %mul3A_372 : vector<16xf32> to vector<16xf32>
        tpu.vector_store %arg7[%swap3A_375], %swap3A_378 {strides = array<i32>} : memref<13824xf32, #tpu.memory_space<vmem>>, vector<16xf32>,
        %add3A_379 = arith.constant 1 : i32
        %add3A_380 = vector.broadcast %add3A_379 : i32 to vector<16xi32>
        %add3A_381 = arith.addi %add3A_362, %add3A_380 : vector<16xi32>
        %add3A_382 = arith.constant 2048 : i32
        %add3A_383 = arith.addi %add3A_382, %mul3A_306 : i32
        %swap3A_384 = arith.index_cast %add3A_383 : i32 to index
        %swap3A_385 = tpu.vector_load %arg6[%swap3A_384] {strides = array<i32>} : memref<13824xi32, #tpu.memory_space<vmem>>, vector<16xi32>,
        %swap3A_386 = vector.shape_cast %swap3A_385 : vector<16xi32> to vector<16xi32>
        %swap3A_387 = vector.shape_cast %add3A_381 : vector<16xi32> to vector<16xi32>
        tpu.vector_store %arg6[%swap3A_384], %swap3A_387 {strides = array<i32>} : memref<13824xi32, #tpu.memory_space<vmem>>, vector<16xi32>,
        %mul3A_388 = arith.mulf %mul3A_359, %min3A_286 : vector<16xf32>
        %add3A_389 = arith.constant 2048 : i32
        %add3A_390 = arith.addi %add3A_389, %mul3A_306 : i32
        %swap3A_391 = arith.index_cast %add3A_390 : i32 to index
        %swap3A_392 = tpu.vector_load %arg7[%swap3A_391] {strides = array<i32>} : memref<13824xf32, #tpu.memory_space<vmem>>, vector<16xf32>,
        %swap3A_393 = vector.shape_cast %swap3A_392 : vector<16xf32> to vector<16xf32>
        %swap3A_394 = vector.shape_cast %mul3A_388 : vector<16xf32> to vector<16xf32>
        tpu.vector_store %arg7[%swap3A_391], %swap3A_394 {strides = array<i32>} : memref<13824xf32, #tpu.memory_space<vmem>>, vector<16xf32>,
        %add3A_395 = arith.constant 2 : i32
        %add3A_396 = vector.broadcast %add3A_395 : i32 to vector<16xi32>
        %add3A_397 = arith.addi %add3A_362, %add3A_396 : vector<16xi32>
        %add3A_398 = arith.constant 2560 : i32
        %add3A_399 = arith.addi %add3A_398, %mul3A_306 : i32
        %swap3A_400 = arith.index_cast %add3A_399 : i32 to index
        %swap3A_401 = tpu.vector_load %arg6[%swap3A_400] {strides = array<i32>} : memref<13824xi32, #tpu.memory_space<vmem>>, vector<16xi32>,
        %swap3A_402 = vector.shape_cast %swap3A_401 : vector<16xi32> to vector<16xi32>
        %swap3A_403 = vector.shape_cast %add3A_397 : vector<16xi32> to vector<16xi32>
        tpu.vector_store %arg6[%swap3A_400], %swap3A_403 {strides = array<i32>} : memref<13824xi32, #tpu.memory_space<vmem>>, vector<16xi32>,
        %mul3A_404 = arith.mulf %mul3A_359, %min3A_296 : vector<16xf32>
        %add3A_405 = arith.constant 2560 : i32
        %add3A_406 = arith.addi %add3A_405, %mul3A_306 : i32
        %swap3A_407 = arith.index_cast %add3A_406 : i32 to index
        %swap3A_408 = tpu.vector_load %arg7[%swap3A_407] {strides = array<i32>} : memref<13824xf32, #tpu.memory_space<vmem>>, vector<16xf32>,
        %swap3A_409 = vector.shape_cast %swap3A_408 : vector<16xf32> to vector<16xf32>
        %swap3A_410 = vector.shape_cast %mul3A_404 : vector<16xf32> to vector<16xf32>
        tpu.vector_store %arg7[%swap3A_407], %swap3A_410 {strides = array<i32>} : memref<13824xf32, #tpu.memory_space<vmem>>, vector<16xf32>,
        %mul3A_411 = arith.mulf %mul3A_307, %min3A_273 : vector<16xf32>
        %add3A_412 = arith.constant 16 : i32
        %add3A_413 = vector.broadcast %add3A_412 : i32 to vector<16xi32>
        %add3A_414 = arith.addi %add3A_304, %add3A_413 : vector<16xi32>
        %add3A_415 = arith.constant 0 : i32
        %add3A_416 = vector.broadcast %add3A_415 : i32 to vector<16xi32>
        %add3A_417 = arith.addi %add3A_414, %add3A_416 : vector<16xi32>
        %add3A_418 = arith.constant 3072 : i32
        %add3A_419 = arith.addi %add3A_418, %mul3A_306 : i32
        %swap3A_420 = arith.index_cast %add3A_419 : i32 to index
        %swap3A_421 = tpu.vector_load %arg6[%swap3A_420] {strides = array<i32>} : memref<13824xi32, #tpu.memory_space<vmem>>, vector<16xi32>,
        %swap3A_422 = vector.shape_cast %swap3A_421 : vector<16xi32> to vector<16xi32>
        %swap3A_423 = vector.shape_cast %add3A_417 : vector<16xi32> to vector<16xi32>
        tpu.vector_store %arg6[%swap3A_420], %swap3A_423 {strides = array<i32>} : memref<13824xi32, #tpu.memory_space<vmem>>, vector<16xi32>,
        %mul3A_424 = arith.mulf %mul3A_411, %sub3A_276 : vector<16xf32>
        %add3A_425 = arith.constant 3072 : i32
        %add3A_426 = arith.addi %add3A_425, %mul3A_306 : i32
        %swap3A_427 = arith.index_cast %add3A_426 : i32 to index
        %swap3A_428 = tpu.vector_load %arg7[%swap3A_427] {strides = array<i32>} : memref<13824xf32, #tpu.memory_space<vmem>>, vector<16xf32>,
        %swap3A_429 = vector.shape_cast %swap3A_428 : vector<16xf32> to vector<16xf32>
        %swap3A_430 = vector.shape_cast %mul3A_424 : vector<16xf32> to vector<16xf32>
        tpu.vector_store %arg7[%swap3A_427], %swap3A_430 {strides = array<i32>} : memref<13824xf32, #tpu.memory_space<vmem>>, vector<16xf32>,
        %add3A_431 = arith.constant 1 : i32
        %add3A_432 = vector.broadcast %add3A_431 : i32 to vector<16xi32>
        %add3A_433 = arith.addi %add3A_414, %add3A_432 : vector<16xi32>
        %add3A_434 = arith.constant 3584 : i32
        %add3A_435 = arith.addi %add3A_434, %mul3A_306 : i32
        %swap3A_436 = arith.index_cast %add3A_435 : i32 to index
        %swap3A_437 = tpu.vector_load %arg6[%swap3A_436] {strides = array<i32>} : memref<13824xi32, #tpu.memory_space<vmem>>, vector<16xi32>,
        %swap3A_438 = vector.shape_cast %swap3A_437 : vector<16xi32> to vector<16xi32>
        %swap3A_439 = vector.shape_cast %add3A_433 : vector<16xi32> to vector<16xi32>
        tpu.vector_store %arg6[%swap3A_436], %swap3A_439 {strides = array<i32>} : memref<13824xi32, #tpu.memory_space<vmem>>, vector<16xi32>,
        %mul3A_440 = arith.mulf %mul3A_411, %min3A_286 : vector<16xf32>
        %add3A_441 = arith.constant 3584 : i32
        %add3A_442 = arith.addi %add3A_441, %mul3A_306 : i32
        %swap3A_443 = arith.index_cast %add3A_442 : i32 to index
        %swap3A_444 = tpu.vector_load %arg7[%swap3A_443] {strides = array<i32>} : memref<13824xf32, #tpu.memory_space<vmem>>, vector<16xf32>,
        %swap3A_445 = vector.shape_cast %swap3A_444 : vector<16xf32> to vector<16xf32>
        %swap3A_446 = vector.shape_cast %mul3A_440 : vector<16xf32> to vector<16xf32>
        tpu.vector_store %arg7[%swap3A_443], %swap3A_446 {strides = array<i32>} : memref<13824xf32, #tpu.memory_space<vmem>>, vector<16xf32>,
        %add3A_447 = arith.constant 2 : i32
        %add3A_448 = vector.broadcast %add3A_447 : i32 to vector<16xi32>
        %add3A_449 = arith.addi %add3A_414, %add3A_448 : vector<16xi32>
        %add3A_450 = arith.constant 4096 : i32
        %add3A_451 = arith.addi %add3A_450, %mul3A_306 : i32
        %swap3A_452 = arith.index_cast %add3A_451 : i32 to index
        %swap3A_453 = tpu.vector_load %arg6[%swap3A_452] {strides = array<i32>} : memref<13824xi32, #tpu.memory_space<vmem>>, vector<16xi32>,
        %swap3A_454 = vector.shape_cast %swap3A_453 : vector<16xi32> to vector<16xi32>
        %swap3A_455 = vector.shape_cast %add3A_449 : vector<16xi32> to vector<16xi32>
        tpu.vector_store %arg6[%swap3A_452], %swap3A_455 {strides = array<i32>} : memref<13824xi32, #tpu.memory_space<vmem>>, vector<16xi32>,
        %mul3A_456 = arith.mulf %mul3A_411, %min3A_296 : vector<16xf32>
        %add3A_457 = arith.constant 4096 : i32
        %add3A_458 = arith.addi %add3A_457, %mul3A_306 : i32
        %swap3A_459 = arith.index_cast %add3A_458 : i32 to index
        %swap3A_460 = tpu.vector_load %arg7[%swap3A_459] {strides = array<i32>} : memref<13824xf32, #tpu.memory_space<vmem>>, vector<16xf32>,
        %swap3A_461 = vector.shape_cast %swap3A_460 : vector<16xf32> to vector<16xf32>
        %swap3A_462 = vector.shape_cast %mul3A_456 : vector<16xf32> to vector<16xf32>
        tpu.vector_store %arg7[%swap3A_459], %swap3A_462 {strides = array<i32>} : memref<13824xf32, #tpu.memory_space<vmem>>, vector<16xf32>,
        %mul3A_463 = arith.mulf %div3A, %min3A_240 : vector<16xf32>
        %mul3A_464 = arith.mulf %mul3A_463, %sub3A_253 : vector<16xf32>
        %add3A_465 = arith.constant 1024 : i32
        %add3A_466 = vector.broadcast %add3A_465 : i32 to vector<16xi32>
        %add3A_467 = arith.addi %add3A_304, %add3A_466 : vector<16xi32>
        %add3A_468 = arith.constant 0 : i32
        %add3A_469 = vector.broadcast %add3A_468 : i32 to vector<16xi32>
        %add3A_470 = arith.addi %add3A_467, %add3A_469 : vector<16xi32>
        %add3A_471 = arith.constant 4608 : i32
        %add3A_472 = arith.addi %add3A_471, %mul3A_306 : i32
        %swap3A_473 = arith.index_cast %add3A_472 : i32 to index
        %swap3A_474 = tpu.vector_load %arg6[%swap3A_473] {strides = array<i32>} : memref<13824xi32, #tpu.memory_space<vmem>>, vector<16xi32>,
        %swap3A_475 = vector.shape_cast %swap3A_474 : vector<16xi32> to vector<16xi32>
        %swap3A_476 = vector.shape_cast %add3A_470 : vector<16xi32> to vector<16xi32>
        tpu.vector_store %arg6[%swap3A_473], %swap3A_476 {strides = array<i32>} : memref<13824xi32, #tpu.memory_space<vmem>>, vector<16xi32>,
        %mul3A_477 = arith.mulf %mul3A_464, %sub3A_276 : vector<16xf32>
        %add3A_478 = arith.constant 4608 : i32
        %add3A_479 = arith.addi %add3A_478, %mul3A_306 : i32
        %swap3A_480 = arith.index_cast %add3A_479 : i32 to index
        %swap3A_481 = tpu.vector_load %arg7[%swap3A_480] {strides = array<i32>} : memref<13824xf32, #tpu.memory_space<vmem>>, vector<16xf32>,
        %swap3A_482 = vector.shape_cast %swap3A_481 : vector<16xf32> to vector<16xf32>
        %swap3A_483 = vector.shape_cast %mul3A_477 : vector<16xf32> to vector<16xf32>
        tpu.vector_store %arg7[%swap3A_480], %swap3A_483 {strides = array<i32>} : memref<13824xf32, #tpu.memory_space<vmem>>, vector<16xf32>,
        %add3A_484 = arith.constant 1 : i32
        %add3A_485 = vector.broadcast %add3A_484 : i32 to vector<16xi32>
        %add3A_486 = arith.addi %add3A_467, %add3A_485 : vector<16xi32>
        %add3A_487 = arith.constant 5120 : i32
        %add3A_488 = arith.addi %add3A_487, %mul3A_306 : i32
        %swap3A_489 = arith.index_cast %add3A_488 : i32 to index
        %swap3A_490 = tpu.vector_load %arg6[%swap3A_489] {strides = array<i32>} : memref<13824xi32, #tpu.memory_space<vmem>>, vector<16xi32>,
        %swap3A_491 = vector.shape_cast %swap3A_490 : vector<16xi32> to vector<16xi32>
        %swap3A_492 = vector.shape_cast %add3A_486 : vector<16xi32> to vector<16xi32>
        tpu.vector_store %arg6[%swap3A_489], %swap3A_492 {strides = array<i32>} : memref<13824xi32, #tpu.memory_space<vmem>>, vector<16xi32>,
        %mul3A_493 = arith.mulf %mul3A_464, %min3A_286 : vector<16xf32>
        %add3A_494 = arith.constant 5120 : i32
        %add3A_495 = arith.addi %add3A_494, %mul3A_306 : i32
        %swap3A_496 = arith.index_cast %add3A_495 : i32 to index
        %swap3A_497 = tpu.vector_load %arg7[%swap3A_496] {strides = array<i32>} : memref<13824xf32, #tpu.memory_space<vmem>>, vector<16xf32>,
        %swap3A_498 = vector.shape_cast %swap3A_497 : vector<16xf32> to vector<16xf32>
        %swap3A_499 = vector.shape_cast %mul3A_493 : vector<16xf32> to vector<16xf32>
        tpu.vector_store %arg7[%swap3A_496], %swap3A_499 {strides = array<i32>} : memref<13824xf32, #tpu.memory_space<vmem>>, vector<16xf32>,
        %add3A_500 = arith.constant 2 : i32
        %add3A_501 = vector.broadcast %add3A_500 : i32 to vector<16xi32>
        %add3A_502 = arith.addi %add3A_467, %add3A_501 : vector<16xi32>
        %add3A_503 = arith.constant 5632 : i32
        %add3A_504 = arith.addi %add3A_503, %mul3A_306 : i32
        %swap3A_505 = arith.index_cast %add3A_504 : i32 to index
        %swap3A_506 = tpu.vector_load %arg6[%swap3A_505] {strides = array<i32>} : memref<13824xi32, #tpu.memory_space<vmem>>, vector<16xi32>,
        %swap3A_507 = vector.shape_cast %swap3A_506 : vector<16xi32> to vector<16xi32>
        %swap3A_508 = vector.shape_cast %add3A_502 : vector<16xi32> to vector<16xi32>
        tpu.vector_store %arg6[%swap3A_505], %swap3A_508 {strides = array<i32>} : memref<13824xi32, #tpu.memory_space<vmem>>, vector<16xi32>,
        %mul3A_509 = arith.mulf %mul3A_464, %min3A_296 : vector<16xf32>
        %add3A_510 = arith.constant 5632 : i32
        %add3A_511 = arith.addi %add3A_510, %mul3A_306 : i32
        %swap3A_512 = arith.index_cast %add3A_511 : i32 to index
        %swap3A_513 = tpu.vector_load %arg7[%swap3A_512] {strides = array<i32>} : memref<13824xf32, #tpu.memory_space<vmem>>, vector<16xf32>,
        %swap3A_514 = vector.shape_cast %swap3A_513 : vector<16xf32> to vector<16xf32>
        %swap3A_515 = vector.shape_cast %mul3A_509 : vector<16xf32> to vector<16xf32>
        tpu.vector_store %arg7[%swap3A_512], %swap3A_515 {strides = array<i32>} : memref<13824xf32, #tpu.memory_space<vmem>>, vector<16xf32>,
        %mul3A_516 = arith.mulf %mul3A_463, %min3A_263 : vector<16xf32>
        %add3A_517 = arith.constant 1032 : i32
        %add3A_518 = vector.broadcast %add3A_517 : i32 to vector<16xi32>
        %add3A_519 = arith.addi %add3A_304, %add3A_518 : vector<16xi32>
        %add3A_520 = arith.constant 0 : i32
        %add3A_521 = vector.broadcast %add3A_520 : i32 to vector<16xi32>
        %add3A_522 = arith.addi %add3A_519, %add3A_521 : vector<16xi32>
        %add3A_523 = arith.constant 6144 : i32
        %add3A_524 = arith.addi %add3A_523, %mul3A_306 : i32
        %swap3A_525 = arith.index_cast %add3A_524 : i32 to index
        %swap3A_526 = tpu.vector_load %arg6[%swap3A_525] {strides = array<i32>} : memref<13824xi32, #tpu.memory_space<vmem>>, vector<16xi32>,
        %swap3A_527 = vector.shape_cast %swap3A_526 : vector<16xi32> to vector<16xi32>
        %swap3A_528 = vector.shape_cast %add3A_522 : vector<16xi32> to vector<16xi32>
        tpu.vector_store %arg6[%swap3A_525], %swap3A_528 {strides = array<i32>} : memref<13824xi32, #tpu.memory_space<vmem>>, vector<16xi32>,
        %mul3A_529 = arith.mulf %mul3A_516, %sub3A_276 : vector<16xf32>
        %add3A_530 = arith.constant 6144 : i32
        %add3A_531 = arith.addi %add3A_530, %mul3A_306 : i32
        %swap3A_532 = arith.index_cast %add3A_531 : i32 to index
        %swap3A_533 = tpu.vector_load %arg7[%swap3A_532] {strides = array<i32>} : memref<13824xf32, #tpu.memory_space<vmem>>, vector<16xf32>,
        %swap3A_534 = vector.shape_cast %swap3A_533 : vector<16xf32> to vector<16xf32>
        %swap3A_535 = vector.shape_cast %mul3A_529 : vector<16xf32> to vector<16xf32>
        tpu.vector_store %arg7[%swap3A_532], %swap3A_535 {strides = array<i32>} : memref<13824xf32, #tpu.memory_space<vmem>>, vector<16xf32>,
        %add3A_536 = arith.constant 1 : i32
        %add3A_537 = vector.broadcast %add3A_536 : i32 to vector<16xi32>
        %add3A_538 = arith.addi %add3A_519, %add3A_537 : vector<16xi32>
        %add3A_539 = arith.constant 6656 : i32
        %add3A_540 = arith.addi %add3A_539, %mul3A_306 : i32
        %swap3A_541 = arith.index_cast %add3A_540 : i32 to index
        %swap3A_542 = tpu.vector_load %arg6[%swap3A_541] {strides = array<i32>} : memref<13824xi32, #tpu.memory_space<vmem>>, vector<16xi32>,
        %swap3A_543 = vector.shape_cast %swap3A_542 : vector<16xi32> to vector<16xi32>
        %swap3A_544 = vector.shape_cast %add3A_538 : vector<16xi32> to vector<16xi32>
        tpu.vector_store %arg6[%swap3A_541], %swap3A_544 {strides = array<i32>} : memref<13824xi32, #tpu.memory_space<vmem>>, vector<16xi32>,
        %mul3A_545 = arith.mulf %mul3A_516, %min3A_286 : vector<16xf32>
        %add3A_546 = arith.constant 6656 : i32
        %add3A_547 = arith.addi %add3A_546, %mul3A_306 : i32
        %swap3A_548 = arith.index_cast %add3A_547 : i32 to index
        %swap3A_549 = tpu.vector_load %arg7[%swap3A_548] {strides = array<i32>} : memref<13824xf32, #tpu.memory_space<vmem>>, vector<16xf32>,
        %swap3A_550 = vector.shape_cast %swap3A_549 : vector<16xf32> to vector<16xf32>
        %swap3A_551 = vector.shape_cast %mul3A_545 : vector<16xf32> to vector<16xf32>
        tpu.vector_store %arg7[%swap3A_548], %swap3A_551 {strides = array<i32>} : memref<13824xf32, #tpu.memory_space<vmem>>, vector<16xf32>,
        %add3A_552 = arith.constant 2 : i32
        %add3A_553 = vector.broadcast %add3A_552 : i32 to vector<16xi32>
        %add3A_554 = arith.addi %add3A_519, %add3A_553 : vector<16xi32>
        %add3A_555 = arith.constant 7168 : i32
        %add3A_556 = arith.addi %add3A_555, %mul3A_306 : i32
        %swap3A_557 = arith.index_cast %add3A_556 : i32 to index
        %swap3A_558 = tpu.vector_load %arg6[%swap3A_557] {strides = array<i32>} : memref<13824xi32, #tpu.memory_space<vmem>>, vector<16xi32>,
        %swap3A_559 = vector.shape_cast %swap3A_558 : vector<16xi32> to vector<16xi32>
        %swap3A_560 = vector.shape_cast %add3A_554 : vector<16xi32> to vector<16xi32>
        tpu.vector_store %arg6[%swap3A_557], %swap3A_560 {strides = array<i32>} : memref<13824xi32, #tpu.memory_space<vmem>>, vector<16xi32>,
        %mul3A_561 = arith.mulf %mul3A_516, %min3A_296 : vector<16xf32>
        %add3A_562 = arith.constant 7168 : i32
        %add3A_563 = arith.addi %add3A_562, %mul3A_306 : i32
        %swap3A_564 = arith.index_cast %add3A_563 : i32 to index
        %swap3A_565 = tpu.vector_load %arg7[%swap3A_564] {strides = array<i32>} : memref<13824xf32, #tpu.memory_space<vmem>>, vector<16xf32>,
        %swap3A_566 = vector.shape_cast %swap3A_565 : vector<16xf32> to vector<16xf32>
        %swap3A_567 = vector.shape_cast %mul3A_561 : vector<16xf32> to vector<16xf32>
        tpu.vector_store %arg7[%swap3A_564], %swap3A_567 {strides = array<i32>} : memref<13824xf32, #tpu.memory_space<vmem>>, vector<16xf32>,
        %mul3A_568 = arith.mulf %mul3A_463, %min3A_273 : vector<16xf32>
        %add3A_569 = arith.constant 1040 : i32
        %add3A_570 = vector.broadcast %add3A_569 : i32 to vector<16xi32>
        %add3A_571 = arith.addi %add3A_304, %add3A_570 : vector<16xi32>
        %add3A_572 = arith.constant 0 : i32
        %add3A_573 = vector.broadcast %add3A_572 : i32 to vector<16xi32>
        %add3A_574 = arith.addi %add3A_571, %add3A_573 : vector<16xi32>
        %add3A_575 = arith.constant 7680 : i32
        %add3A_576 = arith.addi %add3A_575, %mul3A_306 : i32
        %swap3A_577 = arith.index_cast %add3A_576 : i32 to index
        %swap3A_578 = tpu.vector_load %arg6[%swap3A_577] {strides = array<i32>} : memref<13824xi32, #tpu.memory_space<vmem>>, vector<16xi32>,
        %swap3A_579 = vector.shape_cast %swap3A_578 : vector<16xi32> to vector<16xi32>
        %swap3A_580 = vector.shape_cast %add3A_574 : vector<16xi32> to vector<16xi32>
        tpu.vector_store %arg6[%swap3A_577], %swap3A_580 {strides = array<i32>} : memref<13824xi32, #tpu.memory_space<vmem>>, vector<16xi32>,
        %mul3A_581 = arith.mulf %mul3A_568, %sub3A_276 : vector<16xf32>
        %add3A_582 = arith.constant 7680 : i32
        %add3A_583 = arith.addi %add3A_582, %mul3A_306 : i32
        %swap3A_584 = arith.index_cast %add3A_583 : i32 to index
        %swap3A_585 = tpu.vector_load %arg7[%swap3A_584] {strides = array<i32>} : memref<13824xf32, #tpu.memory_space<vmem>>, vector<16xf32>,
        %swap3A_586 = vector.shape_cast %swap3A_585 : vector<16xf32> to vector<16xf32>
        %swap3A_587 = vector.shape_cast %mul3A_581 : vector<16xf32> to vector<16xf32>
        tpu.vector_store %arg7[%swap3A_584], %swap3A_587 {strides = array<i32>} : memref<13824xf32, #tpu.memory_space<vmem>>, vector<16xf32>,
        %add3A_588 = arith.constant 1 : i32
        %add3A_589 = vector.broadcast %add3A_588 : i32 to vector<16xi32>
        %add3A_590 = arith.addi %add3A_571, %add3A_589 : vector<16xi32>
        %add3A_591 = arith.constant 8192 : i32
        %add3A_592 = arith.addi %add3A_591, %mul3A_306 : i32
        %swap3A_593 = arith.index_cast %add3A_592 : i32 to index
        %swap3A_594 = tpu.vector_load %arg6[%swap3A_593] {strides = array<i32>} : memref<13824xi32, #tpu.memory_space<vmem>>, vector<16xi32>,
        %swap3A_595 = vector.shape_cast %swap3A_594 : vector<16xi32> to vector<16xi32>
        %swap3A_596 = vector.shape_cast %add3A_590 : vector<16xi32> to vector<16xi32>
        tpu.vector_store %arg6[%swap3A_593], %swap3A_596 {strides = array<i32>} : memref<13824xi32, #tpu.memory_space<vmem>>, vector<16xi32>,
        %mul3A_597 = arith.mulf %mul3A_568, %min3A_286 : vector<16xf32>
        %add3A_598 = arith.constant 8192 : i32
        %add3A_599 = arith.addi %add3A_598, %mul3A_306 : i32
        %swap3A_600 = arith.index_cast %add3A_599 : i32 to index
        %swap3A_601 = tpu.vector_load %arg7[%swap3A_600] {strides = array<i32>} : memref<13824xf32, #tpu.memory_space<vmem>>, vector<16xf32>,
        %swap3A_602 = vector.shape_cast %swap3A_601 : vector<16xf32> to vector<16xf32>
        %swap3A_603 = vector.shape_cast %mul3A_597 : vector<16xf32> to vector<16xf32>
        tpu.vector_store %arg7[%swap3A_600], %swap3A_603 {strides = array<i32>} : memref<13824xf32, #tpu.memory_space<vmem>>, vector<16xf32>,
        %add3A_604 = arith.constant 2 : i32
        %add3A_605 = vector.broadcast %add3A_604 : i32 to vector<16xi32>
        %add3A_606 = arith.addi %add3A_571, %add3A_605 : vector<16xi32>
        %add3A_607 = arith.constant 8704 : i32
        %add3A_608 = arith.addi %add3A_607, %mul3A_306 : i32
        %swap3A_609 = arith.index_cast %add3A_608 : i32 to index
        %swap3A_610 = tpu.vector_load %arg6[%swap3A_609] {strides = array<i32>} : memref<13824xi32, #tpu.memory_space<vmem>>, vector<16xi32>,
        %swap3A_611 = vector.shape_cast %swap3A_610 : vector<16xi32> to vector<16xi32>
        %swap3A_612 = vector.shape_cast %add3A_606 : vector<16xi32> to vector<16xi32>
        tpu.vector_store %arg6[%swap3A_609], %swap3A_612 {strides = array<i32>} : memref<13824xi32, #tpu.memory_space<vmem>>, vector<16xi32>,
        %mul3A_613 = arith.mulf %mul3A_568, %min3A_296 : vector<16xf32>
        %add3A_614 = arith.constant 8704 : i32
        %add3A_615 = arith.addi %add3A_614, %mul3A_306 : i32
        %swap3A_616 = arith.index_cast %add3A_615 : i32 to index
        %swap3A_617 = tpu.vector_load %arg7[%swap3A_616] {strides = array<i32>} : memref<13824xf32, #tpu.memory_space<vmem>>, vector<16xf32>,
        %swap3A_618 = vector.shape_cast %swap3A_617 : vector<16xf32> to vector<16xf32>
        %swap3A_619 = vector.shape_cast %mul3A_613 : vector<16xf32> to vector<16xf32>
        tpu.vector_store %arg7[%swap3A_616], %swap3A_619 {strides = array<i32>} : memref<13824xf32, #tpu.memory_space<vmem>>, vector<16xf32>,
        %mul3A_620 = arith.mulf %div3A, %min3A_250 : vector<16xf32>
        %mul3A_621 = arith.mulf %mul3A_620, %sub3A_253 : vector<16xf32>
        %add3A_622 = arith.constant 2048 : i32
        %add3A_623 = vector.broadcast %add3A_622 : i32 to vector<16xi32>
        %add3A_624 = arith.addi %add3A_304, %add3A_623 : vector<16xi32>
        %add3A_625 = arith.constant 0 : i32
        %add3A_626 = vector.broadcast %add3A_625 : i32 to vector<16xi32>
        %add3A_627 = arith.addi %add3A_624, %add3A_626 : vector<16xi32>
        %add3A_628 = arith.constant 9216 : i32
        %add3A_629 = arith.addi %add3A_628, %mul3A_306 : i32
        %swap3A_630 = arith.index_cast %add3A_629 : i32 to index
        %swap3A_631 = tpu.vector_load %arg6[%swap3A_630] {strides = array<i32>} : memref<13824xi32, #tpu.memory_space<vmem>>, vector<16xi32>,
        %swap3A_632 = vector.shape_cast %swap3A_631 : vector<16xi32> to vector<16xi32>
        %swap3A_633 = vector.shape_cast %add3A_627 : vector<16xi32> to vector<16xi32>
        tpu.vector_store %arg6[%swap3A_630], %swap3A_633 {strides = array<i32>} : memref<13824xi32, #tpu.memory_space<vmem>>, vector<16xi32>,
        %mul3A_634 = arith.mulf %mul3A_621, %sub3A_276 : vector<16xf32>
        %add3A_635 = arith.constant 9216 : i32
        %add3A_636 = arith.addi %add3A_635, %mul3A_306 : i32
        %swap3A_637 = arith.index_cast %add3A_636 : i32 to index
        %swap3A_638 = tpu.vector_load %arg7[%swap3A_637] {strides = array<i32>} : memref<13824xf32, #tpu.memory_space<vmem>>, vector<16xf32>,
        %swap3A_639 = vector.shape_cast %swap3A_638 : vector<16xf32> to vector<16xf32>
        %swap3A_640 = vector.shape_cast %mul3A_634 : vector<16xf32> to vector<16xf32>
        tpu.vector_store %arg7[%swap3A_637], %swap3A_640 {strides = array<i32>} : memref<13824xf32, #tpu.memory_space<vmem>>, vector<16xf32>,
        %add3A_641 = arith.constant 1 : i32
        %add3A_642 = vector.broadcast %add3A_641 : i32 to vector<16xi32>
        %add3A_643 = arith.addi %add3A_624, %add3A_642 : vector<16xi32>
        %add3A_644 = arith.constant 9728 : i32
        %add3A_645 = arith.addi %add3A_644, %mul3A_306 : i32
        %swap3A_646 = arith.index_cast %add3A_645 : i32 to index
        %swap3A_647 = tpu.vector_load %arg6[%swap3A_646] {strides = array<i32>} : memref<13824xi32, #tpu.memory_space<vmem>>, vector<16xi32>,
        %swap3A_648 = vector.shape_cast %swap3A_647 : vector<16xi32> to vector<16xi32>
        %swap3A_649 = vector.shape_cast %add3A_643 : vector<16xi32> to vector<16xi32>
        tpu.vector_store %arg6[%swap3A_646], %swap3A_649 {strides = array<i32>} : memref<13824xi32, #tpu.memory_space<vmem>>, vector<16xi32>,
        %mul3A_650 = arith.mulf %mul3A_621, %min3A_286 : vector<16xf32>
        %add3A_651 = arith.constant 9728 : i32
        %add3A_652 = arith.addi %add3A_651, %mul3A_306 : i32
        %swap3A_653 = arith.index_cast %add3A_652 : i32 to index
        %swap3A_654 = tpu.vector_load %arg7[%swap3A_653] {strides = array<i32>} : memref<13824xf32, #tpu.memory_space<vmem>>, vector<16xf32>,
        %swap3A_655 = vector.shape_cast %swap3A_654 : vector<16xf32> to vector<16xf32>
        %swap3A_656 = vector.shape_cast %mul3A_650 : vector<16xf32> to vector<16xf32>
        tpu.vector_store %arg7[%swap3A_653], %swap3A_656 {strides = array<i32>} : memref<13824xf32, #tpu.memory_space<vmem>>, vector<16xf32>,
        %add3A_657 = arith.constant 2 : i32
        %add3A_658 = vector.broadcast %add3A_657 : i32 to vector<16xi32>
        %add3A_659 = arith.addi %add3A_624, %add3A_658 : vector<16xi32>
        %add3A_660 = arith.constant 10240 : i32
        %add3A_661 = arith.addi %add3A_660, %mul3A_306 : i32
        %swap3A_662 = arith.index_cast %add3A_661 : i32 to index
        %swap3A_663 = tpu.vector_load %arg6[%swap3A_662] {strides = array<i32>} : memref<13824xi32, #tpu.memory_space<vmem>>, vector<16xi32>,
        %swap3A_664 = vector.shape_cast %swap3A_663 : vector<16xi32> to vector<16xi32>
        %swap3A_665 = vector.shape_cast %add3A_659 : vector<16xi32> to vector<16xi32>
        tpu.vector_store %arg6[%swap3A_662], %swap3A_665 {strides = array<i32>} : memref<13824xi32, #tpu.memory_space<vmem>>, vector<16xi32>,
        %mul3A_666 = arith.mulf %mul3A_621, %min3A_296 : vector<16xf32>
        %add3A_667 = arith.constant 10240 : i32
        %add3A_668 = arith.addi %add3A_667, %mul3A_306 : i32
        %swap3A_669 = arith.index_cast %add3A_668 : i32 to index
        %swap3A_670 = tpu.vector_load %arg7[%swap3A_669] {strides = array<i32>} : memref<13824xf32, #tpu.memory_space<vmem>>, vector<16xf32>,
        %swap3A_671 = vector.shape_cast %swap3A_670 : vector<16xf32> to vector<16xf32>
        %swap3A_672 = vector.shape_cast %mul3A_666 : vector<16xf32> to vector<16xf32>
        tpu.vector_store %arg7[%swap3A_669], %swap3A_672 {strides = array<i32>} : memref<13824xf32, #tpu.memory_space<vmem>>, vector<16xf32>,
        %mul3A_673 = arith.mulf %mul3A_620, %min3A_263 : vector<16xf32>
        %add3A_674 = arith.constant 2056 : i32
        %add3A_675 = vector.broadcast %add3A_674 : i32 to vector<16xi32>
        %add3A_676 = arith.addi %add3A_304, %add3A_675 : vector<16xi32>
        %add3A_677 = arith.constant 0 : i32
        %add3A_678 = vector.broadcast %add3A_677 : i32 to vector<16xi32>
        %add3A_679 = arith.addi %add3A_676, %add3A_678 : vector<16xi32>
        %add3A_680 = arith.constant 10752 : i32
        %add3A_681 = arith.addi %add3A_680, %mul3A_306 : i32
        %swap3A_682 = arith.index_cast %add3A_681 : i32 to index
        %swap3A_683 = tpu.vector_load %arg6[%swap3A_682] {strides = array<i32>} : memref<13824xi32, #tpu.memory_space<vmem>>, vector<16xi32>,
        %swap3A_684 = vector.shape_cast %swap3A_683 : vector<16xi32> to vector<16xi32>
        %swap3A_685 = vector.shape_cast %add3A_679 : vector<16xi32> to vector<16xi32>
        tpu.vector_store %arg6[%swap3A_682], %swap3A_685 {strides = array<i32>} : memref<13824xi32, #tpu.memory_space<vmem>>, vector<16xi32>,
        %mul3A_686 = arith.mulf %mul3A_673, %sub3A_276 : vector<16xf32>
        %add3A_687 = arith.constant 10752 : i32
        %add3A_688 = arith.addi %add3A_687, %mul3A_306 : i32
        %swap3A_689 = arith.index_cast %add3A_688 : i32 to index
        %swap3A_690 = tpu.vector_load %arg7[%swap3A_689] {strides = array<i32>} : memref<13824xf32, #tpu.memory_space<vmem>>, vector<16xf32>,
        %swap3A_691 = vector.shape_cast %swap3A_690 : vector<16xf32> to vector<16xf32>
        %swap3A_692 = vector.shape_cast %mul3A_686 : vector<16xf32> to vector<16xf32>
        tpu.vector_store %arg7[%swap3A_689], %swap3A_692 {strides = array<i32>} : memref<13824xf32, #tpu.memory_space<vmem>>, vector<16xf32>,
        %add3A_693 = arith.constant 1 : i32
        %add3A_694 = vector.broadcast %add3A_693 : i32 to vector<16xi32>
        %add3A_695 = arith.addi %add3A_676, %add3A_694 : vector<16xi32>
        %add3A_696 = arith.constant 11264 : i32
        %add3A_697 = arith.addi %add3A_696, %mul3A_306 : i32
        %swap3A_698 = arith.index_cast %add3A_697 : i32 to index
        %swap3A_699 = tpu.vector_load %arg6[%swap3A_698] {strides = array<i32>} : memref<13824xi32, #tpu.memory_space<vmem>>, vector<16xi32>,
        %swap3A_700 = vector.shape_cast %swap3A_699 : vector<16xi32> to vector<16xi32>
        %swap3A_701 = vector.shape_cast %add3A_695 : vector<16xi32> to vector<16xi32>
        tpu.vector_store %arg6[%swap3A_698], %swap3A_701 {strides = array<i32>} : memref<13824xi32, #tpu.memory_space<vmem>>, vector<16xi32>,
        %mul3A_702 = arith.mulf %mul3A_673, %min3A_286 : vector<16xf32>
        %add3A_703 = arith.constant 11264 : i32
        %add3A_704 = arith.addi %add3A_703, %mul3A_306 : i32
        %swap3A_705 = arith.index_cast %add3A_704 : i32 to index
        %swap3A_706 = tpu.vector_load %arg7[%swap3A_705] {strides = array<i32>} : memref<13824xf32, #tpu.memory_space<vmem>>, vector<16xf32>,
        %swap3A_707 = vector.shape_cast %swap3A_706 : vector<16xf32> to vector<16xf32>
        %swap3A_708 = vector.shape_cast %mul3A_702 : vector<16xf32> to vector<16xf32>
        tpu.vector_store %arg7[%swap3A_705], %swap3A_708 {strides = array<i32>} : memref<13824xf32, #tpu.memory_space<vmem>>, vector<16xf32>,
        %add3A_709 = arith.constant 2 : i32
        %add3A_710 = vector.broadcast %add3A_709 : i32 to vector<16xi32>
        %add3A_711 = arith.addi %add3A_676, %add3A_710 : vector<16xi32>
        %add3A_712 = arith.constant 11776 : i32
        %add3A_713 = arith.addi %add3A_712, %mul3A_306 : i32
        %swap3A_714 = arith.index_cast %add3A_713 : i32 to index
        %swap3A_715 = tpu.vector_load %arg6[%swap3A_714] {strides = array<i32>} : memref<13824xi32, #tpu.memory_space<vmem>>, vector<16xi32>,
        %swap3A_716 = vector.shape_cast %swap3A_715 : vector<16xi32> to vector<16xi32>
        %swap3A_717 = vector.shape_cast %add3A_711 : vector<16xi32> to vector<16xi32>
        tpu.vector_store %arg6[%swap3A_714], %swap3A_717 {strides = array<i32>} : memref<13824xi32, #tpu.memory_space<vmem>>, vector<16xi32>,
        %mul3A_718 = arith.mulf %mul3A_673, %min3A_296 : vector<16xf32>
        %add3A_719 = arith.constant 11776 : i32
        %add3A_720 = arith.addi %add3A_719, %mul3A_306 : i32
        %swap3A_721 = arith.index_cast %add3A_720 : i32 to index
        %swap3A_722 = tpu.vector_load %arg7[%swap3A_721] {strides = array<i32>} : memref<13824xf32, #tpu.memory_space<vmem>>, vector<16xf32>,
        %swap3A_723 = vector.shape_cast %swap3A_722 : vector<16xf32> to vector<16xf32>
        %swap3A_724 = vector.shape_cast %mul3A_718 : vector<16xf32> to vector<16xf32>
        tpu.vector_store %arg7[%swap3A_721], %swap3A_724 {strides = array<i32>} : memref<13824xf32, #tpu.memory_space<vmem>>, vector<16xf32>,
        %mul3A_725 = arith.mulf %mul3A_620, %min3A_273 : vector<16xf32>
        %add3A_726 = arith.constant 2064 : i32
        %add3A_727 = vector.broadcast %add3A_726 : i32 to vector<16xi32>
        %add3A_728 = arith.addi %add3A_304, %add3A_727 : vector<16xi32>
        %add3A_729 = arith.constant 0 : i32
        %add3A_730 = vector.broadcast %add3A_729 : i32 to vector<16xi32>
        %add3A_731 = arith.addi %add3A_728, %add3A_730 : vector<16xi32>
        %add3A_732 = arith.constant 12288 : i32
        %add3A_733 = arith.addi %add3A_732, %mul3A_306 : i32
        %swap3A_734 = arith.index_cast %add3A_733 : i32 to index
        %swap3A_735 = tpu.vector_load %arg6[%swap3A_734] {strides = array<i32>} : memref<13824xi32, #tpu.memory_space<vmem>>, vector<16xi32>,
        %swap3A_736 = vector.shape_cast %swap3A_735 : vector<16xi32> to vector<16xi32>
        %swap3A_737 = vector.shape_cast %add3A_731 : vector<16xi32> to vector<16xi32>
        tpu.vector_store %arg6[%swap3A_734], %swap3A_737 {strides = array<i32>} : memref<13824xi32, #tpu.memory_space<vmem>>, vector<16xi32>,
        %mul3A_738 = arith.mulf %mul3A_725, %sub3A_276 : vector<16xf32>
        %add3A_739 = arith.constant 12288 : i32
        %add3A_740 = arith.addi %add3A_739, %mul3A_306 : i32
        %swap3A_741 = arith.index_cast %add3A_740 : i32 to index
        %swap3A_742 = tpu.vector_load %arg7[%swap3A_741] {strides = array<i32>} : memref<13824xf32, #tpu.memory_space<vmem>>, vector<16xf32>,
        %swap3A_743 = vector.shape_cast %swap3A_742 : vector<16xf32> to vector<16xf32>
        %swap3A_744 = vector.shape_cast %mul3A_738 : vector<16xf32> to vector<16xf32>
        tpu.vector_store %arg7[%swap3A_741], %swap3A_744 {strides = array<i32>} : memref<13824xf32, #tpu.memory_space<vmem>>, vector<16xf32>,
        %add3A_745 = arith.constant 1 : i32
        %add3A_746 = vector.broadcast %add3A_745 : i32 to vector<16xi32>
        %add3A_747 = arith.addi %add3A_728, %add3A_746 : vector<16xi32>
        %add3A_748 = arith.constant 12800 : i32
        %add3A_749 = arith.addi %add3A_748, %mul3A_306 : i32
        %swap3A_750 = arith.index_cast %add3A_749 : i32 to index
        %swap3A_751 = tpu.vector_load %arg6[%swap3A_750] {strides = array<i32>} : memref<13824xi32, #tpu.memory_space<vmem>>, vector<16xi32>,
        %swap3A_752 = vector.shape_cast %swap3A_751 : vector<16xi32> to vector<16xi32>
        %swap3A_753 = vector.shape_cast %add3A_747 : vector<16xi32> to vector<16xi32>
        tpu.vector_store %arg6[%swap3A_750], %swap3A_753 {strides = array<i32>} : memref<13824xi32, #tpu.memory_space<vmem>>, vector<16xi32>,
        %mul3A_754 = arith.mulf %mul3A_725, %min3A_286 : vector<16xf32>
        %add3A_755 = arith.constant 12800 : i32
        %add3A_756 = arith.addi %add3A_755, %mul3A_306 : i32
        %swap3A_757 = arith.index_cast %add3A_756 : i32 to index
        %swap3A_758 = tpu.vector_load %arg7[%swap3A_757] {strides = array<i32>} : memref<13824xf32, #tpu.memory_space<vmem>>, vector<16xf32>,
        %swap3A_759 = vector.shape_cast %swap3A_758 : vector<16xf32> to vector<16xf32>
        %swap3A_760 = vector.shape_cast %mul3A_754 : vector<16xf32> to vector<16xf32>
        tpu.vector_store %arg7[%swap3A_757], %swap3A_760 {strides = array<i32>} : memref<13824xf32, #tpu.memory_space<vmem>>, vector<16xf32>,
        %add3A_761 = arith.constant 2 : i32
        %add3A_762 = vector.broadcast %add3A_761 : i32 to vector<16xi32>
        %add3A_763 = arith.addi %add3A_728, %add3A_762 : vector<16xi32>
        %add3A_764 = arith.constant 13312 : i32
        %add3A_765 = arith.addi %add3A_764, %mul3A_306 : i32
        %swap3A_766 = arith.index_cast %add3A_765 : i32 to index
        %swap3A_767 = tpu.vector_load %arg6[%swap3A_766] {strides = array<i32>} : memref<13824xi32, #tpu.memory_space<vmem>>, vector<16xi32>,
        %swap3A_768 = vector.shape_cast %swap3A_767 : vector<16xi32> to vector<16xi32>
        %swap3A_769 = vector.shape_cast %add3A_763 : vector<16xi32> to vector<16xi32>
        tpu.vector_store %arg6[%swap3A_766], %swap3A_769 {strides = array<i32>} : memref<13824xi32, #tpu.memory_space<vmem>>, vector<16xi32>,
        %mul3A_770 = arith.mulf %mul3A_725, %min3A_296 : vector<16xf32>
        %add3A_771 = arith.constant 13312 : i32
        %add3A_772 = arith.addi %add3A_771, %mul3A_306 : i32
        %swap3A_773 = arith.index_cast %add3A_772 : i32 to index
        %swap3A_774 = tpu.vector_load %arg7[%swap3A_773] {strides = array<i32>} : memref<13824xf32, #tpu.memory_space<vmem>>, vector<16xf32>,
        %swap3A_775 = vector.shape_cast %swap3A_774 : vector<16xf32> to vector<16xf32>
        %swap3A_776 = vector.shape_cast %mul3A_770 : vector<16xf32> to vector<16xf32>
        tpu.vector_store %arg7[%swap3A_773], %swap3A_776 {strides = array<i32>} : memref<13824xf32, #tpu.memory_space<vmem>>, vector<16xf32>,
      }
      %scan3A_97 = arith.constant 32 : i32
      %add3A_98 = arith.constant 2 : i32
      %add3A_99 = arith.addi %mul3A_77, %add3A_98 : i32
      %lt3A = arith.constant 19 : i32
      %lt3A_100 = arith.cmpi slt, %add3A_99, %lt3A : i32
      %convert_element_type3A = arith.extui %lt3A_100 : i1 to i32
      %cond3A = arith.constant 0 : i32
      %cond3A_101 = arith.cmpi ne, %convert_element_type3A, %cond3A : i32
      scf.if %cond3A_101 {
        %add3A_147 = arith.addi %mul3A_2, %mul3A_77 : i32
        %add3A_148 = arith.constant 2 : i32
        %add3A_149 = arith.addi %add3A_147, %add3A_148 : i32
        %mul3A_150 = arith.constant 3072 : i32
        %mul3A_151 = arith.muli %add3A_149, %mul3A_150 : i32
        %dma_start3A_152 = tpu.memref_slice %arg2[%mul3A_151] : memref<1867776xf32, #tpu.memory_space<hbm>> -> memref<3072xf32, #tpu.memory_space<hbm>>
        %dma_start3A_153 = tpu.memref_slice %arg2[%mul3A_151] : memref<1867776xf32, #tpu.memory_space<hbm>> -> memref<3072xf32, #tpu.memory_space<hbm>>
        tpu.enqueue_dma source(%dma_start3A_153 : memref<3072xf32, #tpu.memory_space<hbm>>) target(%arg4 : memref<3072xf32, #tpu.memory_space<vmem>>) target_semaphore(%arg14 : memref<!tpu.dma_semaphore, #tpu.memory_space<semaphore_mem>>)
      } else {
      }
      %scan3A_102 = arith.constant 0 : i32
      %scan3A_103 = arith.constant 0 : i32
      %scan3A_104 = arith.constant 108 : i32
      %scan3A_105 = arith.addi %scan3A_103, %scan3A_104 : i32
      %scan3A_106 = arith.constant 1 : i32
      scf.for %scan3A_147 = %scan3A_103 to %scan3A_105 step %scan3A_106  : i32 {
        %mul3A_148 = arith.constant 128 : i32
        %mul3A_149 = arith.muli %scan3A_147, %mul3A_148 : i32
        %mul3A_150 = arith.constant 128 : i32
        %mul3A_151 = arith.muli %scan3A_147, %mul3A_150 : i32
        %dma_start3A_152 = tpu.memref_slice %arg7[%mul3A_149] : memref<13824xf32, #tpu.memory_space<vmem>> -> memref<128xf32, #tpu.memory_space<vmem>>
        %dma_start3A_153 = tpu.memref_slice %arg6[%mul3A_151] : memref<13824xi32, #tpu.memory_space<vmem>> -> memref<128xi32, #tpu.memory_space<vmem>>
        %dma_start3A_154 = arith.constant 0 : i32
        %dma_start3A_155 = tpu.memref_slice %arg11[%dma_start3A_154] : memref<131072xf32, #tpu.memory_space<vmem_shared>> -> memref<131072xf32, #tpu.memory_space<vmem_shared>>
        tpu.enqueue_indirect_dma source(%dma_start3A_152 : memref<128xf32, #tpu.memory_space<vmem>>) target(%dma_start3A_155 : memref<131072xf32, #tpu.memory_space<vmem_shared>>) offsets(%dma_start3A_153 : memref<128xi32, #tpu.memory_space<vmem>>) semaphore(%arg12 : memref<!tpu.dma_semaphore, #tpu.memory_space<semaphore_mem>>) {add = true}
      }
      %scan3A_107 = arith.constant 108 : i32
      %mul3A_108 = arith.constant 2 : i32
      %mul3A_109 = arith.muli %scan3A_73, %mul3A_108 : i32
      %add3A_110 = arith.constant 1 : i32
      %add3A_111 = arith.addi %mul3A_109, %add3A_110 : i32
      %dma_wait3A_112 = arith.constant 0 : i32
      %dma_wait3A_113 = tpu.memref_slice %arg2[%dma_wait3A_112] : memref<1867776xf32, #tpu.memory_space<hbm>> -> memref<3072xf32, #tpu.memory_space<hbm>>
      %dma_wait3A_114 = arith.constant 0 : i32
      %dma_wait3A_115 = tpu.memref_slice %arg2[%dma_wait3A_114] : memref<1867776xf32, #tpu.memory_space<hbm>> -> memref<3072xf32, #tpu.memory_space<hbm>>
      tpu.wait_dma2 semaphore(%arg15 : memref<!tpu.dma_semaphore, #tpu.memory_space<semaphore_mem>>) src(%dma_wait3A_115 : memref<3072xf32, #tpu.memory_space<hbm>>) dst(%arg5 : memref<3072xf32, #tpu.memory_space<vmem>>)
      %while3A_116 = arith.constant 0 : i32
      %while3A_117 = arith.constant 0 : i32
      %while3A_118 = arith.subi %scan3A_75, %while3A_117 : i32
      %while3A_119 = arith.addi %while3A_117, %while3A_118 : i32
      %while3A_120 = arith.constant 1 : i32
      %while3A_121 = arith.divsi %while3A_118, %while3A_120 : i32
      %while3A_122 = arith.muli %while3A_121, %while3A_120 : i32
      %while3A_123 = arith.addi %while3A_117, %while3A_122 : i32
      %while3A_124 = arith.constant 1 : i32
      scf.for %while3A_147 = %while3A_117 to %while3A_123 step %while3A_124  : i32 {
        %mul3A_148 = arith.constant 128 : i32
        %mul3A_149 = arith.muli %while3A_147, %mul3A_148 : i32
        %mul3A_150 = arith.constant 128 : i32
        %mul3A_151 = arith.muli %while3A_147, %mul3A_150 : i32
        %dma_wait3A_152 = tpu.memref_slice %arg9[%mul3A_149] : memref<13824xf32, #tpu.memory_space<vmem>> -> memref<128xf32, #tpu.memory_space<vmem>>
        %dma_wait3A_153 = tpu.memref_slice %arg8[%mul3A_151] : memref<13824xi32, #tpu.memory_space<vmem>> -> memref<128xi32, #tpu.memory_space<vmem>>
        %dma_wait3A_154 = arith.constant 0 : i32
        %dma_wait3A_155 = tpu.memref_slice %arg11[%dma_wait3A_154] : memref<131072xf32, #tpu.memory_space<vmem_shared>> -> memref<131072xf32, #tpu.memory_space<vmem_shared>>
        tpu.wait_indirect_dma semaphore(%arg13 : memref<!tpu.dma_semaphore, #tpu.memory_space<semaphore_mem>>) src(%dma_wait3A_152 : memref<128xf32, #tpu.memory_space<vmem>>) dst(%dma_wait3A_155 : memref<131072xf32, #tpu.memory_space<vmem_shared>>)
      }
      %while3A_125 = arith.constant 1 : i32
      scf.for %while3A_147 = %while3A_123 to %while3A_119 step %while3A_125  : i32 {
        %mul3A_148 = arith.constant 128 : i32
        %mul3A_149 = arith.muli %while3A_147, %mul3A_148 : i32
        %mul3A_150 = arith.constant 128 : i32
        %mul3A_151 = arith.muli %while3A_147, %mul3A_150 : i32
        %dma_wait3A_152 = tpu.memref_slice %arg9[%mul3A_149] : memref<13824xf32, #tpu.memory_space<vmem>> -> memref<128xf32, #tpu.memory_space<vmem>>
        %dma_wait3A_153 = tpu.memref_slice %arg8[%mul3A_151] : memref<13824xi32, #tpu.memory_space<vmem>> -> memref<128xi32, #tpu.memory_space<vmem>>
        %dma_wait3A_154 = arith.constant 0 : i32
        %dma_wait3A_155 = tpu.memref_slice %arg11[%dma_wait3A_154] : memref<131072xf32, #tpu.memory_space<vmem_shared>> -> memref<131072xf32, #tpu.memory_space<vmem_shared>>
        tpu.wait_indirect_dma semaphore(%arg13 : memref<!tpu.dma_semaphore, #tpu.memory_space<semaphore_mem>>) src(%dma_wait3A_152 : memref<128xf32, #tpu.memory_space<vmem>>) dst(%dma_wait3A_155 : memref<131072xf32, #tpu.memory_space<vmem_shared>>)
      }
      %scan3A_126 = arith.constant 0 : i32
      %scan3A_127 = arith.constant 0 : i32
      %scan3A_128 = arith.constant 32 : i32
      %scan3A_129 = arith.addi %scan3A_127, %scan3A_128 : i32
      %scan3A_130 = arith.constant 1 : i32
      scf.for %scan3A_147 = %scan3A_127 to %scan3A_129 step %scan3A_130  : i32 {
        %mul3A_148 = arith.constant 16 : i32
        %mul3A_149 = arith.muli %scan3A_147, %mul3A_148 : i32
        %add3A_150 = arith.constant 1536 : i32
        %add3A_151 = arith.addi %add3A_150, %mul3A_149 : i32
        %get3A = arith.index_cast %add3A_151 : i32 to index
        %get3A_152 = tpu.vector_load %arg5[%get3A] {strides = array<i32>} : memref<3072xf32, #tpu.memory_space<vmem>>, vector<16xf32>,
        %get3A_153 = vector.shape_cast %get3A_152 : vector<16xf32> to vector<16xf32>
        %add3A_154 = arith.constant 2048 : i32
        %add3A_155 = arith.addi %add3A_154, %mul3A_149 : i32
        %get3A_156 = arith.index_cast %add3A_155 : i32 to index
        %get3A_157 = tpu.vector_load %arg5[%get3A_156] {strides = array<i32>} : memref<3072xf32, #tpu.memory_space<vmem>>, vector<16xf32>,
        %get3A_158 = vector.shape_cast %get3A_157 : vector<16xf32> to vector<16xf32>
        %add3A_159 = arith.constant 2560 : i32
        %add3A_160 = arith.addi %add3A_159, %mul3A_149 : i32
        %get3A_161 = arith.index_cast %add3A_160 : i32 to index
        %get3A_162 = tpu.vector_load %arg5[%get3A_161] {strides = array<i32>} : memref<3072xf32, #tpu.memory_space<vmem>>, vector<16xf32>,
        %get3A_163 = vector.shape_cast %get3A_162 : vector<16xf32> to vector<16xf32>
        %max3A = arith.constant 22.6274166 : f32
        %max3A_164 = vector.broadcast %max3A : f32 to vector<16xf32>
        %max3A_165 = arith.maximumf %get3A_153, %max3A_164 : vector<16xf32>
        %max3A_166 = arith.constant 22.6274166 : f32
        %max3A_167 = vector.broadcast %max3A_166 : f32 to vector<16xf32>
        %max3A_168 = arith.maximumf %get3A_158, %max3A_167 : vector<16xf32>
        %max3A_169 = arith.constant 11.3137083 : f32
        %max3A_170 = vector.broadcast %max3A_169 : f32 to vector<16xf32>
        %max3A_171 = arith.maximumf %get3A_163, %max3A_170 : vector<16xf32>
        %get3A_172 = arith.index_cast %mul3A_149 : i32 to index
        %get3A_173 = tpu.vector_load %arg5[%get3A_172] {strides = array<i32>} : memref<3072xf32, #tpu.memory_space<vmem>>, vector<16xf32>,
        %get3A_174 = vector.shape_cast %get3A_173 : vector<16xf32> to vector<16xf32>
        %sub3A = arith.subf %get3A_153, %max3A_165 : vector<16xf32>
        %mul3A_175 = arith.constant 5.000000e-01 : f32
        %mul3A_176 = vector.broadcast %mul3A_175 : f32 to vector<16xf32>
        %mul3A_177 = arith.mulf %sub3A, %mul3A_176 : vector<16xf32>
        %add3A_178 = arith.addf %get3A_174, %mul3A_177 : vector<16xf32>
        %add3A_179 = arith.constant 512 : i32
        %add3A_180 = arith.addi %add3A_179, %mul3A_149 : i32
        %get3A_181 = arith.index_cast %add3A_180 : i32 to index
        %get3A_182 = tpu.vector_load %arg5[%get3A_181] {strides = array<i32>} : memref<3072xf32, #tpu.memory_space<vmem>>, vector<16xf32>,
        %get3A_183 = vector.shape_cast %get3A_182 : vector<16xf32> to vector<16xf32>
        %sub3A_184 = arith.subf %get3A_158, %max3A_168 : vector<16xf32>
        %mul3A_185 = arith.constant 5.000000e-01 : f32
        %mul3A_186 = vector.broadcast %mul3A_185 : f32 to vector<16xf32>
        %mul3A_187 = arith.mulf %sub3A_184, %mul3A_186 : vector<16xf32>
        %add3A_188 = arith.addf %get3A_183, %mul3A_187 : vector<16xf32>
        %add3A_189 = arith.constant 1024 : i32
        %add3A_190 = arith.addi %add3A_189, %mul3A_149 : i32
        %get3A_191 = arith.index_cast %add3A_190 : i32 to index
        %get3A_192 = tpu.vector_load %arg5[%get3A_191] {strides = array<i32>} : memref<3072xf32, #tpu.memory_space<vmem>>, vector<16xf32>,
        %get3A_193 = vector.shape_cast %get3A_192 : vector<16xf32> to vector<16xf32>
        %sub3A_194 = arith.subf %get3A_163, %max3A_171 : vector<16xf32>
        %mul3A_195 = arith.constant 5.000000e-01 : f32
        %mul3A_196 = vector.broadcast %mul3A_195 : f32 to vector<16xf32>
        %mul3A_197 = arith.mulf %sub3A_194, %mul3A_196 : vector<16xf32>
        %add3A_198 = arith.addf %get3A_193, %mul3A_197 : vector<16xf32>
        %mul3A_199 = arith.mulf %get3A_153, %get3A_158 : vector<16xf32>
        %mul3A_200 = arith.mulf %mul3A_199, %get3A_163 : vector<16xf32>
        %mul3A_201 = arith.mulf %max3A_165, %max3A_168 : vector<16xf32>
        %mul3A_202 = arith.mulf %mul3A_201, %max3A_171 : vector<16xf32>
        %div3A = arith.divf %mul3A_200, %mul3A_202 : vector<16xf32>
        %mul3A_203 = arith.constant 6.250000e-02 : f32
        %mul3A_204 = vector.broadcast %mul3A_203 : f32 to vector<16xf32>
        %mul3A_205 = arith.mulf %add3A_178, %mul3A_204 : vector<16xf32>
        %convert_element_type3A_206 = arith.fptosi %mul3A_205 : vector<16xf32> to vector<16xi32>
        %mul3A_207 = arith.constant 6.250000e-02 : f32
        %mul3A_208 = vector.broadcast %mul3A_207 : f32 to vector<16xf32>
        %mul3A_209 = arith.mulf %add3A_188, %mul3A_208 : vector<16xf32>
        %convert_element_type3A_210 = arith.fptosi %mul3A_209 : vector<16xf32> to vector<16xi32>
        %mul3A_211 = arith.constant 1.250000e-01 : f32
        %mul3A_212 = vector.broadcast %mul3A_211 : f32 to vector<16xf32>
        %mul3A_213 = arith.mulf %add3A_198, %mul3A_212 : vector<16xf32>
        %convert_element_type3A_214 = arith.fptosi %mul3A_213 : vector<16xf32> to vector<16xi32>
        %convert_element_type3A_215 = arith.sitofp %convert_element_type3A_206 : vector<16xi32> to vector<16xf32>
        %mul3A_216 = arith.constant 1.600000e+01 : f32
        %mul3A_217 = vector.broadcast %mul3A_216 : f32 to vector<16xf32>
        %mul3A_218 = arith.mulf %convert_element_type3A_215, %mul3A_217 : vector<16xf32>
        %sub3A_219 = arith.subf %add3A_178, %mul3A_218 : vector<16xf32>
        %convert_element_type3A_220 = arith.sitofp %convert_element_type3A_210 : vector<16xi32> to vector<16xf32>
        %mul3A_221 = arith.constant 1.600000e+01 : f32
        %mul3A_222 = vector.broadcast %mul3A_221 : f32 to vector<16xf32>
        %mul3A_223 = arith.mulf %convert_element_type3A_220, %mul3A_222 : vector<16xf32>
        %sub3A_224 = arith.subf %add3A_188, %mul3A_223 : vector<16xf32>
        %convert_element_type3A_225 = arith.sitofp %convert_element_type3A_214 : vector<16xi32> to vector<16xf32>
        %mul3A_226 = arith.constant 8.000000e+00 : f32
        %mul3A_227 = vector.broadcast %mul3A_226 : f32 to vector<16xf32>
        %mul3A_228 = arith.mulf %convert_element_type3A_225, %mul3A_227 : vector<16xf32>
        %sub3A_229 = arith.subf %add3A_198, %mul3A_228 : vector<16xf32>
        %sub3A_230 = arith.constant 1.600000e+01 : f32
        %sub3A_231 = vector.broadcast %sub3A_230 : f32 to vector<16xf32>
        %sub3A_232 = arith.subf %sub3A_231, %sub3A_219 : vector<16xf32>
        %add3A_233 = arith.addf %sub3A_219, %max3A_165 : vector<16xf32>
        %sub3A_234 = arith.constant 1.600000e+01 : f32
        %sub3A_235 = vector.broadcast %sub3A_234 : f32 to vector<16xf32>
        %sub3A_236 = arith.subf %add3A_233, %sub3A_235 : vector<16xf32>
        %jit3A = arith.constant 0.000000e+00 : f32
        %jit3A_237 = arith.constant 1.600000e+01 : f32
        %max3A_238 = vector.broadcast %jit3A : f32 to vector<16xf32>
        %max3A_239 = arith.maximumf %max3A_238, %sub3A_236 : vector<16xf32>
        %min3A = vector.broadcast %jit3A_237 : f32 to vector<16xf32>
        %min3A_240 = arith.minimumf %min3A, %max3A_239 : vector<16xf32>
        %add3A_241 = arith.addf %sub3A_219, %max3A_165 : vector<16xf32>
        %sub3A_242 = arith.constant 3.200000e+01 : f32
        %sub3A_243 = vector.broadcast %sub3A_242 : f32 to vector<16xf32>
        %sub3A_244 = arith.subf %add3A_241, %sub3A_243 : vector<16xf32>
        %jit3A_245 = arith.constant 0.000000e+00 : f32
        %jit3A_246 = arith.constant 1.600000e+01 : f32
        %max3A_247 = vector.broadcast %jit3A_245 : f32 to vector<16xf32>
        %max3A_248 = arith.maximumf %max3A_247, %sub3A_244 : vector<16xf32>
        %min3A_249 = vector.broadcast %jit3A_246 : f32 to vector<16xf32>
        %min3A_250 = arith.minimumf %min3A_249, %max3A_248 : vector<16xf32>
        %sub3A_251 = arith.constant 1.600000e+01 : f32
        %sub3A_252 = vector.broadcast %sub3A_251 : f32 to vector<16xf32>
        %sub3A_253 = arith.subf %sub3A_252, %sub3A_224 : vector<16xf32>
        %add3A_254 = arith.addf %sub3A_224, %max3A_168 : vector<16xf32>
        %sub3A_255 = arith.constant 1.600000e+01 : f32
        %sub3A_256 = vector.broadcast %sub3A_255 : f32 to vector<16xf32>
        %sub3A_257 = arith.subf %add3A_254, %sub3A_256 : vector<16xf32>
        %jit3A_258 = arith.constant 0.000000e+00 : f32
        %jit3A_259 = arith.constant 1.600000e+01 : f32
        %max3A_260 = vector.broadcast %jit3A_258 : f32 to vector<16xf32>
        %max3A_261 = arith.maximumf %max3A_260, %sub3A_257 : vector<16xf32>
        %min3A_262 = vector.broadcast %jit3A_259 : f32 to vector<16xf32>
        %min3A_263 = arith.minimumf %min3A_262, %max3A_261 : vector<16xf32>
        %add3A_264 = arith.addf %sub3A_224, %max3A_168 : vector<16xf32>
        %sub3A_265 = arith.constant 3.200000e+01 : f32
        %sub3A_266 = vector.broadcast %sub3A_265 : f32 to vector<16xf32>
        %sub3A_267 = arith.subf %add3A_264, %sub3A_266 : vector<16xf32>
        %jit3A_268 = arith.constant 0.000000e+00 : f32
        %jit3A_269 = arith.constant 1.600000e+01 : f32
        %max3A_270 = vector.broadcast %jit3A_268 : f32 to vector<16xf32>
        %max3A_271 = arith.maximumf %max3A_270, %sub3A_267 : vector<16xf32>
        %min3A_272 = vector.broadcast %jit3A_269 : f32 to vector<16xf32>
        %min3A_273 = arith.minimumf %min3A_272, %max3A_271 : vector<16xf32>
        %sub3A_274 = arith.constant 8.000000e+00 : f32
        %sub3A_275 = vector.broadcast %sub3A_274 : f32 to vector<16xf32>
        %sub3A_276 = arith.subf %sub3A_275, %sub3A_229 : vector<16xf32>
        %add3A_277 = arith.addf %sub3A_229, %max3A_171 : vector<16xf32>
        %sub3A_278 = arith.constant 8.000000e+00 : f32
        %sub3A_279 = vector.broadcast %sub3A_278 : f32 to vector<16xf32>
        %sub3A_280 = arith.subf %add3A_277, %sub3A_279 : vector<16xf32>
        %jit3A_281 = arith.constant 0.000000e+00 : f32
        %jit3A_282 = arith.constant 8.000000e+00 : f32
        %max3A_283 = vector.broadcast %jit3A_281 : f32 to vector<16xf32>
        %max3A_284 = arith.maximumf %max3A_283, %sub3A_280 : vector<16xf32>
        %min3A_285 = vector.broadcast %jit3A_282 : f32 to vector<16xf32>
        %min3A_286 = arith.minimumf %min3A_285, %max3A_284 : vector<16xf32>
        %add3A_287 = arith.addf %sub3A_229, %max3A_171 : vector<16xf32>
        %sub3A_288 = arith.constant 1.600000e+01 : f32
        %sub3A_289 = vector.broadcast %sub3A_288 : f32 to vector<16xf32>
        %sub3A_290 = arith.subf %add3A_287, %sub3A_289 : vector<16xf32>
        %jit3A_291 = arith.constant 0.000000e+00 : f32
        %jit3A_292 = arith.constant 8.000000e+00 : f32
        %max3A_293 = vector.broadcast %jit3A_291 : f32 to vector<16xf32>
        %max3A_294 = arith.maximumf %max3A_293, %sub3A_290 : vector<16xf32>
        %min3A_295 = vector.broadcast %jit3A_292 : f32 to vector<16xf32>
        %min3A_296 = arith.minimumf %min3A_295, %max3A_294 : vector<16xf32>
        %mul3A_297 = arith.constant 128 : i32
        %mul3A_298 = vector.broadcast %mul3A_297 : i32 to vector<16xi32>
        %mul3A_299 = arith.muli %convert_element_type3A_206, %mul3A_298 : vector<16xi32>
        %add3A_300 = arith.addi %mul3A_299, %convert_element_type3A_210 : vector<16xi32>
        %mul3A_301 = arith.constant 8 : i32
        %mul3A_302 = vector.broadcast %mul3A_301 : i32 to vector<16xi32>
        %mul3A_303 = arith.muli %add3A_300, %mul3A_302 : vector<16xi32>
        %add3A_304 = arith.addi %mul3A_303, %convert_element_type3A_214 : vector<16xi32>
        %mul3A_305 = arith.constant 16 : i32
        %mul3A_306 = arith.muli %scan3A_147, %mul3A_305 : i32
        %mul3A_307 = arith.mulf %div3A, %sub3A_232 : vector<16xf32>
        %mul3A_308 = arith.mulf %mul3A_307, %sub3A_253 : vector<16xf32>
        %add3A_309 = arith.constant 0 : i32
        %add3A_310 = vector.broadcast %add3A_309 : i32 to vector<16xi32>
        %add3A_311 = arith.addi %add3A_304, %add3A_310 : vector<16xi32>
        %add3A_312 = arith.constant 0 : i32
        %add3A_313 = vector.broadcast %add3A_312 : i32 to vector<16xi32>
        %add3A_314 = arith.addi %add3A_311, %add3A_313 : vector<16xi32>
        %add3A_315 = arith.constant 0 : i32
        %add3A_316 = arith.addi %add3A_315, %mul3A_306 : i32
        %swap3A = arith.index_cast %add3A_316 : i32 to index
        %swap3A_317 = tpu.vector_load %arg8[%swap3A] {strides = array<i32>} : memref<13824xi32, #tpu.memory_space<vmem>>, vector<16xi32>,
        %swap3A_318 = vector.shape_cast %swap3A_317 : vector<16xi32> to vector<16xi32>
        %swap3A_319 = vector.shape_cast %add3A_314 : vector<16xi32> to vector<16xi32>
        tpu.vector_store %arg8[%swap3A], %swap3A_319 {strides = array<i32>} : memref<13824xi32, #tpu.memory_space<vmem>>, vector<16xi32>,
        %mul3A_320 = arith.mulf %mul3A_308, %sub3A_276 : vector<16xf32>
        %add3A_321 = arith.constant 0 : i32
        %add3A_322 = arith.addi %add3A_321, %mul3A_306 : i32
        %swap3A_323 = arith.index_cast %add3A_322 : i32 to index
        %swap3A_324 = tpu.vector_load %arg9[%swap3A_323] {strides = array<i32>} : memref<13824xf32, #tpu.memory_space<vmem>>, vector<16xf32>,
        %swap3A_325 = vector.shape_cast %swap3A_324 : vector<16xf32> to vector<16xf32>
        %swap3A_326 = vector.shape_cast %mul3A_320 : vector<16xf32> to vector<16xf32>
        tpu.vector_store %arg9[%swap3A_323], %swap3A_326 {strides = array<i32>} : memref<13824xf32, #tpu.memory_space<vmem>>, vector<16xf32>,
        %add3A_327 = arith.constant 1 : i32
        %add3A_328 = vector.broadcast %add3A_327 : i32 to vector<16xi32>
        %add3A_329 = arith.addi %add3A_311, %add3A_328 : vector<16xi32>
        %add3A_330 = arith.constant 512 : i32
        %add3A_331 = arith.addi %add3A_330, %mul3A_306 : i32
        %swap3A_332 = arith.index_cast %add3A_331 : i32 to index
        %swap3A_333 = tpu.vector_load %arg8[%swap3A_332] {strides = array<i32>} : memref<13824xi32, #tpu.memory_space<vmem>>, vector<16xi32>,
        %swap3A_334 = vector.shape_cast %swap3A_333 : vector<16xi32> to vector<16xi32>
        %swap3A_335 = vector.shape_cast %add3A_329 : vector<16xi32> to vector<16xi32>
        tpu.vector_store %arg8[%swap3A_332], %swap3A_335 {strides = array<i32>} : memref<13824xi32, #tpu.memory_space<vmem>>, vector<16xi32>,
        %mul3A_336 = arith.mulf %mul3A_308, %min3A_286 : vector<16xf32>
        %add3A_337 = arith.constant 512 : i32
        %add3A_338 = arith.addi %add3A_337, %mul3A_306 : i32
        %swap3A_339 = arith.index_cast %add3A_338 : i32 to index
        %swap3A_340 = tpu.vector_load %arg9[%swap3A_339] {strides = array<i32>} : memref<13824xf32, #tpu.memory_space<vmem>>, vector<16xf32>,
        %swap3A_341 = vector.shape_cast %swap3A_340 : vector<16xf32> to vector<16xf32>
        %swap3A_342 = vector.shape_cast %mul3A_336 : vector<16xf32> to vector<16xf32>
        tpu.vector_store %arg9[%swap3A_339], %swap3A_342 {strides = array<i32>} : memref<13824xf32, #tpu.memory_space<vmem>>, vector<16xf32>,
        %add3A_343 = arith.constant 2 : i32
        %add3A_344 = vector.broadcast %add3A_343 : i32 to vector<16xi32>
        %add3A_345 = arith.addi %add3A_311, %add3A_344 : vector<16xi32>
        %add3A_346 = arith.constant 1024 : i32
        %add3A_347 = arith.addi %add3A_346, %mul3A_306 : i32
        %swap3A_348 = arith.index_cast %add3A_347 : i32 to index
        %swap3A_349 = tpu.vector_load %arg8[%swap3A_348] {strides = array<i32>} : memref<13824xi32, #tpu.memory_space<vmem>>, vector<16xi32>,
        %swap3A_350 = vector.shape_cast %swap3A_349 : vector<16xi32> to vector<16xi32>
        %swap3A_351 = vector.shape_cast %add3A_345 : vector<16xi32> to vector<16xi32>
        tpu.vector_store %arg8[%swap3A_348], %swap3A_351 {strides = array<i32>} : memref<13824xi32, #tpu.memory_space<vmem>>, vector<16xi32>,
        %mul3A_352 = arith.mulf %mul3A_308, %min3A_296 : vector<16xf32>
        %add3A_353 = arith.constant 1024 : i32
        %add3A_354 = arith.addi %add3A_353, %mul3A_306 : i32
        %swap3A_355 = arith.index_cast %add3A_354 : i32 to index
        %swap3A_356 = tpu.vector_load %arg9[%swap3A_355] {strides = array<i32>} : memref<13824xf32, #tpu.memory_space<vmem>>, vector<16xf32>,
        %swap3A_357 = vector.shape_cast %swap3A_356 : vector<16xf32> to vector<16xf32>
        %swap3A_358 = vector.shape_cast %mul3A_352 : vector<16xf32> to vector<16xf32>
        tpu.vector_store %arg9[%swap3A_355], %swap3A_358 {strides = array<i32>} : memref<13824xf32, #tpu.memory_space<vmem>>, vector<16xf32>,
        %mul3A_359 = arith.mulf %mul3A_307, %min3A_263 : vector<16xf32>
        %add3A_360 = arith.constant 8 : i32
        %add3A_361 = vector.broadcast %add3A_360 : i32 to vector<16xi32>
        %add3A_362 = arith.addi %add3A_304, %add3A_361 : vector<16xi32>
        %add3A_363 = arith.constant 0 : i32
        %add3A_364 = vector.broadcast %add3A_363 : i32 to vector<16xi32>
        %add3A_365 = arith.addi %add3A_362, %add3A_364 : vector<16xi32>
        %add3A_366 = arith.constant 1536 : i32
        %add3A_367 = arith.addi %add3A_366, %mul3A_306 : i32
        %swap3A_368 = arith.index_cast %add3A_367 : i32 to index
        %swap3A_369 = tpu.vector_load %arg8[%swap3A_368] {strides = array<i32>} : memref<13824xi32, #tpu.memory_space<vmem>>, vector<16xi32>,
        %swap3A_370 = vector.shape_cast %swap3A_369 : vector<16xi32> to vector<16xi32>
        %swap3A_371 = vector.shape_cast %add3A_365 : vector<16xi32> to vector<16xi32>
        tpu.vector_store %arg8[%swap3A_368], %swap3A_371 {strides = array<i32>} : memref<13824xi32, #tpu.memory_space<vmem>>, vector<16xi32>,
        %mul3A_372 = arith.mulf %mul3A_359, %sub3A_276 : vector<16xf32>
        %add3A_373 = arith.constant 1536 : i32
        %add3A_374 = arith.addi %add3A_373, %mul3A_306 : i32
        %swap3A_375 = arith.index_cast %add3A_374 : i32 to index
        %swap3A_376 = tpu.vector_load %arg9[%swap3A_375] {strides = array<i32>} : memref<13824xf32, #tpu.memory_space<vmem>>, vector<16xf32>,
        %swap3A_377 = vector.shape_cast %swap3A_376 : vector<16xf32> to vector<16xf32>
        %swap3A_378 = vector.shape_cast %mul3A_372 : vector<16xf32> to vector<16xf32>
        tpu.vector_store %arg9[%swap3A_375], %swap3A_378 {strides = array<i32>} : memref<13824xf32, #tpu.memory_space<vmem>>, vector<16xf32>,
        %add3A_379 = arith.constant 1 : i32
        %add3A_380 = vector.broadcast %add3A_379 : i32 to vector<16xi32>
        %add3A_381 = arith.addi %add3A_362, %add3A_380 : vector<16xi32>
        %add3A_382 = arith.constant 2048 : i32
        %add3A_383 = arith.addi %add3A_382, %mul3A_306 : i32
        %swap3A_384 = arith.index_cast %add3A_383 : i32 to index
        %swap3A_385 = tpu.vector_load %arg8[%swap3A_384] {strides = array<i32>} : memref<13824xi32, #tpu.memory_space<vmem>>, vector<16xi32>,
        %swap3A_386 = vector.shape_cast %swap3A_385 : vector<16xi32> to vector<16xi32>
        %swap3A_387 = vector.shape_cast %add3A_381 : vector<16xi32> to vector<16xi32>
        tpu.vector_store %arg8[%swap3A_384], %swap3A_387 {strides = array<i32>} : memref<13824xi32, #tpu.memory_space<vmem>>, vector<16xi32>,
        %mul3A_388 = arith.mulf %mul3A_359, %min3A_286 : vector<16xf32>
        %add3A_389 = arith.constant 2048 : i32
        %add3A_390 = arith.addi %add3A_389, %mul3A_306 : i32
        %swap3A_391 = arith.index_cast %add3A_390 : i32 to index
        %swap3A_392 = tpu.vector_load %arg9[%swap3A_391] {strides = array<i32>} : memref<13824xf32, #tpu.memory_space<vmem>>, vector<16xf32>,
        %swap3A_393 = vector.shape_cast %swap3A_392 : vector<16xf32> to vector<16xf32>
        %swap3A_394 = vector.shape_cast %mul3A_388 : vector<16xf32> to vector<16xf32>
        tpu.vector_store %arg9[%swap3A_391], %swap3A_394 {strides = array<i32>} : memref<13824xf32, #tpu.memory_space<vmem>>, vector<16xf32>,
        %add3A_395 = arith.constant 2 : i32
        %add3A_396 = vector.broadcast %add3A_395 : i32 to vector<16xi32>
        %add3A_397 = arith.addi %add3A_362, %add3A_396 : vector<16xi32>
        %add3A_398 = arith.constant 2560 : i32
        %add3A_399 = arith.addi %add3A_398, %mul3A_306 : i32
        %swap3A_400 = arith.index_cast %add3A_399 : i32 to index
        %swap3A_401 = tpu.vector_load %arg8[%swap3A_400] {strides = array<i32>} : memref<13824xi32, #tpu.memory_space<vmem>>, vector<16xi32>,
        %swap3A_402 = vector.shape_cast %swap3A_401 : vector<16xi32> to vector<16xi32>
        %swap3A_403 = vector.shape_cast %add3A_397 : vector<16xi32> to vector<16xi32>
        tpu.vector_store %arg8[%swap3A_400], %swap3A_403 {strides = array<i32>} : memref<13824xi32, #tpu.memory_space<vmem>>, vector<16xi32>,
        %mul3A_404 = arith.mulf %mul3A_359, %min3A_296 : vector<16xf32>
        %add3A_405 = arith.constant 2560 : i32
        %add3A_406 = arith.addi %add3A_405, %mul3A_306 : i32
        %swap3A_407 = arith.index_cast %add3A_406 : i32 to index
        %swap3A_408 = tpu.vector_load %arg9[%swap3A_407] {strides = array<i32>} : memref<13824xf32, #tpu.memory_space<vmem>>, vector<16xf32>,
        %swap3A_409 = vector.shape_cast %swap3A_408 : vector<16xf32> to vector<16xf32>
        %swap3A_410 = vector.shape_cast %mul3A_404 : vector<16xf32> to vector<16xf32>
        tpu.vector_store %arg9[%swap3A_407], %swap3A_410 {strides = array<i32>} : memref<13824xf32, #tpu.memory_space<vmem>>, vector<16xf32>,
        %mul3A_411 = arith.mulf %mul3A_307, %min3A_273 : vector<16xf32>
        %add3A_412 = arith.constant 16 : i32
        %add3A_413 = vector.broadcast %add3A_412 : i32 to vector<16xi32>
        %add3A_414 = arith.addi %add3A_304, %add3A_413 : vector<16xi32>
        %add3A_415 = arith.constant 0 : i32
        %add3A_416 = vector.broadcast %add3A_415 : i32 to vector<16xi32>
        %add3A_417 = arith.addi %add3A_414, %add3A_416 : vector<16xi32>
        %add3A_418 = arith.constant 3072 : i32
        %add3A_419 = arith.addi %add3A_418, %mul3A_306 : i32
        %swap3A_420 = arith.index_cast %add3A_419 : i32 to index
        %swap3A_421 = tpu.vector_load %arg8[%swap3A_420] {strides = array<i32>} : memref<13824xi32, #tpu.memory_space<vmem>>, vector<16xi32>,
        %swap3A_422 = vector.shape_cast %swap3A_421 : vector<16xi32> to vector<16xi32>
        %swap3A_423 = vector.shape_cast %add3A_417 : vector<16xi32> to vector<16xi32>
        tpu.vector_store %arg8[%swap3A_420], %swap3A_423 {strides = array<i32>} : memref<13824xi32, #tpu.memory_space<vmem>>, vector<16xi32>,
        %mul3A_424 = arith.mulf %mul3A_411, %sub3A_276 : vector<16xf32>
        %add3A_425 = arith.constant 3072 : i32
        %add3A_426 = arith.addi %add3A_425, %mul3A_306 : i32
        %swap3A_427 = arith.index_cast %add3A_426 : i32 to index
        %swap3A_428 = tpu.vector_load %arg9[%swap3A_427] {strides = array<i32>} : memref<13824xf32, #tpu.memory_space<vmem>>, vector<16xf32>,
        %swap3A_429 = vector.shape_cast %swap3A_428 : vector<16xf32> to vector<16xf32>
        %swap3A_430 = vector.shape_cast %mul3A_424 : vector<16xf32> to vector<16xf32>
        tpu.vector_store %arg9[%swap3A_427], %swap3A_430 {strides = array<i32>} : memref<13824xf32, #tpu.memory_space<vmem>>, vector<16xf32>,
        %add3A_431 = arith.constant 1 : i32
        %add3A_432 = vector.broadcast %add3A_431 : i32 to vector<16xi32>
        %add3A_433 = arith.addi %add3A_414, %add3A_432 : vector<16xi32>
        %add3A_434 = arith.constant 3584 : i32
        %add3A_435 = arith.addi %add3A_434, %mul3A_306 : i32
        %swap3A_436 = arith.index_cast %add3A_435 : i32 to index
        %swap3A_437 = tpu.vector_load %arg8[%swap3A_436] {strides = array<i32>} : memref<13824xi32, #tpu.memory_space<vmem>>, vector<16xi32>,
        %swap3A_438 = vector.shape_cast %swap3A_437 : vector<16xi32> to vector<16xi32>
        %swap3A_439 = vector.shape_cast %add3A_433 : vector<16xi32> to vector<16xi32>
        tpu.vector_store %arg8[%swap3A_436], %swap3A_439 {strides = array<i32>} : memref<13824xi32, #tpu.memory_space<vmem>>, vector<16xi32>,
        %mul3A_440 = arith.mulf %mul3A_411, %min3A_286 : vector<16xf32>
        %add3A_441 = arith.constant 3584 : i32
        %add3A_442 = arith.addi %add3A_441, %mul3A_306 : i32
        %swap3A_443 = arith.index_cast %add3A_442 : i32 to index
        %swap3A_444 = tpu.vector_load %arg9[%swap3A_443] {strides = array<i32>} : memref<13824xf32, #tpu.memory_space<vmem>>, vector<16xf32>,
        %swap3A_445 = vector.shape_cast %swap3A_444 : vector<16xf32> to vector<16xf32>
        %swap3A_446 = vector.shape_cast %mul3A_440 : vector<16xf32> to vector<16xf32>
        tpu.vector_store %arg9[%swap3A_443], %swap3A_446 {strides = array<i32>} : memref<13824xf32, #tpu.memory_space<vmem>>, vector<16xf32>,
        %add3A_447 = arith.constant 2 : i32
        %add3A_448 = vector.broadcast %add3A_447 : i32 to vector<16xi32>
        %add3A_449 = arith.addi %add3A_414, %add3A_448 : vector<16xi32>
        %add3A_450 = arith.constant 4096 : i32
        %add3A_451 = arith.addi %add3A_450, %mul3A_306 : i32
        %swap3A_452 = arith.index_cast %add3A_451 : i32 to index
        %swap3A_453 = tpu.vector_load %arg8[%swap3A_452] {strides = array<i32>} : memref<13824xi32, #tpu.memory_space<vmem>>, vector<16xi32>,
        %swap3A_454 = vector.shape_cast %swap3A_453 : vector<16xi32> to vector<16xi32>
        %swap3A_455 = vector.shape_cast %add3A_449 : vector<16xi32> to vector<16xi32>
        tpu.vector_store %arg8[%swap3A_452], %swap3A_455 {strides = array<i32>} : memref<13824xi32, #tpu.memory_space<vmem>>, vector<16xi32>,
        %mul3A_456 = arith.mulf %mul3A_411, %min3A_296 : vector<16xf32>
        %add3A_457 = arith.constant 4096 : i32
        %add3A_458 = arith.addi %add3A_457, %mul3A_306 : i32
        %swap3A_459 = arith.index_cast %add3A_458 : i32 to index
        %swap3A_460 = tpu.vector_load %arg9[%swap3A_459] {strides = array<i32>} : memref<13824xf32, #tpu.memory_space<vmem>>, vector<16xf32>,
        %swap3A_461 = vector.shape_cast %swap3A_460 : vector<16xf32> to vector<16xf32>
        %swap3A_462 = vector.shape_cast %mul3A_456 : vector<16xf32> to vector<16xf32>
        tpu.vector_store %arg9[%swap3A_459], %swap3A_462 {strides = array<i32>} : memref<13824xf32, #tpu.memory_space<vmem>>, vector<16xf32>,
        %mul3A_463 = arith.mulf %div3A, %min3A_240 : vector<16xf32>
        %mul3A_464 = arith.mulf %mul3A_463, %sub3A_253 : vector<16xf32>
        %add3A_465 = arith.constant 1024 : i32
        %add3A_466 = vector.broadcast %add3A_465 : i32 to vector<16xi32>
        %add3A_467 = arith.addi %add3A_304, %add3A_466 : vector<16xi32>
        %add3A_468 = arith.constant 0 : i32
        %add3A_469 = vector.broadcast %add3A_468 : i32 to vector<16xi32>
        %add3A_470 = arith.addi %add3A_467, %add3A_469 : vector<16xi32>
        %add3A_471 = arith.constant 4608 : i32
        %add3A_472 = arith.addi %add3A_471, %mul3A_306 : i32
        %swap3A_473 = arith.index_cast %add3A_472 : i32 to index
        %swap3A_474 = tpu.vector_load %arg8[%swap3A_473] {strides = array<i32>} : memref<13824xi32, #tpu.memory_space<vmem>>, vector<16xi32>,
        %swap3A_475 = vector.shape_cast %swap3A_474 : vector<16xi32> to vector<16xi32>
        %swap3A_476 = vector.shape_cast %add3A_470 : vector<16xi32> to vector<16xi32>
        tpu.vector_store %arg8[%swap3A_473], %swap3A_476 {strides = array<i32>} : memref<13824xi32, #tpu.memory_space<vmem>>, vector<16xi32>,
        %mul3A_477 = arith.mulf %mul3A_464, %sub3A_276 : vector<16xf32>
        %add3A_478 = arith.constant 4608 : i32
        %add3A_479 = arith.addi %add3A_478, %mul3A_306 : i32
        %swap3A_480 = arith.index_cast %add3A_479 : i32 to index
        %swap3A_481 = tpu.vector_load %arg9[%swap3A_480] {strides = array<i32>} : memref<13824xf32, #tpu.memory_space<vmem>>, vector<16xf32>,
        %swap3A_482 = vector.shape_cast %swap3A_481 : vector<16xf32> to vector<16xf32>
        %swap3A_483 = vector.shape_cast %mul3A_477 : vector<16xf32> to vector<16xf32>
        tpu.vector_store %arg9[%swap3A_480], %swap3A_483 {strides = array<i32>} : memref<13824xf32, #tpu.memory_space<vmem>>, vector<16xf32>,
        %add3A_484 = arith.constant 1 : i32
        %add3A_485 = vector.broadcast %add3A_484 : i32 to vector<16xi32>
        %add3A_486 = arith.addi %add3A_467, %add3A_485 : vector<16xi32>
        %add3A_487 = arith.constant 5120 : i32
        %add3A_488 = arith.addi %add3A_487, %mul3A_306 : i32
        %swap3A_489 = arith.index_cast %add3A_488 : i32 to index
        %swap3A_490 = tpu.vector_load %arg8[%swap3A_489] {strides = array<i32>} : memref<13824xi32, #tpu.memory_space<vmem>>, vector<16xi32>,
        %swap3A_491 = vector.shape_cast %swap3A_490 : vector<16xi32> to vector<16xi32>
        %swap3A_492 = vector.shape_cast %add3A_486 : vector<16xi32> to vector<16xi32>
        tpu.vector_store %arg8[%swap3A_489], %swap3A_492 {strides = array<i32>} : memref<13824xi32, #tpu.memory_space<vmem>>, vector<16xi32>,
        %mul3A_493 = arith.mulf %mul3A_464, %min3A_286 : vector<16xf32>
        %add3A_494 = arith.constant 5120 : i32
        %add3A_495 = arith.addi %add3A_494, %mul3A_306 : i32
        %swap3A_496 = arith.index_cast %add3A_495 : i32 to index
        %swap3A_497 = tpu.vector_load %arg9[%swap3A_496] {strides = array<i32>} : memref<13824xf32, #tpu.memory_space<vmem>>, vector<16xf32>,
        %swap3A_498 = vector.shape_cast %swap3A_497 : vector<16xf32> to vector<16xf32>
        %swap3A_499 = vector.shape_cast %mul3A_493 : vector<16xf32> to vector<16xf32>
        tpu.vector_store %arg9[%swap3A_496], %swap3A_499 {strides = array<i32>} : memref<13824xf32, #tpu.memory_space<vmem>>, vector<16xf32>,
        %add3A_500 = arith.constant 2 : i32
        %add3A_501 = vector.broadcast %add3A_500 : i32 to vector<16xi32>
        %add3A_502 = arith.addi %add3A_467, %add3A_501 : vector<16xi32>
        %add3A_503 = arith.constant 5632 : i32
        %add3A_504 = arith.addi %add3A_503, %mul3A_306 : i32
        %swap3A_505 = arith.index_cast %add3A_504 : i32 to index
        %swap3A_506 = tpu.vector_load %arg8[%swap3A_505] {strides = array<i32>} : memref<13824xi32, #tpu.memory_space<vmem>>, vector<16xi32>,
        %swap3A_507 = vector.shape_cast %swap3A_506 : vector<16xi32> to vector<16xi32>
        %swap3A_508 = vector.shape_cast %add3A_502 : vector<16xi32> to vector<16xi32>
        tpu.vector_store %arg8[%swap3A_505], %swap3A_508 {strides = array<i32>} : memref<13824xi32, #tpu.memory_space<vmem>>, vector<16xi32>,
        %mul3A_509 = arith.mulf %mul3A_464, %min3A_296 : vector<16xf32>
        %add3A_510 = arith.constant 5632 : i32
        %add3A_511 = arith.addi %add3A_510, %mul3A_306 : i32
        %swap3A_512 = arith.index_cast %add3A_511 : i32 to index
        %swap3A_513 = tpu.vector_load %arg9[%swap3A_512] {strides = array<i32>} : memref<13824xf32, #tpu.memory_space<vmem>>, vector<16xf32>,
        %swap3A_514 = vector.shape_cast %swap3A_513 : vector<16xf32> to vector<16xf32>
        %swap3A_515 = vector.shape_cast %mul3A_509 : vector<16xf32> to vector<16xf32>
        tpu.vector_store %arg9[%swap3A_512], %swap3A_515 {strides = array<i32>} : memref<13824xf32, #tpu.memory_space<vmem>>, vector<16xf32>,
        %mul3A_516 = arith.mulf %mul3A_463, %min3A_263 : vector<16xf32>
        %add3A_517 = arith.constant 1032 : i32
        %add3A_518 = vector.broadcast %add3A_517 : i32 to vector<16xi32>
        %add3A_519 = arith.addi %add3A_304, %add3A_518 : vector<16xi32>
        %add3A_520 = arith.constant 0 : i32
        %add3A_521 = vector.broadcast %add3A_520 : i32 to vector<16xi32>
        %add3A_522 = arith.addi %add3A_519, %add3A_521 : vector<16xi32>
        %add3A_523 = arith.constant 6144 : i32
        %add3A_524 = arith.addi %add3A_523, %mul3A_306 : i32
        %swap3A_525 = arith.index_cast %add3A_524 : i32 to index
        %swap3A_526 = tpu.vector_load %arg8[%swap3A_525] {strides = array<i32>} : memref<13824xi32, #tpu.memory_space<vmem>>, vector<16xi32>,
        %swap3A_527 = vector.shape_cast %swap3A_526 : vector<16xi32> to vector<16xi32>
        %swap3A_528 = vector.shape_cast %add3A_522 : vector<16xi32> to vector<16xi32>
        tpu.vector_store %arg8[%swap3A_525], %swap3A_528 {strides = array<i32>} : memref<13824xi32, #tpu.memory_space<vmem>>, vector<16xi32>,
        %mul3A_529 = arith.mulf %mul3A_516, %sub3A_276 : vector<16xf32>
        %add3A_530 = arith.constant 6144 : i32
        %add3A_531 = arith.addi %add3A_530, %mul3A_306 : i32
        %swap3A_532 = arith.index_cast %add3A_531 : i32 to index
        %swap3A_533 = tpu.vector_load %arg9[%swap3A_532] {strides = array<i32>} : memref<13824xf32, #tpu.memory_space<vmem>>, vector<16xf32>,
        %swap3A_534 = vector.shape_cast %swap3A_533 : vector<16xf32> to vector<16xf32>
        %swap3A_535 = vector.shape_cast %mul3A_529 : vector<16xf32> to vector<16xf32>
        tpu.vector_store %arg9[%swap3A_532], %swap3A_535 {strides = array<i32>} : memref<13824xf32, #tpu.memory_space<vmem>>, vector<16xf32>,
        %add3A_536 = arith.constant 1 : i32
        %add3A_537 = vector.broadcast %add3A_536 : i32 to vector<16xi32>
        %add3A_538 = arith.addi %add3A_519, %add3A_537 : vector<16xi32>
        %add3A_539 = arith.constant 6656 : i32
        %add3A_540 = arith.addi %add3A_539, %mul3A_306 : i32
        %swap3A_541 = arith.index_cast %add3A_540 : i32 to index
        %swap3A_542 = tpu.vector_load %arg8[%swap3A_541] {strides = array<i32>} : memref<13824xi32, #tpu.memory_space<vmem>>, vector<16xi32>,
        %swap3A_543 = vector.shape_cast %swap3A_542 : vector<16xi32> to vector<16xi32>
        %swap3A_544 = vector.shape_cast %add3A_538 : vector<16xi32> to vector<16xi32>
        tpu.vector_store %arg8[%swap3A_541], %swap3A_544 {strides = array<i32>} : memref<13824xi32, #tpu.memory_space<vmem>>, vector<16xi32>,
        %mul3A_545 = arith.mulf %mul3A_516, %min3A_286 : vector<16xf32>
        %add3A_546 = arith.constant 6656 : i32
        %add3A_547 = arith.addi %add3A_546, %mul3A_306 : i32
        %swap3A_548 = arith.index_cast %add3A_547 : i32 to index
        %swap3A_549 = tpu.vector_load %arg9[%swap3A_548] {strides = array<i32>} : memref<13824xf32, #tpu.memory_space<vmem>>, vector<16xf32>,
        %swap3A_550 = vector.shape_cast %swap3A_549 : vector<16xf32> to vector<16xf32>
        %swap3A_551 = vector.shape_cast %mul3A_545 : vector<16xf32> to vector<16xf32>
        tpu.vector_store %arg9[%swap3A_548], %swap3A_551 {strides = array<i32>} : memref<13824xf32, #tpu.memory_space<vmem>>, vector<16xf32>,
        %add3A_552 = arith.constant 2 : i32
        %add3A_553 = vector.broadcast %add3A_552 : i32 to vector<16xi32>
        %add3A_554 = arith.addi %add3A_519, %add3A_553 : vector<16xi32>
        %add3A_555 = arith.constant 7168 : i32
        %add3A_556 = arith.addi %add3A_555, %mul3A_306 : i32
        %swap3A_557 = arith.index_cast %add3A_556 : i32 to index
        %swap3A_558 = tpu.vector_load %arg8[%swap3A_557] {strides = array<i32>} : memref<13824xi32, #tpu.memory_space<vmem>>, vector<16xi32>,
        %swap3A_559 = vector.shape_cast %swap3A_558 : vector<16xi32> to vector<16xi32>
        %swap3A_560 = vector.shape_cast %add3A_554 : vector<16xi32> to vector<16xi32>
        tpu.vector_store %arg8[%swap3A_557], %swap3A_560 {strides = array<i32>} : memref<13824xi32, #tpu.memory_space<vmem>>, vector<16xi32>,
        %mul3A_561 = arith.mulf %mul3A_516, %min3A_296 : vector<16xf32>
        %add3A_562 = arith.constant 7168 : i32
        %add3A_563 = arith.addi %add3A_562, %mul3A_306 : i32
        %swap3A_564 = arith.index_cast %add3A_563 : i32 to index
        %swap3A_565 = tpu.vector_load %arg9[%swap3A_564] {strides = array<i32>} : memref<13824xf32, #tpu.memory_space<vmem>>, vector<16xf32>,
        %swap3A_566 = vector.shape_cast %swap3A_565 : vector<16xf32> to vector<16xf32>
        %swap3A_567 = vector.shape_cast %mul3A_561 : vector<16xf32> to vector<16xf32>
        tpu.vector_store %arg9[%swap3A_564], %swap3A_567 {strides = array<i32>} : memref<13824xf32, #tpu.memory_space<vmem>>, vector<16xf32>,
        %mul3A_568 = arith.mulf %mul3A_463, %min3A_273 : vector<16xf32>
        %add3A_569 = arith.constant 1040 : i32
        %add3A_570 = vector.broadcast %add3A_569 : i32 to vector<16xi32>
        %add3A_571 = arith.addi %add3A_304, %add3A_570 : vector<16xi32>
        %add3A_572 = arith.constant 0 : i32
        %add3A_573 = vector.broadcast %add3A_572 : i32 to vector<16xi32>
        %add3A_574 = arith.addi %add3A_571, %add3A_573 : vector<16xi32>
        %add3A_575 = arith.constant 7680 : i32
        %add3A_576 = arith.addi %add3A_575, %mul3A_306 : i32
        %swap3A_577 = arith.index_cast %add3A_576 : i32 to index
        %swap3A_578 = tpu.vector_load %arg8[%swap3A_577] {strides = array<i32>} : memref<13824xi32, #tpu.memory_space<vmem>>, vector<16xi32>,
        %swap3A_579 = vector.shape_cast %swap3A_578 : vector<16xi32> to vector<16xi32>
        %swap3A_580 = vector.shape_cast %add3A_574 : vector<16xi32> to vector<16xi32>
        tpu.vector_store %arg8[%swap3A_577], %swap3A_580 {strides = array<i32>} : memref<13824xi32, #tpu.memory_space<vmem>>, vector<16xi32>,
        %mul3A_581 = arith.mulf %mul3A_568, %sub3A_276 : vector<16xf32>
        %add3A_582 = arith.constant 7680 : i32
        %add3A_583 = arith.addi %add3A_582, %mul3A_306 : i32
        %swap3A_584 = arith.index_cast %add3A_583 : i32 to index
        %swap3A_585 = tpu.vector_load %arg9[%swap3A_584] {strides = array<i32>} : memref<13824xf32, #tpu.memory_space<vmem>>, vector<16xf32>,
        %swap3A_586 = vector.shape_cast %swap3A_585 : vector<16xf32> to vector<16xf32>
        %swap3A_587 = vector.shape_cast %mul3A_581 : vector<16xf32> to vector<16xf32>
        tpu.vector_store %arg9[%swap3A_584], %swap3A_587 {strides = array<i32>} : memref<13824xf32, #tpu.memory_space<vmem>>, vector<16xf32>,
        %add3A_588 = arith.constant 1 : i32
        %add3A_589 = vector.broadcast %add3A_588 : i32 to vector<16xi32>
        %add3A_590 = arith.addi %add3A_571, %add3A_589 : vector<16xi32>
        %add3A_591 = arith.constant 8192 : i32
        %add3A_592 = arith.addi %add3A_591, %mul3A_306 : i32
        %swap3A_593 = arith.index_cast %add3A_592 : i32 to index
        %swap3A_594 = tpu.vector_load %arg8[%swap3A_593] {strides = array<i32>} : memref<13824xi32, #tpu.memory_space<vmem>>, vector<16xi32>,
        %swap3A_595 = vector.shape_cast %swap3A_594 : vector<16xi32> to vector<16xi32>
        %swap3A_596 = vector.shape_cast %add3A_590 : vector<16xi32> to vector<16xi32>
        tpu.vector_store %arg8[%swap3A_593], %swap3A_596 {strides = array<i32>} : memref<13824xi32, #tpu.memory_space<vmem>>, vector<16xi32>,
        %mul3A_597 = arith.mulf %mul3A_568, %min3A_286 : vector<16xf32>
        %add3A_598 = arith.constant 8192 : i32
        %add3A_599 = arith.addi %add3A_598, %mul3A_306 : i32
        %swap3A_600 = arith.index_cast %add3A_599 : i32 to index
        %swap3A_601 = tpu.vector_load %arg9[%swap3A_600] {strides = array<i32>} : memref<13824xf32, #tpu.memory_space<vmem>>, vector<16xf32>,
        %swap3A_602 = vector.shape_cast %swap3A_601 : vector<16xf32> to vector<16xf32>
        %swap3A_603 = vector.shape_cast %mul3A_597 : vector<16xf32> to vector<16xf32>
        tpu.vector_store %arg9[%swap3A_600], %swap3A_603 {strides = array<i32>} : memref<13824xf32, #tpu.memory_space<vmem>>, vector<16xf32>,
        %add3A_604 = arith.constant 2 : i32
        %add3A_605 = vector.broadcast %add3A_604 : i32 to vector<16xi32>
        %add3A_606 = arith.addi %add3A_571, %add3A_605 : vector<16xi32>
        %add3A_607 = arith.constant 8704 : i32
        %add3A_608 = arith.addi %add3A_607, %mul3A_306 : i32
        %swap3A_609 = arith.index_cast %add3A_608 : i32 to index
        %swap3A_610 = tpu.vector_load %arg8[%swap3A_609] {strides = array<i32>} : memref<13824xi32, #tpu.memory_space<vmem>>, vector<16xi32>,
        %swap3A_611 = vector.shape_cast %swap3A_610 : vector<16xi32> to vector<16xi32>
        %swap3A_612 = vector.shape_cast %add3A_606 : vector<16xi32> to vector<16xi32>
        tpu.vector_store %arg8[%swap3A_609], %swap3A_612 {strides = array<i32>} : memref<13824xi32, #tpu.memory_space<vmem>>, vector<16xi32>,
        %mul3A_613 = arith.mulf %mul3A_568, %min3A_296 : vector<16xf32>
        %add3A_614 = arith.constant 8704 : i32
        %add3A_615 = arith.addi %add3A_614, %mul3A_306 : i32
        %swap3A_616 = arith.index_cast %add3A_615 : i32 to index
        %swap3A_617 = tpu.vector_load %arg9[%swap3A_616] {strides = array<i32>} : memref<13824xf32, #tpu.memory_space<vmem>>, vector<16xf32>,
        %swap3A_618 = vector.shape_cast %swap3A_617 : vector<16xf32> to vector<16xf32>
        %swap3A_619 = vector.shape_cast %mul3A_613 : vector<16xf32> to vector<16xf32>
        tpu.vector_store %arg9[%swap3A_616], %swap3A_619 {strides = array<i32>} : memref<13824xf32, #tpu.memory_space<vmem>>, vector<16xf32>,
        %mul3A_620 = arith.mulf %div3A, %min3A_250 : vector<16xf32>
        %mul3A_621 = arith.mulf %mul3A_620, %sub3A_253 : vector<16xf32>
        %add3A_622 = arith.constant 2048 : i32
        %add3A_623 = vector.broadcast %add3A_622 : i32 to vector<16xi32>
        %add3A_624 = arith.addi %add3A_304, %add3A_623 : vector<16xi32>
        %add3A_625 = arith.constant 0 : i32
        %add3A_626 = vector.broadcast %add3A_625 : i32 to vector<16xi32>
        %add3A_627 = arith.addi %add3A_624, %add3A_626 : vector<16xi32>
        %add3A_628 = arith.constant 9216 : i32
        %add3A_629 = arith.addi %add3A_628, %mul3A_306 : i32
        %swap3A_630 = arith.index_cast %add3A_629 : i32 to index
        %swap3A_631 = tpu.vector_load %arg8[%swap3A_630] {strides = array<i32>} : memref<13824xi32, #tpu.memory_space<vmem>>, vector<16xi32>,
        %swap3A_632 = vector.shape_cast %swap3A_631 : vector<16xi32> to vector<16xi32>
        %swap3A_633 = vector.shape_cast %add3A_627 : vector<16xi32> to vector<16xi32>
        tpu.vector_store %arg8[%swap3A_630], %swap3A_633 {strides = array<i32>} : memref<13824xi32, #tpu.memory_space<vmem>>, vector<16xi32>,
        %mul3A_634 = arith.mulf %mul3A_621, %sub3A_276 : vector<16xf32>
        %add3A_635 = arith.constant 9216 : i32
        %add3A_636 = arith.addi %add3A_635, %mul3A_306 : i32
        %swap3A_637 = arith.index_cast %add3A_636 : i32 to index
        %swap3A_638 = tpu.vector_load %arg9[%swap3A_637] {strides = array<i32>} : memref<13824xf32, #tpu.memory_space<vmem>>, vector<16xf32>,
        %swap3A_639 = vector.shape_cast %swap3A_638 : vector<16xf32> to vector<16xf32>
        %swap3A_640 = vector.shape_cast %mul3A_634 : vector<16xf32> to vector<16xf32>
        tpu.vector_store %arg9[%swap3A_637], %swap3A_640 {strides = array<i32>} : memref<13824xf32, #tpu.memory_space<vmem>>, vector<16xf32>,
        %add3A_641 = arith.constant 1 : i32
        %add3A_642 = vector.broadcast %add3A_641 : i32 to vector<16xi32>
        %add3A_643 = arith.addi %add3A_624, %add3A_642 : vector<16xi32>
        %add3A_644 = arith.constant 9728 : i32
        %add3A_645 = arith.addi %add3A_644, %mul3A_306 : i32
        %swap3A_646 = arith.index_cast %add3A_645 : i32 to index
        %swap3A_647 = tpu.vector_load %arg8[%swap3A_646] {strides = array<i32>} : memref<13824xi32, #tpu.memory_space<vmem>>, vector<16xi32>,
        %swap3A_648 = vector.shape_cast %swap3A_647 : vector<16xi32> to vector<16xi32>
        %swap3A_649 = vector.shape_cast %add3A_643 : vector<16xi32> to vector<16xi32>
        tpu.vector_store %arg8[%swap3A_646], %swap3A_649 {strides = array<i32>} : memref<13824xi32, #tpu.memory_space<vmem>>, vector<16xi32>,
        %mul3A_650 = arith.mulf %mul3A_621, %min3A_286 : vector<16xf32>
        %add3A_651 = arith.constant 9728 : i32
        %add3A_652 = arith.addi %add3A_651, %mul3A_306 : i32
        %swap3A_653 = arith.index_cast %add3A_652 : i32 to index
        %swap3A_654 = tpu.vector_load %arg9[%swap3A_653] {strides = array<i32>} : memref<13824xf32, #tpu.memory_space<vmem>>, vector<16xf32>,
        %swap3A_655 = vector.shape_cast %swap3A_654 : vector<16xf32> to vector<16xf32>
        %swap3A_656 = vector.shape_cast %mul3A_650 : vector<16xf32> to vector<16xf32>
        tpu.vector_store %arg9[%swap3A_653], %swap3A_656 {strides = array<i32>} : memref<13824xf32, #tpu.memory_space<vmem>>, vector<16xf32>,
        %add3A_657 = arith.constant 2 : i32
        %add3A_658 = vector.broadcast %add3A_657 : i32 to vector<16xi32>
        %add3A_659 = arith.addi %add3A_624, %add3A_658 : vector<16xi32>
        %add3A_660 = arith.constant 10240 : i32
        %add3A_661 = arith.addi %add3A_660, %mul3A_306 : i32
        %swap3A_662 = arith.index_cast %add3A_661 : i32 to index
        %swap3A_663 = tpu.vector_load %arg8[%swap3A_662] {strides = array<i32>} : memref<13824xi32, #tpu.memory_space<vmem>>, vector<16xi32>,
        %swap3A_664 = vector.shape_cast %swap3A_663 : vector<16xi32> to vector<16xi32>
        %swap3A_665 = vector.shape_cast %add3A_659 : vector<16xi32> to vector<16xi32>
        tpu.vector_store %arg8[%swap3A_662], %swap3A_665 {strides = array<i32>} : memref<13824xi32, #tpu.memory_space<vmem>>, vector<16xi32>,
        %mul3A_666 = arith.mulf %mul3A_621, %min3A_296 : vector<16xf32>
        %add3A_667 = arith.constant 10240 : i32
        %add3A_668 = arith.addi %add3A_667, %mul3A_306 : i32
        %swap3A_669 = arith.index_cast %add3A_668 : i32 to index
        %swap3A_670 = tpu.vector_load %arg9[%swap3A_669] {strides = array<i32>} : memref<13824xf32, #tpu.memory_space<vmem>>, vector<16xf32>,
        %swap3A_671 = vector.shape_cast %swap3A_670 : vector<16xf32> to vector<16xf32>
        %swap3A_672 = vector.shape_cast %mul3A_666 : vector<16xf32> to vector<16xf32>
        tpu.vector_store %arg9[%swap3A_669], %swap3A_672 {strides = array<i32>} : memref<13824xf32, #tpu.memory_space<vmem>>, vector<16xf32>,
        %mul3A_673 = arith.mulf %mul3A_620, %min3A_263 : vector<16xf32>
        %add3A_674 = arith.constant 2056 : i32
        %add3A_675 = vector.broadcast %add3A_674 : i32 to vector<16xi32>
        %add3A_676 = arith.addi %add3A_304, %add3A_675 : vector<16xi32>
        %add3A_677 = arith.constant 0 : i32
        %add3A_678 = vector.broadcast %add3A_677 : i32 to vector<16xi32>
        %add3A_679 = arith.addi %add3A_676, %add3A_678 : vector<16xi32>
        %add3A_680 = arith.constant 10752 : i32
        %add3A_681 = arith.addi %add3A_680, %mul3A_306 : i32
        %swap3A_682 = arith.index_cast %add3A_681 : i32 to index
        %swap3A_683 = tpu.vector_load %arg8[%swap3A_682] {strides = array<i32>} : memref<13824xi32, #tpu.memory_space<vmem>>, vector<16xi32>,
        %swap3A_684 = vector.shape_cast %swap3A_683 : vector<16xi32> to vector<16xi32>
        %swap3A_685 = vector.shape_cast %add3A_679 : vector<16xi32> to vector<16xi32>
        tpu.vector_store %arg8[%swap3A_682], %swap3A_685 {strides = array<i32>} : memref<13824xi32, #tpu.memory_space<vmem>>, vector<16xi32>,
        %mul3A_686 = arith.mulf %mul3A_673, %sub3A_276 : vector<16xf32>
        %add3A_687 = arith.constant 10752 : i32
        %add3A_688 = arith.addi %add3A_687, %mul3A_306 : i32
        %swap3A_689 = arith.index_cast %add3A_688 : i32 to index
        %swap3A_690 = tpu.vector_load %arg9[%swap3A_689] {strides = array<i32>} : memref<13824xf32, #tpu.memory_space<vmem>>, vector<16xf32>,
        %swap3A_691 = vector.shape_cast %swap3A_690 : vector<16xf32> to vector<16xf32>
        %swap3A_692 = vector.shape_cast %mul3A_686 : vector<16xf32> to vector<16xf32>
        tpu.vector_store %arg9[%swap3A_689], %swap3A_692 {strides = array<i32>} : memref<13824xf32, #tpu.memory_space<vmem>>, vector<16xf32>,
        %add3A_693 = arith.constant 1 : i32
        %add3A_694 = vector.broadcast %add3A_693 : i32 to vector<16xi32>
        %add3A_695 = arith.addi %add3A_676, %add3A_694 : vector<16xi32>
        %add3A_696 = arith.constant 11264 : i32
        %add3A_697 = arith.addi %add3A_696, %mul3A_306 : i32
        %swap3A_698 = arith.index_cast %add3A_697 : i32 to index
        %swap3A_699 = tpu.vector_load %arg8[%swap3A_698] {strides = array<i32>} : memref<13824xi32, #tpu.memory_space<vmem>>, vector<16xi32>,
        %swap3A_700 = vector.shape_cast %swap3A_699 : vector<16xi32> to vector<16xi32>
        %swap3A_701 = vector.shape_cast %add3A_695 : vector<16xi32> to vector<16xi32>
        tpu.vector_store %arg8[%swap3A_698], %swap3A_701 {strides = array<i32>} : memref<13824xi32, #tpu.memory_space<vmem>>, vector<16xi32>,
        %mul3A_702 = arith.mulf %mul3A_673, %min3A_286 : vector<16xf32>
        %add3A_703 = arith.constant 11264 : i32
        %add3A_704 = arith.addi %add3A_703, %mul3A_306 : i32
        %swap3A_705 = arith.index_cast %add3A_704 : i32 to index
        %swap3A_706 = tpu.vector_load %arg9[%swap3A_705] {strides = array<i32>} : memref<13824xf32, #tpu.memory_space<vmem>>, vector<16xf32>,
        %swap3A_707 = vector.shape_cast %swap3A_706 : vector<16xf32> to vector<16xf32>
        %swap3A_708 = vector.shape_cast %mul3A_702 : vector<16xf32> to vector<16xf32>
        tpu.vector_store %arg9[%swap3A_705], %swap3A_708 {strides = array<i32>} : memref<13824xf32, #tpu.memory_space<vmem>>, vector<16xf32>,
        %add3A_709 = arith.constant 2 : i32
        %add3A_710 = vector.broadcast %add3A_709 : i32 to vector<16xi32>
        %add3A_711 = arith.addi %add3A_676, %add3A_710 : vector<16xi32>
        %add3A_712 = arith.constant 11776 : i32
        %add3A_713 = arith.addi %add3A_712, %mul3A_306 : i32
        %swap3A_714 = arith.index_cast %add3A_713 : i32 to index
        %swap3A_715 = tpu.vector_load %arg8[%swap3A_714] {strides = array<i32>} : memref<13824xi32, #tpu.memory_space<vmem>>, vector<16xi32>,
        %swap3A_716 = vector.shape_cast %swap3A_715 : vector<16xi32> to vector<16xi32>
        %swap3A_717 = vector.shape_cast %add3A_711 : vector<16xi32> to vector<16xi32>
        tpu.vector_store %arg8[%swap3A_714], %swap3A_717 {strides = array<i32>} : memref<13824xi32, #tpu.memory_space<vmem>>, vector<16xi32>,
        %mul3A_718 = arith.mulf %mul3A_673, %min3A_296 : vector<16xf32>
        %add3A_719 = arith.constant 11776 : i32
        %add3A_720 = arith.addi %add3A_719, %mul3A_306 : i32
        %swap3A_721 = arith.index_cast %add3A_720 : i32 to index
        %swap3A_722 = tpu.vector_load %arg9[%swap3A_721] {strides = array<i32>} : memref<13824xf32, #tpu.memory_space<vmem>>, vector<16xf32>,
        %swap3A_723 = vector.shape_cast %swap3A_722 : vector<16xf32> to vector<16xf32>
        %swap3A_724 = vector.shape_cast %mul3A_718 : vector<16xf32> to vector<16xf32>
        tpu.vector_store %arg9[%swap3A_721], %swap3A_724 {strides = array<i32>} : memref<13824xf32, #tpu.memory_space<vmem>>, vector<16xf32>,
        %mul3A_725 = arith.mulf %mul3A_620, %min3A_273 : vector<16xf32>
        %add3A_726 = arith.constant 2064 : i32
        %add3A_727 = vector.broadcast %add3A_726 : i32 to vector<16xi32>
        %add3A_728 = arith.addi %add3A_304, %add3A_727 : vector<16xi32>
        %add3A_729 = arith.constant 0 : i32
        %add3A_730 = vector.broadcast %add3A_729 : i32 to vector<16xi32>
        %add3A_731 = arith.addi %add3A_728, %add3A_730 : vector<16xi32>
        %add3A_732 = arith.constant 12288 : i32
        %add3A_733 = arith.addi %add3A_732, %mul3A_306 : i32
        %swap3A_734 = arith.index_cast %add3A_733 : i32 to index
        %swap3A_735 = tpu.vector_load %arg8[%swap3A_734] {strides = array<i32>} : memref<13824xi32, #tpu.memory_space<vmem>>, vector<16xi32>,
        %swap3A_736 = vector.shape_cast %swap3A_735 : vector<16xi32> to vector<16xi32>
        %swap3A_737 = vector.shape_cast %add3A_731 : vector<16xi32> to vector<16xi32>
        tpu.vector_store %arg8[%swap3A_734], %swap3A_737 {strides = array<i32>} : memref<13824xi32, #tpu.memory_space<vmem>>, vector<16xi32>,
        %mul3A_738 = arith.mulf %mul3A_725, %sub3A_276 : vector<16xf32>
        %add3A_739 = arith.constant 12288 : i32
        %add3A_740 = arith.addi %add3A_739, %mul3A_306 : i32
        %swap3A_741 = arith.index_cast %add3A_740 : i32 to index
        %swap3A_742 = tpu.vector_load %arg9[%swap3A_741] {strides = array<i32>} : memref<13824xf32, #tpu.memory_space<vmem>>, vector<16xf32>,
        %swap3A_743 = vector.shape_cast %swap3A_742 : vector<16xf32> to vector<16xf32>
        %swap3A_744 = vector.shape_cast %mul3A_738 : vector<16xf32> to vector<16xf32>
        tpu.vector_store %arg9[%swap3A_741], %swap3A_744 {strides = array<i32>} : memref<13824xf32, #tpu.memory_space<vmem>>, vector<16xf32>,
        %add3A_745 = arith.constant 1 : i32
        %add3A_746 = vector.broadcast %add3A_745 : i32 to vector<16xi32>
        %add3A_747 = arith.addi %add3A_728, %add3A_746 : vector<16xi32>
        %add3A_748 = arith.constant 12800 : i32
        %add3A_749 = arith.addi %add3A_748, %mul3A_306 : i32
        %swap3A_750 = arith.index_cast %add3A_749 : i32 to index
        %swap3A_751 = tpu.vector_load %arg8[%swap3A_750] {strides = array<i32>} : memref<13824xi32, #tpu.memory_space<vmem>>, vector<16xi32>,
        %swap3A_752 = vector.shape_cast %swap3A_751 : vector<16xi32> to vector<16xi32>
        %swap3A_753 = vector.shape_cast %add3A_747 : vector<16xi32> to vector<16xi32>
        tpu.vector_store %arg8[%swap3A_750], %swap3A_753 {strides = array<i32>} : memref<13824xi32, #tpu.memory_space<vmem>>, vector<16xi32>,
        %mul3A_754 = arith.mulf %mul3A_725, %min3A_286 : vector<16xf32>
        %add3A_755 = arith.constant 12800 : i32
        %add3A_756 = arith.addi %add3A_755, %mul3A_306 : i32
        %swap3A_757 = arith.index_cast %add3A_756 : i32 to index
        %swap3A_758 = tpu.vector_load %arg9[%swap3A_757] {strides = array<i32>} : memref<13824xf32, #tpu.memory_space<vmem>>, vector<16xf32>,
        %swap3A_759 = vector.shape_cast %swap3A_758 : vector<16xf32> to vector<16xf32>
        %swap3A_760 = vector.shape_cast %mul3A_754 : vector<16xf32> to vector<16xf32>
        tpu.vector_store %arg9[%swap3A_757], %swap3A_760 {strides = array<i32>} : memref<13824xf32, #tpu.memory_space<vmem>>, vector<16xf32>,
        %add3A_761 = arith.constant 2 : i32
        %add3A_762 = vector.broadcast %add3A_761 : i32 to vector<16xi32>
        %add3A_763 = arith.addi %add3A_728, %add3A_762 : vector<16xi32>
        %add3A_764 = arith.constant 13312 : i32
        %add3A_765 = arith.addi %add3A_764, %mul3A_306 : i32
        %swap3A_766 = arith.index_cast %add3A_765 : i32 to index
        %swap3A_767 = tpu.vector_load %arg8[%swap3A_766] {strides = array<i32>} : memref<13824xi32, #tpu.memory_space<vmem>>, vector<16xi32>,
        %swap3A_768 = vector.shape_cast %swap3A_767 : vector<16xi32> to vector<16xi32>
        %swap3A_769 = vector.shape_cast %add3A_763 : vector<16xi32> to vector<16xi32>
        tpu.vector_store %arg8[%swap3A_766], %swap3A_769 {strides = array<i32>} : memref<13824xi32, #tpu.memory_space<vmem>>, vector<16xi32>,
        %mul3A_770 = arith.mulf %mul3A_725, %min3A_296 : vector<16xf32>
        %add3A_771 = arith.constant 13312 : i32
        %add3A_772 = arith.addi %add3A_771, %mul3A_306 : i32
        %swap3A_773 = arith.index_cast %add3A_772 : i32 to index
        %swap3A_774 = tpu.vector_load %arg9[%swap3A_773] {strides = array<i32>} : memref<13824xf32, #tpu.memory_space<vmem>>, vector<16xf32>,
        %swap3A_775 = vector.shape_cast %swap3A_774 : vector<16xf32> to vector<16xf32>
        %swap3A_776 = vector.shape_cast %mul3A_770 : vector<16xf32> to vector<16xf32>
        tpu.vector_store %arg9[%swap3A_773], %swap3A_776 {strides = array<i32>} : memref<13824xf32, #tpu.memory_space<vmem>>, vector<16xf32>,
      }
      %scan3A_131 = arith.constant 32 : i32
      %add3A_132 = arith.constant 2 : i32
      %add3A_133 = arith.addi %add3A_111, %add3A_132 : i32
      %lt3A_134 = arith.constant 19 : i32
      %lt3A_135 = arith.cmpi slt, %add3A_133, %lt3A_134 : i32
      %convert_element_type3A_136 = arith.extui %lt3A_135 : i1 to i32
      %cond3A_137 = arith.constant 0 : i32
      %cond3A_138 = arith.cmpi ne, %convert_element_type3A_136, %cond3A_137 : i32
      scf.if %cond3A_138 {
        %add3A_147 = arith.addi %mul3A_2, %add3A_111 : i32
        %add3A_148 = arith.constant 2 : i32
        %add3A_149 = arith.addi %add3A_147, %add3A_148 : i32
        %mul3A_150 = arith.constant 3072 : i32
        %mul3A_151 = arith.muli %add3A_149, %mul3A_150 : i32
        %dma_start3A_152 = tpu.memref_slice %arg2[%mul3A_151] : memref<1867776xf32, #tpu.memory_space<hbm>> -> memref<3072xf32, #tpu.memory_space<hbm>>
        %dma_start3A_153 = tpu.memref_slice %arg2[%mul3A_151] : memref<1867776xf32, #tpu.memory_space<hbm>> -> memref<3072xf32, #tpu.memory_space<hbm>>
        tpu.enqueue_dma source(%dma_start3A_153 : memref<3072xf32, #tpu.memory_space<hbm>>) target(%arg5 : memref<3072xf32, #tpu.memory_space<vmem>>) target_semaphore(%arg15 : memref<!tpu.dma_semaphore, #tpu.memory_space<semaphore_mem>>)
      } else {
      }
      %scan3A_139 = arith.constant 0 : i32
      %scan3A_140 = arith.constant 0 : i32
      %scan3A_141 = arith.constant 108 : i32
      %scan3A_142 = arith.addi %scan3A_140, %scan3A_141 : i32
      %scan3A_143 = arith.constant 1 : i32
      scf.for %scan3A_147 = %scan3A_140 to %scan3A_142 step %scan3A_143  : i32 {
        %mul3A_148 = arith.constant 128 : i32
        %mul3A_149 = arith.muli %scan3A_147, %mul3A_148 : i32
        %mul3A_150 = arith.constant 128 : i32
        %mul3A_151 = arith.muli %scan3A_147, %mul3A_150 : i32
        %dma_start3A_152 = tpu.memref_slice %arg9[%mul3A_149] : memref<13824xf32, #tpu.memory_space<vmem>> -> memref<128xf32, #tpu.memory_space<vmem>>
        %dma_start3A_153 = tpu.memref_slice %arg8[%mul3A_151] : memref<13824xi32, #tpu.memory_space<vmem>> -> memref<128xi32, #tpu.memory_space<vmem>>
        %dma_start3A_154 = arith.constant 0 : i32
        %dma_start3A_155 = tpu.memref_slice %arg11[%dma_start3A_154] : memref<131072xf32, #tpu.memory_space<vmem_shared>> -> memref<131072xf32, #tpu.memory_space<vmem_shared>>
        tpu.enqueue_indirect_dma source(%dma_start3A_152 : memref<128xf32, #tpu.memory_space<vmem>>) target(%dma_start3A_155 : memref<131072xf32, #tpu.memory_space<vmem_shared>>) offsets(%dma_start3A_153 : memref<128xi32, #tpu.memory_space<vmem>>) semaphore(%arg13 : memref<!tpu.dma_semaphore, #tpu.memory_space<semaphore_mem>>) {add = true}
      }
      %scan3A_144 = arith.constant 108 : i32
      %scan3A_145 = arith.constant 108 : i32
      %scan3A_146 = arith.constant 108 : i32
      scf.yield %scan3A_145, %scan3A_146 : i32, i32
    }
    %scan3A_27 = arith.constant 9 : i32
    %dma_wait3A = arith.constant 0 : i32
    %dma_wait3A_28 = tpu.memref_slice %arg2[%dma_wait3A] : memref<1867776xf32, #tpu.memory_space<hbm>> -> memref<3072xf32, #tpu.memory_space<hbm>>
    %dma_wait3A_29 = arith.constant 0 : i32
    %dma_wait3A_30 = tpu.memref_slice %arg2[%dma_wait3A_29] : memref<1867776xf32, #tpu.memory_space<hbm>> -> memref<3072xf32, #tpu.memory_space<hbm>>
    tpu.wait_dma2 semaphore(%arg14 : memref<!tpu.dma_semaphore, #tpu.memory_space<semaphore_mem>>) src(%dma_wait3A_30 : memref<3072xf32, #tpu.memory_space<hbm>>) dst(%arg4 : memref<3072xf32, #tpu.memory_space<vmem>>)
    %while3A = arith.constant 0 : i32
    %while3A_31 = arith.constant 0 : i32
    %while3A_32 = arith.subi %scan3A_26#0, %while3A_31 : i32
    %while3A_33 = arith.addi %while3A_31, %while3A_32 : i32
    %while3A_34 = arith.constant 1 : i32
    %while3A_35 = arith.divsi %while3A_32, %while3A_34 : i32
    %while3A_36 = arith.muli %while3A_35, %while3A_34 : i32
    %while3A_37 = arith.addi %while3A_31, %while3A_36 : i32
    %while3A_38 = arith.constant 1 : i32
    scf.for %while3A_73 = %while3A_31 to %while3A_37 step %while3A_38  : i32 {
      %mul3A_74 = arith.constant 128 : i32
      %mul3A_75 = arith.muli %while3A_73, %mul3A_74 : i32
      %mul3A_76 = arith.constant 128 : i32
      %mul3A_77 = arith.muli %while3A_73, %mul3A_76 : i32
      %dma_wait3A_78 = tpu.memref_slice %arg7[%mul3A_75] : memref<13824xf32, #tpu.memory_space<vmem>> -> memref<128xf32, #tpu.memory_space<vmem>>
      %dma_wait3A_79 = tpu.memref_slice %arg6[%mul3A_77] : memref<13824xi32, #tpu.memory_space<vmem>> -> memref<128xi32, #tpu.memory_space<vmem>>
      %dma_wait3A_80 = arith.constant 0 : i32
      %dma_wait3A_81 = tpu.memref_slice %arg11[%dma_wait3A_80] : memref<131072xf32, #tpu.memory_space<vmem_shared>> -> memref<131072xf32, #tpu.memory_space<vmem_shared>>
      tpu.wait_indirect_dma semaphore(%arg12 : memref<!tpu.dma_semaphore, #tpu.memory_space<semaphore_mem>>) src(%dma_wait3A_78 : memref<128xf32, #tpu.memory_space<vmem>>) dst(%dma_wait3A_81 : memref<131072xf32, #tpu.memory_space<vmem_shared>>)
    }
    %while3A_39 = arith.constant 1 : i32
    scf.for %while3A_73 = %while3A_37 to %while3A_33 step %while3A_39  : i32 {
      %mul3A_74 = arith.constant 128 : i32
      %mul3A_75 = arith.muli %while3A_73, %mul3A_74 : i32
      %mul3A_76 = arith.constant 128 : i32
      %mul3A_77 = arith.muli %while3A_73, %mul3A_76 : i32
      %dma_wait3A_78 = tpu.memref_slice %arg7[%mul3A_75] : memref<13824xf32, #tpu.memory_space<vmem>> -> memref<128xf32, #tpu.memory_space<vmem>>
      %dma_wait3A_79 = tpu.memref_slice %arg6[%mul3A_77] : memref<13824xi32, #tpu.memory_space<vmem>> -> memref<128xi32, #tpu.memory_space<vmem>>
      %dma_wait3A_80 = arith.constant 0 : i32
      %dma_wait3A_81 = tpu.memref_slice %arg11[%dma_wait3A_80] : memref<131072xf32, #tpu.memory_space<vmem_shared>> -> memref<131072xf32, #tpu.memory_space<vmem_shared>>
      tpu.wait_indirect_dma semaphore(%arg12 : memref<!tpu.dma_semaphore, #tpu.memory_space<semaphore_mem>>) src(%dma_wait3A_78 : memref<128xf32, #tpu.memory_space<vmem>>) dst(%dma_wait3A_81 : memref<131072xf32, #tpu.memory_space<vmem_shared>>)
    }
    %scan3A_40 = arith.constant 0 : i32
    %scan3A_41 = arith.constant 0 : i32
    %scan3A_42 = arith.constant 32 : i32
    %scan3A_43 = arith.addi %scan3A_41, %scan3A_42 : i32
    %scan3A_44 = arith.constant 1 : i32
    scf.for %scan3A_73 = %scan3A_41 to %scan3A_43 step %scan3A_44  : i32 {
      %mul3A_74 = arith.constant 16 : i32
      %mul3A_75 = arith.muli %scan3A_73, %mul3A_74 : i32
      %add3A_76 = arith.constant 1536 : i32
      %add3A_77 = arith.addi %add3A_76, %mul3A_75 : i32
      %get3A = arith.index_cast %add3A_77 : i32 to index
      %get3A_78 = tpu.vector_load %arg4[%get3A] {strides = array<i32>} : memref<3072xf32, #tpu.memory_space<vmem>>, vector<16xf32>,
      %get3A_79 = vector.shape_cast %get3A_78 : vector<16xf32> to vector<16xf32>
      %add3A_80 = arith.constant 2048 : i32
      %add3A_81 = arith.addi %add3A_80, %mul3A_75 : i32
      %get3A_82 = arith.index_cast %add3A_81 : i32 to index
      %get3A_83 = tpu.vector_load %arg4[%get3A_82] {strides = array<i32>} : memref<3072xf32, #tpu.memory_space<vmem>>, vector<16xf32>,
      %get3A_84 = vector.shape_cast %get3A_83 : vector<16xf32> to vector<16xf32>
      %add3A_85 = arith.constant 2560 : i32
      %add3A_86 = arith.addi %add3A_85, %mul3A_75 : i32
      %get3A_87 = arith.index_cast %add3A_86 : i32 to index
      %get3A_88 = tpu.vector_load %arg4[%get3A_87] {strides = array<i32>} : memref<3072xf32, #tpu.memory_space<vmem>>, vector<16xf32>,
      %get3A_89 = vector.shape_cast %get3A_88 : vector<16xf32> to vector<16xf32>
      %max3A = arith.constant 22.6274166 : f32
      %max3A_90 = vector.broadcast %max3A : f32 to vector<16xf32>
      %max3A_91 = arith.maximumf %get3A_79, %max3A_90 : vector<16xf32>
      %max3A_92 = arith.constant 22.6274166 : f32
      %max3A_93 = vector.broadcast %max3A_92 : f32 to vector<16xf32>
      %max3A_94 = arith.maximumf %get3A_84, %max3A_93 : vector<16xf32>
      %max3A_95 = arith.constant 11.3137083 : f32
      %max3A_96 = vector.broadcast %max3A_95 : f32 to vector<16xf32>
      %max3A_97 = arith.maximumf %get3A_89, %max3A_96 : vector<16xf32>
      %get3A_98 = arith.index_cast %mul3A_75 : i32 to index
      %get3A_99 = tpu.vector_load %arg4[%get3A_98] {strides = array<i32>} : memref<3072xf32, #tpu.memory_space<vmem>>, vector<16xf32>,
      %get3A_100 = vector.shape_cast %get3A_99 : vector<16xf32> to vector<16xf32>
      %sub3A = arith.subf %get3A_79, %max3A_91 : vector<16xf32>
      %mul3A_101 = arith.constant 5.000000e-01 : f32
      %mul3A_102 = vector.broadcast %mul3A_101 : f32 to vector<16xf32>
      %mul3A_103 = arith.mulf %sub3A, %mul3A_102 : vector<16xf32>
      %add3A_104 = arith.addf %get3A_100, %mul3A_103 : vector<16xf32>
      %add3A_105 = arith.constant 512 : i32
      %add3A_106 = arith.addi %add3A_105, %mul3A_75 : i32
      %get3A_107 = arith.index_cast %add3A_106 : i32 to index
      %get3A_108 = tpu.vector_load %arg4[%get3A_107] {strides = array<i32>} : memref<3072xf32, #tpu.memory_space<vmem>>, vector<16xf32>,
      %get3A_109 = vector.shape_cast %get3A_108 : vector<16xf32> to vector<16xf32>
      %sub3A_110 = arith.subf %get3A_84, %max3A_94 : vector<16xf32>
      %mul3A_111 = arith.constant 5.000000e-01 : f32
      %mul3A_112 = vector.broadcast %mul3A_111 : f32 to vector<16xf32>
      %mul3A_113 = arith.mulf %sub3A_110, %mul3A_112 : vector<16xf32>
      %add3A_114 = arith.addf %get3A_109, %mul3A_113 : vector<16xf32>
      %add3A_115 = arith.constant 1024 : i32
      %add3A_116 = arith.addi %add3A_115, %mul3A_75 : i32
      %get3A_117 = arith.index_cast %add3A_116 : i32 to index
      %get3A_118 = tpu.vector_load %arg4[%get3A_117] {strides = array<i32>} : memref<3072xf32, #tpu.memory_space<vmem>>, vector<16xf32>,
      %get3A_119 = vector.shape_cast %get3A_118 : vector<16xf32> to vector<16xf32>
      %sub3A_120 = arith.subf %get3A_89, %max3A_97 : vector<16xf32>
      %mul3A_121 = arith.constant 5.000000e-01 : f32
      %mul3A_122 = vector.broadcast %mul3A_121 : f32 to vector<16xf32>
      %mul3A_123 = arith.mulf %sub3A_120, %mul3A_122 : vector<16xf32>
      %add3A_124 = arith.addf %get3A_119, %mul3A_123 : vector<16xf32>
      %mul3A_125 = arith.mulf %get3A_79, %get3A_84 : vector<16xf32>
      %mul3A_126 = arith.mulf %mul3A_125, %get3A_89 : vector<16xf32>
      %mul3A_127 = arith.mulf %max3A_91, %max3A_94 : vector<16xf32>
      %mul3A_128 = arith.mulf %mul3A_127, %max3A_97 : vector<16xf32>
      %div3A = arith.divf %mul3A_126, %mul3A_128 : vector<16xf32>
      %mul3A_129 = arith.constant 6.250000e-02 : f32
      %mul3A_130 = vector.broadcast %mul3A_129 : f32 to vector<16xf32>
      %mul3A_131 = arith.mulf %add3A_104, %mul3A_130 : vector<16xf32>
      %convert_element_type3A = arith.fptosi %mul3A_131 : vector<16xf32> to vector<16xi32>
      %mul3A_132 = arith.constant 6.250000e-02 : f32
      %mul3A_133 = vector.broadcast %mul3A_132 : f32 to vector<16xf32>
      %mul3A_134 = arith.mulf %add3A_114, %mul3A_133 : vector<16xf32>
      %convert_element_type3A_135 = arith.fptosi %mul3A_134 : vector<16xf32> to vector<16xi32>
      %mul3A_136 = arith.constant 1.250000e-01 : f32
      %mul3A_137 = vector.broadcast %mul3A_136 : f32 to vector<16xf32>
      %mul3A_138 = arith.mulf %add3A_124, %mul3A_137 : vector<16xf32>
      %convert_element_type3A_139 = arith.fptosi %mul3A_138 : vector<16xf32> to vector<16xi32>
      %convert_element_type3A_140 = arith.sitofp %convert_element_type3A : vector<16xi32> to vector<16xf32>
      %mul3A_141 = arith.constant 1.600000e+01 : f32
      %mul3A_142 = vector.broadcast %mul3A_141 : f32 to vector<16xf32>
      %mul3A_143 = arith.mulf %convert_element_type3A_140, %mul3A_142 : vector<16xf32>
      %sub3A_144 = arith.subf %add3A_104, %mul3A_143 : vector<16xf32>
      %convert_element_type3A_145 = arith.sitofp %convert_element_type3A_135 : vector<16xi32> to vector<16xf32>
      %mul3A_146 = arith.constant 1.600000e+01 : f32
      %mul3A_147 = vector.broadcast %mul3A_146 : f32 to vector<16xf32>
      %mul3A_148 = arith.mulf %convert_element_type3A_145, %mul3A_147 : vector<16xf32>
      %sub3A_149 = arith.subf %add3A_114, %mul3A_148 : vector<16xf32>
      %convert_element_type3A_150 = arith.sitofp %convert_element_type3A_139 : vector<16xi32> to vector<16xf32>
      %mul3A_151 = arith.constant 8.000000e+00 : f32
      %mul3A_152 = vector.broadcast %mul3A_151 : f32 to vector<16xf32>
      %mul3A_153 = arith.mulf %convert_element_type3A_150, %mul3A_152 : vector<16xf32>
      %sub3A_154 = arith.subf %add3A_124, %mul3A_153 : vector<16xf32>
      %sub3A_155 = arith.constant 1.600000e+01 : f32
      %sub3A_156 = vector.broadcast %sub3A_155 : f32 to vector<16xf32>
      %sub3A_157 = arith.subf %sub3A_156, %sub3A_144 : vector<16xf32>
      %add3A_158 = arith.addf %sub3A_144, %max3A_91 : vector<16xf32>
      %sub3A_159 = arith.constant 1.600000e+01 : f32
      %sub3A_160 = vector.broadcast %sub3A_159 : f32 to vector<16xf32>
      %sub3A_161 = arith.subf %add3A_158, %sub3A_160 : vector<16xf32>
      %jit3A = arith.constant 0.000000e+00 : f32
      %jit3A_162 = arith.constant 1.600000e+01 : f32
      %max3A_163 = vector.broadcast %jit3A : f32 to vector<16xf32>
      %max3A_164 = arith.maximumf %max3A_163, %sub3A_161 : vector<16xf32>
      %min3A = vector.broadcast %jit3A_162 : f32 to vector<16xf32>
      %min3A_165 = arith.minimumf %min3A, %max3A_164 : vector<16xf32>
      %add3A_166 = arith.addf %sub3A_144, %max3A_91 : vector<16xf32>
      %sub3A_167 = arith.constant 3.200000e+01 : f32
      %sub3A_168 = vector.broadcast %sub3A_167 : f32 to vector<16xf32>
      %sub3A_169 = arith.subf %add3A_166, %sub3A_168 : vector<16xf32>
      %jit3A_170 = arith.constant 0.000000e+00 : f32
      %jit3A_171 = arith.constant 1.600000e+01 : f32
      %max3A_172 = vector.broadcast %jit3A_170 : f32 to vector<16xf32>
      %max3A_173 = arith.maximumf %max3A_172, %sub3A_169 : vector<16xf32>
      %min3A_174 = vector.broadcast %jit3A_171 : f32 to vector<16xf32>
      %min3A_175 = arith.minimumf %min3A_174, %max3A_173 : vector<16xf32>
      %sub3A_176 = arith.constant 1.600000e+01 : f32
      %sub3A_177 = vector.broadcast %sub3A_176 : f32 to vector<16xf32>
      %sub3A_178 = arith.subf %sub3A_177, %sub3A_149 : vector<16xf32>
      %add3A_179 = arith.addf %sub3A_149, %max3A_94 : vector<16xf32>
      %sub3A_180 = arith.constant 1.600000e+01 : f32
      %sub3A_181 = vector.broadcast %sub3A_180 : f32 to vector<16xf32>
      %sub3A_182 = arith.subf %add3A_179, %sub3A_181 : vector<16xf32>
      %jit3A_183 = arith.constant 0.000000e+00 : f32
      %jit3A_184 = arith.constant 1.600000e+01 : f32
      %max3A_185 = vector.broadcast %jit3A_183 : f32 to vector<16xf32>
      %max3A_186 = arith.maximumf %max3A_185, %sub3A_182 : vector<16xf32>
      %min3A_187 = vector.broadcast %jit3A_184 : f32 to vector<16xf32>
      %min3A_188 = arith.minimumf %min3A_187, %max3A_186 : vector<16xf32>
      %add3A_189 = arith.addf %sub3A_149, %max3A_94 : vector<16xf32>
      %sub3A_190 = arith.constant 3.200000e+01 : f32
      %sub3A_191 = vector.broadcast %sub3A_190 : f32 to vector<16xf32>
      %sub3A_192 = arith.subf %add3A_189, %sub3A_191 : vector<16xf32>
      %jit3A_193 = arith.constant 0.000000e+00 : f32
      %jit3A_194 = arith.constant 1.600000e+01 : f32
      %max3A_195 = vector.broadcast %jit3A_193 : f32 to vector<16xf32>
      %max3A_196 = arith.maximumf %max3A_195, %sub3A_192 : vector<16xf32>
      %min3A_197 = vector.broadcast %jit3A_194 : f32 to vector<16xf32>
      %min3A_198 = arith.minimumf %min3A_197, %max3A_196 : vector<16xf32>
      %sub3A_199 = arith.constant 8.000000e+00 : f32
      %sub3A_200 = vector.broadcast %sub3A_199 : f32 to vector<16xf32>
      %sub3A_201 = arith.subf %sub3A_200, %sub3A_154 : vector<16xf32>
      %add3A_202 = arith.addf %sub3A_154, %max3A_97 : vector<16xf32>
      %sub3A_203 = arith.constant 8.000000e+00 : f32
      %sub3A_204 = vector.broadcast %sub3A_203 : f32 to vector<16xf32>
      %sub3A_205 = arith.subf %add3A_202, %sub3A_204 : vector<16xf32>
      %jit3A_206 = arith.constant 0.000000e+00 : f32
      %jit3A_207 = arith.constant 8.000000e+00 : f32
      %max3A_208 = vector.broadcast %jit3A_206 : f32 to vector<16xf32>
      %max3A_209 = arith.maximumf %max3A_208, %sub3A_205 : vector<16xf32>
      %min3A_210 = vector.broadcast %jit3A_207 : f32 to vector<16xf32>
      %min3A_211 = arith.minimumf %min3A_210, %max3A_209 : vector<16xf32>
      %add3A_212 = arith.addf %sub3A_154, %max3A_97 : vector<16xf32>
      %sub3A_213 = arith.constant 1.600000e+01 : f32
      %sub3A_214 = vector.broadcast %sub3A_213 : f32 to vector<16xf32>
      %sub3A_215 = arith.subf %add3A_212, %sub3A_214 : vector<16xf32>
      %jit3A_216 = arith.constant 0.000000e+00 : f32
      %jit3A_217 = arith.constant 8.000000e+00 : f32
      %max3A_218 = vector.broadcast %jit3A_216 : f32 to vector<16xf32>
      %max3A_219 = arith.maximumf %max3A_218, %sub3A_215 : vector<16xf32>
      %min3A_220 = vector.broadcast %jit3A_217 : f32 to vector<16xf32>
      %min3A_221 = arith.minimumf %min3A_220, %max3A_219 : vector<16xf32>
      %mul3A_222 = arith.constant 128 : i32
      %mul3A_223 = vector.broadcast %mul3A_222 : i32 to vector<16xi32>
      %mul3A_224 = arith.muli %convert_element_type3A, %mul3A_223 : vector<16xi32>
      %add3A_225 = arith.addi %mul3A_224, %convert_element_type3A_135 : vector<16xi32>
      %mul3A_226 = arith.constant 8 : i32
      %mul3A_227 = vector.broadcast %mul3A_226 : i32 to vector<16xi32>
      %mul3A_228 = arith.muli %add3A_225, %mul3A_227 : vector<16xi32>
      %add3A_229 = arith.addi %mul3A_228, %convert_element_type3A_139 : vector<16xi32>
      %mul3A_230 = arith.constant 16 : i32
      %mul3A_231 = arith.muli %scan3A_73, %mul3A_230 : i32
      %mul3A_232 = arith.mulf %div3A, %sub3A_157 : vector<16xf32>
      %mul3A_233 = arith.mulf %mul3A_232, %sub3A_178 : vector<16xf32>
      %add3A_234 = arith.constant 0 : i32
      %add3A_235 = vector.broadcast %add3A_234 : i32 to vector<16xi32>
      %add3A_236 = arith.addi %add3A_229, %add3A_235 : vector<16xi32>
      %add3A_237 = arith.constant 0 : i32
      %add3A_238 = vector.broadcast %add3A_237 : i32 to vector<16xi32>
      %add3A_239 = arith.addi %add3A_236, %add3A_238 : vector<16xi32>
      %add3A_240 = arith.constant 0 : i32
      %add3A_241 = arith.addi %add3A_240, %mul3A_231 : i32
      %swap3A = arith.index_cast %add3A_241 : i32 to index
      %swap3A_242 = tpu.vector_load %arg6[%swap3A] {strides = array<i32>} : memref<13824xi32, #tpu.memory_space<vmem>>, vector<16xi32>,
      %swap3A_243 = vector.shape_cast %swap3A_242 : vector<16xi32> to vector<16xi32>
      %swap3A_244 = vector.shape_cast %add3A_239 : vector<16xi32> to vector<16xi32>
      tpu.vector_store %arg6[%swap3A], %swap3A_244 {strides = array<i32>} : memref<13824xi32, #tpu.memory_space<vmem>>, vector<16xi32>,
      %mul3A_245 = arith.mulf %mul3A_233, %sub3A_201 : vector<16xf32>
      %add3A_246 = arith.constant 0 : i32
      %add3A_247 = arith.addi %add3A_246, %mul3A_231 : i32
      %swap3A_248 = arith.index_cast %add3A_247 : i32 to index
      %swap3A_249 = tpu.vector_load %arg7[%swap3A_248] {strides = array<i32>} : memref<13824xf32, #tpu.memory_space<vmem>>, vector<16xf32>,
      %swap3A_250 = vector.shape_cast %swap3A_249 : vector<16xf32> to vector<16xf32>
      %swap3A_251 = vector.shape_cast %mul3A_245 : vector<16xf32> to vector<16xf32>
      tpu.vector_store %arg7[%swap3A_248], %swap3A_251 {strides = array<i32>} : memref<13824xf32, #tpu.memory_space<vmem>>, vector<16xf32>,
      %add3A_252 = arith.constant 1 : i32
      %add3A_253 = vector.broadcast %add3A_252 : i32 to vector<16xi32>
      %add3A_254 = arith.addi %add3A_236, %add3A_253 : vector<16xi32>
      %add3A_255 = arith.constant 512 : i32
      %add3A_256 = arith.addi %add3A_255, %mul3A_231 : i32
      %swap3A_257 = arith.index_cast %add3A_256 : i32 to index
      %swap3A_258 = tpu.vector_load %arg6[%swap3A_257] {strides = array<i32>} : memref<13824xi32, #tpu.memory_space<vmem>>, vector<16xi32>,
      %swap3A_259 = vector.shape_cast %swap3A_258 : vector<16xi32> to vector<16xi32>
      %swap3A_260 = vector.shape_cast %add3A_254 : vector<16xi32> to vector<16xi32>
      tpu.vector_store %arg6[%swap3A_257], %swap3A_260 {strides = array<i32>} : memref<13824xi32, #tpu.memory_space<vmem>>, vector<16xi32>,
      %mul3A_261 = arith.mulf %mul3A_233, %min3A_211 : vector<16xf32>
      %add3A_262 = arith.constant 512 : i32
      %add3A_263 = arith.addi %add3A_262, %mul3A_231 : i32
      %swap3A_264 = arith.index_cast %add3A_263 : i32 to index
      %swap3A_265 = tpu.vector_load %arg7[%swap3A_264] {strides = array<i32>} : memref<13824xf32, #tpu.memory_space<vmem>>, vector<16xf32>,
      %swap3A_266 = vector.shape_cast %swap3A_265 : vector<16xf32> to vector<16xf32>
      %swap3A_267 = vector.shape_cast %mul3A_261 : vector<16xf32> to vector<16xf32>
      tpu.vector_store %arg7[%swap3A_264], %swap3A_267 {strides = array<i32>} : memref<13824xf32, #tpu.memory_space<vmem>>, vector<16xf32>,
      %add3A_268 = arith.constant 2 : i32
      %add3A_269 = vector.broadcast %add3A_268 : i32 to vector<16xi32>
      %add3A_270 = arith.addi %add3A_236, %add3A_269 : vector<16xi32>
      %add3A_271 = arith.constant 1024 : i32
      %add3A_272 = arith.addi %add3A_271, %mul3A_231 : i32
      %swap3A_273 = arith.index_cast %add3A_272 : i32 to index
      %swap3A_274 = tpu.vector_load %arg6[%swap3A_273] {strides = array<i32>} : memref<13824xi32, #tpu.memory_space<vmem>>, vector<16xi32>,
      %swap3A_275 = vector.shape_cast %swap3A_274 : vector<16xi32> to vector<16xi32>
      %swap3A_276 = vector.shape_cast %add3A_270 : vector<16xi32> to vector<16xi32>
      tpu.vector_store %arg6[%swap3A_273], %swap3A_276 {strides = array<i32>} : memref<13824xi32, #tpu.memory_space<vmem>>, vector<16xi32>,
      %mul3A_277 = arith.mulf %mul3A_233, %min3A_221 : vector<16xf32>
      %add3A_278 = arith.constant 1024 : i32
      %add3A_279 = arith.addi %add3A_278, %mul3A_231 : i32
      %swap3A_280 = arith.index_cast %add3A_279 : i32 to index
      %swap3A_281 = tpu.vector_load %arg7[%swap3A_280] {strides = array<i32>} : memref<13824xf32, #tpu.memory_space<vmem>>, vector<16xf32>,
      %swap3A_282 = vector.shape_cast %swap3A_281 : vector<16xf32> to vector<16xf32>
      %swap3A_283 = vector.shape_cast %mul3A_277 : vector<16xf32> to vector<16xf32>
      tpu.vector_store %arg7[%swap3A_280], %swap3A_283 {strides = array<i32>} : memref<13824xf32, #tpu.memory_space<vmem>>, vector<16xf32>,
      %mul3A_284 = arith.mulf %mul3A_232, %min3A_188 : vector<16xf32>
      %add3A_285 = arith.constant 8 : i32
      %add3A_286 = vector.broadcast %add3A_285 : i32 to vector<16xi32>
      %add3A_287 = arith.addi %add3A_229, %add3A_286 : vector<16xi32>
      %add3A_288 = arith.constant 0 : i32
      %add3A_289 = vector.broadcast %add3A_288 : i32 to vector<16xi32>
      %add3A_290 = arith.addi %add3A_287, %add3A_289 : vector<16xi32>
      %add3A_291 = arith.constant 1536 : i32
      %add3A_292 = arith.addi %add3A_291, %mul3A_231 : i32
      %swap3A_293 = arith.index_cast %add3A_292 : i32 to index
      %swap3A_294 = tpu.vector_load %arg6[%swap3A_293] {strides = array<i32>} : memref<13824xi32, #tpu.memory_space<vmem>>, vector<16xi32>,
      %swap3A_295 = vector.shape_cast %swap3A_294 : vector<16xi32> to vector<16xi32>
      %swap3A_296 = vector.shape_cast %add3A_290 : vector<16xi32> to vector<16xi32>
      tpu.vector_store %arg6[%swap3A_293], %swap3A_296 {strides = array<i32>} : memref<13824xi32, #tpu.memory_space<vmem>>, vector<16xi32>,
      %mul3A_297 = arith.mulf %mul3A_284, %sub3A_201 : vector<16xf32>
      %add3A_298 = arith.constant 1536 : i32
      %add3A_299 = arith.addi %add3A_298, %mul3A_231 : i32
      %swap3A_300 = arith.index_cast %add3A_299 : i32 to index
      %swap3A_301 = tpu.vector_load %arg7[%swap3A_300] {strides = array<i32>} : memref<13824xf32, #tpu.memory_space<vmem>>, vector<16xf32>,
      %swap3A_302 = vector.shape_cast %swap3A_301 : vector<16xf32> to vector<16xf32>
      %swap3A_303 = vector.shape_cast %mul3A_297 : vector<16xf32> to vector<16xf32>
      tpu.vector_store %arg7[%swap3A_300], %swap3A_303 {strides = array<i32>} : memref<13824xf32, #tpu.memory_space<vmem>>, vector<16xf32>,
      %add3A_304 = arith.constant 1 : i32
      %add3A_305 = vector.broadcast %add3A_304 : i32 to vector<16xi32>
      %add3A_306 = arith.addi %add3A_287, %add3A_305 : vector<16xi32>
      %add3A_307 = arith.constant 2048 : i32
      %add3A_308 = arith.addi %add3A_307, %mul3A_231 : i32
      %swap3A_309 = arith.index_cast %add3A_308 : i32 to index
      %swap3A_310 = tpu.vector_load %arg6[%swap3A_309] {strides = array<i32>} : memref<13824xi32, #tpu.memory_space<vmem>>, vector<16xi32>,
      %swap3A_311 = vector.shape_cast %swap3A_310 : vector<16xi32> to vector<16xi32>
      %swap3A_312 = vector.shape_cast %add3A_306 : vector<16xi32> to vector<16xi32>
      tpu.vector_store %arg6[%swap3A_309], %swap3A_312 {strides = array<i32>} : memref<13824xi32, #tpu.memory_space<vmem>>, vector<16xi32>,
      %mul3A_313 = arith.mulf %mul3A_284, %min3A_211 : vector<16xf32>
      %add3A_314 = arith.constant 2048 : i32
      %add3A_315 = arith.addi %add3A_314, %mul3A_231 : i32
      %swap3A_316 = arith.index_cast %add3A_315 : i32 to index
      %swap3A_317 = tpu.vector_load %arg7[%swap3A_316] {strides = array<i32>} : memref<13824xf32, #tpu.memory_space<vmem>>, vector<16xf32>,
      %swap3A_318 = vector.shape_cast %swap3A_317 : vector<16xf32> to vector<16xf32>
      %swap3A_319 = vector.shape_cast %mul3A_313 : vector<16xf32> to vector<16xf32>
      tpu.vector_store %arg7[%swap3A_316], %swap3A_319 {strides = array<i32>} : memref<13824xf32, #tpu.memory_space<vmem>>, vector<16xf32>,
      %add3A_320 = arith.constant 2 : i32
      %add3A_321 = vector.broadcast %add3A_320 : i32 to vector<16xi32>
      %add3A_322 = arith.addi %add3A_287, %add3A_321 : vector<16xi32>
      %add3A_323 = arith.constant 2560 : i32
      %add3A_324 = arith.addi %add3A_323, %mul3A_231 : i32
      %swap3A_325 = arith.index_cast %add3A_324 : i32 to index
      %swap3A_326 = tpu.vector_load %arg6[%swap3A_325] {strides = array<i32>} : memref<13824xi32, #tpu.memory_space<vmem>>, vector<16xi32>,
      %swap3A_327 = vector.shape_cast %swap3A_326 : vector<16xi32> to vector<16xi32>
      %swap3A_328 = vector.shape_cast %add3A_322 : vector<16xi32> to vector<16xi32>
      tpu.vector_store %arg6[%swap3A_325], %swap3A_328 {strides = array<i32>} : memref<13824xi32, #tpu.memory_space<vmem>>, vector<16xi32>,
      %mul3A_329 = arith.mulf %mul3A_284, %min3A_221 : vector<16xf32>
      %add3A_330 = arith.constant 2560 : i32
      %add3A_331 = arith.addi %add3A_330, %mul3A_231 : i32
      %swap3A_332 = arith.index_cast %add3A_331 : i32 to index
      %swap3A_333 = tpu.vector_load %arg7[%swap3A_332] {strides = array<i32>} : memref<13824xf32, #tpu.memory_space<vmem>>, vector<16xf32>,
      %swap3A_334 = vector.shape_cast %swap3A_333 : vector<16xf32> to vector<16xf32>
      %swap3A_335 = vector.shape_cast %mul3A_329 : vector<16xf32> to vector<16xf32>
      tpu.vector_store %arg7[%swap3A_332], %swap3A_335 {strides = array<i32>} : memref<13824xf32, #tpu.memory_space<vmem>>, vector<16xf32>,
      %mul3A_336 = arith.mulf %mul3A_232, %min3A_198 : vector<16xf32>
      %add3A_337 = arith.constant 16 : i32
      %add3A_338 = vector.broadcast %add3A_337 : i32 to vector<16xi32>
      %add3A_339 = arith.addi %add3A_229, %add3A_338 : vector<16xi32>
      %add3A_340 = arith.constant 0 : i32
      %add3A_341 = vector.broadcast %add3A_340 : i32 to vector<16xi32>
      %add3A_342 = arith.addi %add3A_339, %add3A_341 : vector<16xi32>
      %add3A_343 = arith.constant 3072 : i32
      %add3A_344 = arith.addi %add3A_343, %mul3A_231 : i32
      %swap3A_345 = arith.index_cast %add3A_344 : i32 to index
      %swap3A_346 = tpu.vector_load %arg6[%swap3A_345] {strides = array<i32>} : memref<13824xi32, #tpu.memory_space<vmem>>, vector<16xi32>,
      %swap3A_347 = vector.shape_cast %swap3A_346 : vector<16xi32> to vector<16xi32>
      %swap3A_348 = vector.shape_cast %add3A_342 : vector<16xi32> to vector<16xi32>
      tpu.vector_store %arg6[%swap3A_345], %swap3A_348 {strides = array<i32>} : memref<13824xi32, #tpu.memory_space<vmem>>, vector<16xi32>,
      %mul3A_349 = arith.mulf %mul3A_336, %sub3A_201 : vector<16xf32>
      %add3A_350 = arith.constant 3072 : i32
      %add3A_351 = arith.addi %add3A_350, %mul3A_231 : i32
      %swap3A_352 = arith.index_cast %add3A_351 : i32 to index
      %swap3A_353 = tpu.vector_load %arg7[%swap3A_352] {strides = array<i32>} : memref<13824xf32, #tpu.memory_space<vmem>>, vector<16xf32>,
      %swap3A_354 = vector.shape_cast %swap3A_353 : vector<16xf32> to vector<16xf32>
      %swap3A_355 = vector.shape_cast %mul3A_349 : vector<16xf32> to vector<16xf32>
      tpu.vector_store %arg7[%swap3A_352], %swap3A_355 {strides = array<i32>} : memref<13824xf32, #tpu.memory_space<vmem>>, vector<16xf32>,
      %add3A_356 = arith.constant 1 : i32
      %add3A_357 = vector.broadcast %add3A_356 : i32 to vector<16xi32>
      %add3A_358 = arith.addi %add3A_339, %add3A_357 : vector<16xi32>
      %add3A_359 = arith.constant 3584 : i32
      %add3A_360 = arith.addi %add3A_359, %mul3A_231 : i32
      %swap3A_361 = arith.index_cast %add3A_360 : i32 to index
      %swap3A_362 = tpu.vector_load %arg6[%swap3A_361] {strides = array<i32>} : memref<13824xi32, #tpu.memory_space<vmem>>, vector<16xi32>,
      %swap3A_363 = vector.shape_cast %swap3A_362 : vector<16xi32> to vector<16xi32>
      %swap3A_364 = vector.shape_cast %add3A_358 : vector<16xi32> to vector<16xi32>
      tpu.vector_store %arg6[%swap3A_361], %swap3A_364 {strides = array<i32>} : memref<13824xi32, #tpu.memory_space<vmem>>, vector<16xi32>,
      %mul3A_365 = arith.mulf %mul3A_336, %min3A_211 : vector<16xf32>
      %add3A_366 = arith.constant 3584 : i32
      %add3A_367 = arith.addi %add3A_366, %mul3A_231 : i32
      %swap3A_368 = arith.index_cast %add3A_367 : i32 to index
      %swap3A_369 = tpu.vector_load %arg7[%swap3A_368] {strides = array<i32>} : memref<13824xf32, #tpu.memory_space<vmem>>, vector<16xf32>,
      %swap3A_370 = vector.shape_cast %swap3A_369 : vector<16xf32> to vector<16xf32>
      %swap3A_371 = vector.shape_cast %mul3A_365 : vector<16xf32> to vector<16xf32>
      tpu.vector_store %arg7[%swap3A_368], %swap3A_371 {strides = array<i32>} : memref<13824xf32, #tpu.memory_space<vmem>>, vector<16xf32>,
      %add3A_372 = arith.constant 2 : i32
      %add3A_373 = vector.broadcast %add3A_372 : i32 to vector<16xi32>
      %add3A_374 = arith.addi %add3A_339, %add3A_373 : vector<16xi32>
      %add3A_375 = arith.constant 4096 : i32
      %add3A_376 = arith.addi %add3A_375, %mul3A_231 : i32
      %swap3A_377 = arith.index_cast %add3A_376 : i32 to index
      %swap3A_378 = tpu.vector_load %arg6[%swap3A_377] {strides = array<i32>} : memref<13824xi32, #tpu.memory_space<vmem>>, vector<16xi32>,
      %swap3A_379 = vector.shape_cast %swap3A_378 : vector<16xi32> to vector<16xi32>
      %swap3A_380 = vector.shape_cast %add3A_374 : vector<16xi32> to vector<16xi32>
      tpu.vector_store %arg6[%swap3A_377], %swap3A_380 {strides = array<i32>} : memref<13824xi32, #tpu.memory_space<vmem>>, vector<16xi32>,
      %mul3A_381 = arith.mulf %mul3A_336, %min3A_221 : vector<16xf32>
      %add3A_382 = arith.constant 4096 : i32
      %add3A_383 = arith.addi %add3A_382, %mul3A_231 : i32
      %swap3A_384 = arith.index_cast %add3A_383 : i32 to index
      %swap3A_385 = tpu.vector_load %arg7[%swap3A_384] {strides = array<i32>} : memref<13824xf32, #tpu.memory_space<vmem>>, vector<16xf32>,
      %swap3A_386 = vector.shape_cast %swap3A_385 : vector<16xf32> to vector<16xf32>
      %swap3A_387 = vector.shape_cast %mul3A_381 : vector<16xf32> to vector<16xf32>
      tpu.vector_store %arg7[%swap3A_384], %swap3A_387 {strides = array<i32>} : memref<13824xf32, #tpu.memory_space<vmem>>, vector<16xf32>,
      %mul3A_388 = arith.mulf %div3A, %min3A_165 : vector<16xf32>
      %mul3A_389 = arith.mulf %mul3A_388, %sub3A_178 : vector<16xf32>
      %add3A_390 = arith.constant 1024 : i32
      %add3A_391 = vector.broadcast %add3A_390 : i32 to vector<16xi32>
      %add3A_392 = arith.addi %add3A_229, %add3A_391 : vector<16xi32>
      %add3A_393 = arith.constant 0 : i32
      %add3A_394 = vector.broadcast %add3A_393 : i32 to vector<16xi32>
      %add3A_395 = arith.addi %add3A_392, %add3A_394 : vector<16xi32>
      %add3A_396 = arith.constant 4608 : i32
      %add3A_397 = arith.addi %add3A_396, %mul3A_231 : i32
      %swap3A_398 = arith.index_cast %add3A_397 : i32 to index
      %swap3A_399 = tpu.vector_load %arg6[%swap3A_398] {strides = array<i32>} : memref<13824xi32, #tpu.memory_space<vmem>>, vector<16xi32>,
      %swap3A_400 = vector.shape_cast %swap3A_399 : vector<16xi32> to vector<16xi32>
      %swap3A_401 = vector.shape_cast %add3A_395 : vector<16xi32> to vector<16xi32>
      tpu.vector_store %arg6[%swap3A_398], %swap3A_401 {strides = array<i32>} : memref<13824xi32, #tpu.memory_space<vmem>>, vector<16xi32>,
      %mul3A_402 = arith.mulf %mul3A_389, %sub3A_201 : vector<16xf32>
      %add3A_403 = arith.constant 4608 : i32
      %add3A_404 = arith.addi %add3A_403, %mul3A_231 : i32
      %swap3A_405 = arith.index_cast %add3A_404 : i32 to index
      %swap3A_406 = tpu.vector_load %arg7[%swap3A_405] {strides = array<i32>} : memref<13824xf32, #tpu.memory_space<vmem>>, vector<16xf32>,
      %swap3A_407 = vector.shape_cast %swap3A_406 : vector<16xf32> to vector<16xf32>
      %swap3A_408 = vector.shape_cast %mul3A_402 : vector<16xf32> to vector<16xf32>
      tpu.vector_store %arg7[%swap3A_405], %swap3A_408 {strides = array<i32>} : memref<13824xf32, #tpu.memory_space<vmem>>, vector<16xf32>,
      %add3A_409 = arith.constant 1 : i32
      %add3A_410 = vector.broadcast %add3A_409 : i32 to vector<16xi32>
      %add3A_411 = arith.addi %add3A_392, %add3A_410 : vector<16xi32>
      %add3A_412 = arith.constant 5120 : i32
      %add3A_413 = arith.addi %add3A_412, %mul3A_231 : i32
      %swap3A_414 = arith.index_cast %add3A_413 : i32 to index
      %swap3A_415 = tpu.vector_load %arg6[%swap3A_414] {strides = array<i32>} : memref<13824xi32, #tpu.memory_space<vmem>>, vector<16xi32>,
      %swap3A_416 = vector.shape_cast %swap3A_415 : vector<16xi32> to vector<16xi32>
      %swap3A_417 = vector.shape_cast %add3A_411 : vector<16xi32> to vector<16xi32>
      tpu.vector_store %arg6[%swap3A_414], %swap3A_417 {strides = array<i32>} : memref<13824xi32, #tpu.memory_space<vmem>>, vector<16xi32>,
      %mul3A_418 = arith.mulf %mul3A_389, %min3A_211 : vector<16xf32>
      %add3A_419 = arith.constant 5120 : i32
      %add3A_420 = arith.addi %add3A_419, %mul3A_231 : i32
      %swap3A_421 = arith.index_cast %add3A_420 : i32 to index
      %swap3A_422 = tpu.vector_load %arg7[%swap3A_421] {strides = array<i32>} : memref<13824xf32, #tpu.memory_space<vmem>>, vector<16xf32>,
      %swap3A_423 = vector.shape_cast %swap3A_422 : vector<16xf32> to vector<16xf32>
      %swap3A_424 = vector.shape_cast %mul3A_418 : vector<16xf32> to vector<16xf32>
      tpu.vector_store %arg7[%swap3A_421], %swap3A_424 {strides = array<i32>} : memref<13824xf32, #tpu.memory_space<vmem>>, vector<16xf32>,
      %add3A_425 = arith.constant 2 : i32
      %add3A_426 = vector.broadcast %add3A_425 : i32 to vector<16xi32>
      %add3A_427 = arith.addi %add3A_392, %add3A_426 : vector<16xi32>
      %add3A_428 = arith.constant 5632 : i32
      %add3A_429 = arith.addi %add3A_428, %mul3A_231 : i32
      %swap3A_430 = arith.index_cast %add3A_429 : i32 to index
      %swap3A_431 = tpu.vector_load %arg6[%swap3A_430] {strides = array<i32>} : memref<13824xi32, #tpu.memory_space<vmem>>, vector<16xi32>,
      %swap3A_432 = vector.shape_cast %swap3A_431 : vector<16xi32> to vector<16xi32>
      %swap3A_433 = vector.shape_cast %add3A_427 : vector<16xi32> to vector<16xi32>
      tpu.vector_store %arg6[%swap3A_430], %swap3A_433 {strides = array<i32>} : memref<13824xi32, #tpu.memory_space<vmem>>, vector<16xi32>,
      %mul3A_434 = arith.mulf %mul3A_389, %min3A_221 : vector<16xf32>
      %add3A_435 = arith.constant 5632 : i32
      %add3A_436 = arith.addi %add3A_435, %mul3A_231 : i32
      %swap3A_437 = arith.index_cast %add3A_436 : i32 to index
      %swap3A_438 = tpu.vector_load %arg7[%swap3A_437] {strides = array<i32>} : memref<13824xf32, #tpu.memory_space<vmem>>, vector<16xf32>,
      %swap3A_439 = vector.shape_cast %swap3A_438 : vector<16xf32> to vector<16xf32>
      %swap3A_440 = vector.shape_cast %mul3A_434 : vector<16xf32> to vector<16xf32>
      tpu.vector_store %arg7[%swap3A_437], %swap3A_440 {strides = array<i32>} : memref<13824xf32, #tpu.memory_space<vmem>>, vector<16xf32>,
      %mul3A_441 = arith.mulf %mul3A_388, %min3A_188 : vector<16xf32>
      %add3A_442 = arith.constant 1032 : i32
      %add3A_443 = vector.broadcast %add3A_442 : i32 to vector<16xi32>
      %add3A_444 = arith.addi %add3A_229, %add3A_443 : vector<16xi32>
      %add3A_445 = arith.constant 0 : i32
      %add3A_446 = vector.broadcast %add3A_445 : i32 to vector<16xi32>
      %add3A_447 = arith.addi %add3A_444, %add3A_446 : vector<16xi32>
      %add3A_448 = arith.constant 6144 : i32
      %add3A_449 = arith.addi %add3A_448, %mul3A_231 : i32
      %swap3A_450 = arith.index_cast %add3A_449 : i32 to index
      %swap3A_451 = tpu.vector_load %arg6[%swap3A_450] {strides = array<i32>} : memref<13824xi32, #tpu.memory_space<vmem>>, vector<16xi32>,
      %swap3A_452 = vector.shape_cast %swap3A_451 : vector<16xi32> to vector<16xi32>
      %swap3A_453 = vector.shape_cast %add3A_447 : vector<16xi32> to vector<16xi32>
      tpu.vector_store %arg6[%swap3A_450], %swap3A_453 {strides = array<i32>} : memref<13824xi32, #tpu.memory_space<vmem>>, vector<16xi32>,
      %mul3A_454 = arith.mulf %mul3A_441, %sub3A_201 : vector<16xf32>
      %add3A_455 = arith.constant 6144 : i32
      %add3A_456 = arith.addi %add3A_455, %mul3A_231 : i32
      %swap3A_457 = arith.index_cast %add3A_456 : i32 to index
      %swap3A_458 = tpu.vector_load %arg7[%swap3A_457] {strides = array<i32>} : memref<13824xf32, #tpu.memory_space<vmem>>, vector<16xf32>,
      %swap3A_459 = vector.shape_cast %swap3A_458 : vector<16xf32> to vector<16xf32>
      %swap3A_460 = vector.shape_cast %mul3A_454 : vector<16xf32> to vector<16xf32>
      tpu.vector_store %arg7[%swap3A_457], %swap3A_460 {strides = array<i32>} : memref<13824xf32, #tpu.memory_space<vmem>>, vector<16xf32>,
      %add3A_461 = arith.constant 1 : i32
      %add3A_462 = vector.broadcast %add3A_461 : i32 to vector<16xi32>
      %add3A_463 = arith.addi %add3A_444, %add3A_462 : vector<16xi32>
      %add3A_464 = arith.constant 6656 : i32
      %add3A_465 = arith.addi %add3A_464, %mul3A_231 : i32
      %swap3A_466 = arith.index_cast %add3A_465 : i32 to index
      %swap3A_467 = tpu.vector_load %arg6[%swap3A_466] {strides = array<i32>} : memref<13824xi32, #tpu.memory_space<vmem>>, vector<16xi32>,
      %swap3A_468 = vector.shape_cast %swap3A_467 : vector<16xi32> to vector<16xi32>
      %swap3A_469 = vector.shape_cast %add3A_463 : vector<16xi32> to vector<16xi32>
      tpu.vector_store %arg6[%swap3A_466], %swap3A_469 {strides = array<i32>} : memref<13824xi32, #tpu.memory_space<vmem>>, vector<16xi32>,
      %mul3A_470 = arith.mulf %mul3A_441, %min3A_211 : vector<16xf32>
      %add3A_471 = arith.constant 6656 : i32
      %add3A_472 = arith.addi %add3A_471, %mul3A_231 : i32
      %swap3A_473 = arith.index_cast %add3A_472 : i32 to index
      %swap3A_474 = tpu.vector_load %arg7[%swap3A_473] {strides = array<i32>} : memref<13824xf32, #tpu.memory_space<vmem>>, vector<16xf32>,
      %swap3A_475 = vector.shape_cast %swap3A_474 : vector<16xf32> to vector<16xf32>
      %swap3A_476 = vector.shape_cast %mul3A_470 : vector<16xf32> to vector<16xf32>
      tpu.vector_store %arg7[%swap3A_473], %swap3A_476 {strides = array<i32>} : memref<13824xf32, #tpu.memory_space<vmem>>, vector<16xf32>,
      %add3A_477 = arith.constant 2 : i32
      %add3A_478 = vector.broadcast %add3A_477 : i32 to vector<16xi32>
      %add3A_479 = arith.addi %add3A_444, %add3A_478 : vector<16xi32>
      %add3A_480 = arith.constant 7168 : i32
      %add3A_481 = arith.addi %add3A_480, %mul3A_231 : i32
      %swap3A_482 = arith.index_cast %add3A_481 : i32 to index
      %swap3A_483 = tpu.vector_load %arg6[%swap3A_482] {strides = array<i32>} : memref<13824xi32, #tpu.memory_space<vmem>>, vector<16xi32>,
      %swap3A_484 = vector.shape_cast %swap3A_483 : vector<16xi32> to vector<16xi32>
      %swap3A_485 = vector.shape_cast %add3A_479 : vector<16xi32> to vector<16xi32>
      tpu.vector_store %arg6[%swap3A_482], %swap3A_485 {strides = array<i32>} : memref<13824xi32, #tpu.memory_space<vmem>>, vector<16xi32>,
      %mul3A_486 = arith.mulf %mul3A_441, %min3A_221 : vector<16xf32>
      %add3A_487 = arith.constant 7168 : i32
      %add3A_488 = arith.addi %add3A_487, %mul3A_231 : i32
      %swap3A_489 = arith.index_cast %add3A_488 : i32 to index
      %swap3A_490 = tpu.vector_load %arg7[%swap3A_489] {strides = array<i32>} : memref<13824xf32, #tpu.memory_space<vmem>>, vector<16xf32>,
      %swap3A_491 = vector.shape_cast %swap3A_490 : vector<16xf32> to vector<16xf32>
      %swap3A_492 = vector.shape_cast %mul3A_486 : vector<16xf32> to vector<16xf32>
      tpu.vector_store %arg7[%swap3A_489], %swap3A_492 {strides = array<i32>} : memref<13824xf32, #tpu.memory_space<vmem>>, vector<16xf32>,
      %mul3A_493 = arith.mulf %mul3A_388, %min3A_198 : vector<16xf32>
      %add3A_494 = arith.constant 1040 : i32
      %add3A_495 = vector.broadcast %add3A_494 : i32 to vector<16xi32>
      %add3A_496 = arith.addi %add3A_229, %add3A_495 : vector<16xi32>
      %add3A_497 = arith.constant 0 : i32
      %add3A_498 = vector.broadcast %add3A_497 : i32 to vector<16xi32>
      %add3A_499 = arith.addi %add3A_496, %add3A_498 : vector<16xi32>
      %add3A_500 = arith.constant 7680 : i32
      %add3A_501 = arith.addi %add3A_500, %mul3A_231 : i32
      %swap3A_502 = arith.index_cast %add3A_501 : i32 to index
      %swap3A_503 = tpu.vector_load %arg6[%swap3A_502] {strides = array<i32>} : memref<13824xi32, #tpu.memory_space<vmem>>, vector<16xi32>,
      %swap3A_504 = vector.shape_cast %swap3A_503 : vector<16xi32> to vector<16xi32>
      %swap3A_505 = vector.shape_cast %add3A_499 : vector<16xi32> to vector<16xi32>
      tpu.vector_store %arg6[%swap3A_502], %swap3A_505 {strides = array<i32>} : memref<13824xi32, #tpu.memory_space<vmem>>, vector<16xi32>,
      %mul3A_506 = arith.mulf %mul3A_493, %sub3A_201 : vector<16xf32>
      %add3A_507 = arith.constant 7680 : i32
      %add3A_508 = arith.addi %add3A_507, %mul3A_231 : i32
      %swap3A_509 = arith.index_cast %add3A_508 : i32 to index
      %swap3A_510 = tpu.vector_load %arg7[%swap3A_509] {strides = array<i32>} : memref<13824xf32, #tpu.memory_space<vmem>>, vector<16xf32>,
      %swap3A_511 = vector.shape_cast %swap3A_510 : vector<16xf32> to vector<16xf32>
      %swap3A_512 = vector.shape_cast %mul3A_506 : vector<16xf32> to vector<16xf32>
      tpu.vector_store %arg7[%swap3A_509], %swap3A_512 {strides = array<i32>} : memref<13824xf32, #tpu.memory_space<vmem>>, vector<16xf32>,
      %add3A_513 = arith.constant 1 : i32
      %add3A_514 = vector.broadcast %add3A_513 : i32 to vector<16xi32>
      %add3A_515 = arith.addi %add3A_496, %add3A_514 : vector<16xi32>
      %add3A_516 = arith.constant 8192 : i32
      %add3A_517 = arith.addi %add3A_516, %mul3A_231 : i32
      %swap3A_518 = arith.index_cast %add3A_517 : i32 to index
      %swap3A_519 = tpu.vector_load %arg6[%swap3A_518] {strides = array<i32>} : memref<13824xi32, #tpu.memory_space<vmem>>, vector<16xi32>,
      %swap3A_520 = vector.shape_cast %swap3A_519 : vector<16xi32> to vector<16xi32>
      %swap3A_521 = vector.shape_cast %add3A_515 : vector<16xi32> to vector<16xi32>
      tpu.vector_store %arg6[%swap3A_518], %swap3A_521 {strides = array<i32>} : memref<13824xi32, #tpu.memory_space<vmem>>, vector<16xi32>,
      %mul3A_522 = arith.mulf %mul3A_493, %min3A_211 : vector<16xf32>
      %add3A_523 = arith.constant 8192 : i32
      %add3A_524 = arith.addi %add3A_523, %mul3A_231 : i32
      %swap3A_525 = arith.index_cast %add3A_524 : i32 to index
      %swap3A_526 = tpu.vector_load %arg7[%swap3A_525] {strides = array<i32>} : memref<13824xf32, #tpu.memory_space<vmem>>, vector<16xf32>,
      %swap3A_527 = vector.shape_cast %swap3A_526 : vector<16xf32> to vector<16xf32>
      %swap3A_528 = vector.shape_cast %mul3A_522 : vector<16xf32> to vector<16xf32>
      tpu.vector_store %arg7[%swap3A_525], %swap3A_528 {strides = array<i32>} : memref<13824xf32, #tpu.memory_space<vmem>>, vector<16xf32>,
      %add3A_529 = arith.constant 2 : i32
      %add3A_530 = vector.broadcast %add3A_529 : i32 to vector<16xi32>
      %add3A_531 = arith.addi %add3A_496, %add3A_530 : vector<16xi32>
      %add3A_532 = arith.constant 8704 : i32
      %add3A_533 = arith.addi %add3A_532, %mul3A_231 : i32
      %swap3A_534 = arith.index_cast %add3A_533 : i32 to index
      %swap3A_535 = tpu.vector_load %arg6[%swap3A_534] {strides = array<i32>} : memref<13824xi32, #tpu.memory_space<vmem>>, vector<16xi32>,
      %swap3A_536 = vector.shape_cast %swap3A_535 : vector<16xi32> to vector<16xi32>
      %swap3A_537 = vector.shape_cast %add3A_531 : vector<16xi32> to vector<16xi32>
      tpu.vector_store %arg6[%swap3A_534], %swap3A_537 {strides = array<i32>} : memref<13824xi32, #tpu.memory_space<vmem>>, vector<16xi32>,
      %mul3A_538 = arith.mulf %mul3A_493, %min3A_221 : vector<16xf32>
      %add3A_539 = arith.constant 8704 : i32
      %add3A_540 = arith.addi %add3A_539, %mul3A_231 : i32
      %swap3A_541 = arith.index_cast %add3A_540 : i32 to index
      %swap3A_542 = tpu.vector_load %arg7[%swap3A_541] {strides = array<i32>} : memref<13824xf32, #tpu.memory_space<vmem>>, vector<16xf32>,
      %swap3A_543 = vector.shape_cast %swap3A_542 : vector<16xf32> to vector<16xf32>
      %swap3A_544 = vector.shape_cast %mul3A_538 : vector<16xf32> to vector<16xf32>
      tpu.vector_store %arg7[%swap3A_541], %swap3A_544 {strides = array<i32>} : memref<13824xf32, #tpu.memory_space<vmem>>, vector<16xf32>,
      %mul3A_545 = arith.mulf %div3A, %min3A_175 : vector<16xf32>
      %mul3A_546 = arith.mulf %mul3A_545, %sub3A_178 : vector<16xf32>
      %add3A_547 = arith.constant 2048 : i32
      %add3A_548 = vector.broadcast %add3A_547 : i32 to vector<16xi32>
      %add3A_549 = arith.addi %add3A_229, %add3A_548 : vector<16xi32>
      %add3A_550 = arith.constant 0 : i32
      %add3A_551 = vector.broadcast %add3A_550 : i32 to vector<16xi32>
      %add3A_552 = arith.addi %add3A_549, %add3A_551 : vector<16xi32>
      %add3A_553 = arith.constant 9216 : i32
      %add3A_554 = arith.addi %add3A_553, %mul3A_231 : i32
      %swap3A_555 = arith.index_cast %add3A_554 : i32 to index
      %swap3A_556 = tpu.vector_load %arg6[%swap3A_555] {strides = array<i32>} : memref<13824xi32, #tpu.memory_space<vmem>>, vector<16xi32>,
      %swap3A_557 = vector.shape_cast %swap3A_556 : vector<16xi32> to vector<16xi32>
      %swap3A_558 = vector.shape_cast %add3A_552 : vector<16xi32> to vector<16xi32>
      tpu.vector_store %arg6[%swap3A_555], %swap3A_558 {strides = array<i32>} : memref<13824xi32, #tpu.memory_space<vmem>>, vector<16xi32>,
      %mul3A_559 = arith.mulf %mul3A_546, %sub3A_201 : vector<16xf32>
      %add3A_560 = arith.constant 9216 : i32
      %add3A_561 = arith.addi %add3A_560, %mul3A_231 : i32
      %swap3A_562 = arith.index_cast %add3A_561 : i32 to index
      %swap3A_563 = tpu.vector_load %arg7[%swap3A_562] {strides = array<i32>} : memref<13824xf32, #tpu.memory_space<vmem>>, vector<16xf32>,
      %swap3A_564 = vector.shape_cast %swap3A_563 : vector<16xf32> to vector<16xf32>
      %swap3A_565 = vector.shape_cast %mul3A_559 : vector<16xf32> to vector<16xf32>
      tpu.vector_store %arg7[%swap3A_562], %swap3A_565 {strides = array<i32>} : memref<13824xf32, #tpu.memory_space<vmem>>, vector<16xf32>,
      %add3A_566 = arith.constant 1 : i32
      %add3A_567 = vector.broadcast %add3A_566 : i32 to vector<16xi32>
      %add3A_568 = arith.addi %add3A_549, %add3A_567 : vector<16xi32>
      %add3A_569 = arith.constant 9728 : i32
      %add3A_570 = arith.addi %add3A_569, %mul3A_231 : i32
      %swap3A_571 = arith.index_cast %add3A_570 : i32 to index
      %swap3A_572 = tpu.vector_load %arg6[%swap3A_571] {strides = array<i32>} : memref<13824xi32, #tpu.memory_space<vmem>>, vector<16xi32>,
      %swap3A_573 = vector.shape_cast %swap3A_572 : vector<16xi32> to vector<16xi32>
      %swap3A_574 = vector.shape_cast %add3A_568 : vector<16xi32> to vector<16xi32>
      tpu.vector_store %arg6[%swap3A_571], %swap3A_574 {strides = array<i32>} : memref<13824xi32, #tpu.memory_space<vmem>>, vector<16xi32>,
      %mul3A_575 = arith.mulf %mul3A_546, %min3A_211 : vector<16xf32>
      %add3A_576 = arith.constant 9728 : i32
      %add3A_577 = arith.addi %add3A_576, %mul3A_231 : i32
      %swap3A_578 = arith.index_cast %add3A_577 : i32 to index
      %swap3A_579 = tpu.vector_load %arg7[%swap3A_578] {strides = array<i32>} : memref<13824xf32, #tpu.memory_space<vmem>>, vector<16xf32>,
      %swap3A_580 = vector.shape_cast %swap3A_579 : vector<16xf32> to vector<16xf32>
      %swap3A_581 = vector.shape_cast %mul3A_575 : vector<16xf32> to vector<16xf32>
      tpu.vector_store %arg7[%swap3A_578], %swap3A_581 {strides = array<i32>} : memref<13824xf32, #tpu.memory_space<vmem>>, vector<16xf32>,
      %add3A_582 = arith.constant 2 : i32
      %add3A_583 = vector.broadcast %add3A_582 : i32 to vector<16xi32>
      %add3A_584 = arith.addi %add3A_549, %add3A_583 : vector<16xi32>
      %add3A_585 = arith.constant 10240 : i32
      %add3A_586 = arith.addi %add3A_585, %mul3A_231 : i32
      %swap3A_587 = arith.index_cast %add3A_586 : i32 to index
      %swap3A_588 = tpu.vector_load %arg6[%swap3A_587] {strides = array<i32>} : memref<13824xi32, #tpu.memory_space<vmem>>, vector<16xi32>,
      %swap3A_589 = vector.shape_cast %swap3A_588 : vector<16xi32> to vector<16xi32>
      %swap3A_590 = vector.shape_cast %add3A_584 : vector<16xi32> to vector<16xi32>
      tpu.vector_store %arg6[%swap3A_587], %swap3A_590 {strides = array<i32>} : memref<13824xi32, #tpu.memory_space<vmem>>, vector<16xi32>,
      %mul3A_591 = arith.mulf %mul3A_546, %min3A_221 : vector<16xf32>
      %add3A_592 = arith.constant 10240 : i32
      %add3A_593 = arith.addi %add3A_592, %mul3A_231 : i32
      %swap3A_594 = arith.index_cast %add3A_593 : i32 to index
      %swap3A_595 = tpu.vector_load %arg7[%swap3A_594] {strides = array<i32>} : memref<13824xf32, #tpu.memory_space<vmem>>, vector<16xf32>,
      %swap3A_596 = vector.shape_cast %swap3A_595 : vector<16xf32> to vector<16xf32>
      %swap3A_597 = vector.shape_cast %mul3A_591 : vector<16xf32> to vector<16xf32>
      tpu.vector_store %arg7[%swap3A_594], %swap3A_597 {strides = array<i32>} : memref<13824xf32, #tpu.memory_space<vmem>>, vector<16xf32>,
      %mul3A_598 = arith.mulf %mul3A_545, %min3A_188 : vector<16xf32>
      %add3A_599 = arith.constant 2056 : i32
      %add3A_600 = vector.broadcast %add3A_599 : i32 to vector<16xi32>
      %add3A_601 = arith.addi %add3A_229, %add3A_600 : vector<16xi32>
      %add3A_602 = arith.constant 0 : i32
      %add3A_603 = vector.broadcast %add3A_602 : i32 to vector<16xi32>
      %add3A_604 = arith.addi %add3A_601, %add3A_603 : vector<16xi32>
      %add3A_605 = arith.constant 10752 : i32
      %add3A_606 = arith.addi %add3A_605, %mul3A_231 : i32
      %swap3A_607 = arith.index_cast %add3A_606 : i32 to index
      %swap3A_608 = tpu.vector_load %arg6[%swap3A_607] {strides = array<i32>} : memref<13824xi32, #tpu.memory_space<vmem>>, vector<16xi32>,
      %swap3A_609 = vector.shape_cast %swap3A_608 : vector<16xi32> to vector<16xi32>
      %swap3A_610 = vector.shape_cast %add3A_604 : vector<16xi32> to vector<16xi32>
      tpu.vector_store %arg6[%swap3A_607], %swap3A_610 {strides = array<i32>} : memref<13824xi32, #tpu.memory_space<vmem>>, vector<16xi32>,
      %mul3A_611 = arith.mulf %mul3A_598, %sub3A_201 : vector<16xf32>
      %add3A_612 = arith.constant 10752 : i32
      %add3A_613 = arith.addi %add3A_612, %mul3A_231 : i32
      %swap3A_614 = arith.index_cast %add3A_613 : i32 to index
      %swap3A_615 = tpu.vector_load %arg7[%swap3A_614] {strides = array<i32>} : memref<13824xf32, #tpu.memory_space<vmem>>, vector<16xf32>,
      %swap3A_616 = vector.shape_cast %swap3A_615 : vector<16xf32> to vector<16xf32>
      %swap3A_617 = vector.shape_cast %mul3A_611 : vector<16xf32> to vector<16xf32>
      tpu.vector_store %arg7[%swap3A_614], %swap3A_617 {strides = array<i32>} : memref<13824xf32, #tpu.memory_space<vmem>>, vector<16xf32>,
      %add3A_618 = arith.constant 1 : i32
      %add3A_619 = vector.broadcast %add3A_618 : i32 to vector<16xi32>
      %add3A_620 = arith.addi %add3A_601, %add3A_619 : vector<16xi32>
      %add3A_621 = arith.constant 11264 : i32
      %add3A_622 = arith.addi %add3A_621, %mul3A_231 : i32
      %swap3A_623 = arith.index_cast %add3A_622 : i32 to index
      %swap3A_624 = tpu.vector_load %arg6[%swap3A_623] {strides = array<i32>} : memref<13824xi32, #tpu.memory_space<vmem>>, vector<16xi32>,
      %swap3A_625 = vector.shape_cast %swap3A_624 : vector<16xi32> to vector<16xi32>
      %swap3A_626 = vector.shape_cast %add3A_620 : vector<16xi32> to vector<16xi32>
      tpu.vector_store %arg6[%swap3A_623], %swap3A_626 {strides = array<i32>} : memref<13824xi32, #tpu.memory_space<vmem>>, vector<16xi32>,
      %mul3A_627 = arith.mulf %mul3A_598, %min3A_211 : vector<16xf32>
      %add3A_628 = arith.constant 11264 : i32
      %add3A_629 = arith.addi %add3A_628, %mul3A_231 : i32
      %swap3A_630 = arith.index_cast %add3A_629 : i32 to index
      %swap3A_631 = tpu.vector_load %arg7[%swap3A_630] {strides = array<i32>} : memref<13824xf32, #tpu.memory_space<vmem>>, vector<16xf32>,
      %swap3A_632 = vector.shape_cast %swap3A_631 : vector<16xf32> to vector<16xf32>
      %swap3A_633 = vector.shape_cast %mul3A_627 : vector<16xf32> to vector<16xf32>
      tpu.vector_store %arg7[%swap3A_630], %swap3A_633 {strides = array<i32>} : memref<13824xf32, #tpu.memory_space<vmem>>, vector<16xf32>,
      %add3A_634 = arith.constant 2 : i32
      %add3A_635 = vector.broadcast %add3A_634 : i32 to vector<16xi32>
      %add3A_636 = arith.addi %add3A_601, %add3A_635 : vector<16xi32>
      %add3A_637 = arith.constant 11776 : i32
      %add3A_638 = arith.addi %add3A_637, %mul3A_231 : i32
      %swap3A_639 = arith.index_cast %add3A_638 : i32 to index
      %swap3A_640 = tpu.vector_load %arg6[%swap3A_639] {strides = array<i32>} : memref<13824xi32, #tpu.memory_space<vmem>>, vector<16xi32>,
      %swap3A_641 = vector.shape_cast %swap3A_640 : vector<16xi32> to vector<16xi32>
      %swap3A_642 = vector.shape_cast %add3A_636 : vector<16xi32> to vector<16xi32>
      tpu.vector_store %arg6[%swap3A_639], %swap3A_642 {strides = array<i32>} : memref<13824xi32, #tpu.memory_space<vmem>>, vector<16xi32>,
      %mul3A_643 = arith.mulf %mul3A_598, %min3A_221 : vector<16xf32>
      %add3A_644 = arith.constant 11776 : i32
      %add3A_645 = arith.addi %add3A_644, %mul3A_231 : i32
      %swap3A_646 = arith.index_cast %add3A_645 : i32 to index
      %swap3A_647 = tpu.vector_load %arg7[%swap3A_646] {strides = array<i32>} : memref<13824xf32, #tpu.memory_space<vmem>>, vector<16xf32>,
      %swap3A_648 = vector.shape_cast %swap3A_647 : vector<16xf32> to vector<16xf32>
      %swap3A_649 = vector.shape_cast %mul3A_643 : vector<16xf32> to vector<16xf32>
      tpu.vector_store %arg7[%swap3A_646], %swap3A_649 {strides = array<i32>} : memref<13824xf32, #tpu.memory_space<vmem>>, vector<16xf32>,
      %mul3A_650 = arith.mulf %mul3A_545, %min3A_198 : vector<16xf32>
      %add3A_651 = arith.constant 2064 : i32
      %add3A_652 = vector.broadcast %add3A_651 : i32 to vector<16xi32>
      %add3A_653 = arith.addi %add3A_229, %add3A_652 : vector<16xi32>
      %add3A_654 = arith.constant 0 : i32
      %add3A_655 = vector.broadcast %add3A_654 : i32 to vector<16xi32>
      %add3A_656 = arith.addi %add3A_653, %add3A_655 : vector<16xi32>
      %add3A_657 = arith.constant 12288 : i32
      %add3A_658 = arith.addi %add3A_657, %mul3A_231 : i32
      %swap3A_659 = arith.index_cast %add3A_658 : i32 to index
      %swap3A_660 = tpu.vector_load %arg6[%swap3A_659] {strides = array<i32>} : memref<13824xi32, #tpu.memory_space<vmem>>, vector<16xi32>,
      %swap3A_661 = vector.shape_cast %swap3A_660 : vector<16xi32> to vector<16xi32>
      %swap3A_662 = vector.shape_cast %add3A_656 : vector<16xi32> to vector<16xi32>
      tpu.vector_store %arg6[%swap3A_659], %swap3A_662 {strides = array<i32>} : memref<13824xi32, #tpu.memory_space<vmem>>, vector<16xi32>,
      %mul3A_663 = arith.mulf %mul3A_650, %sub3A_201 : vector<16xf32>
      %add3A_664 = arith.constant 12288 : i32
      %add3A_665 = arith.addi %add3A_664, %mul3A_231 : i32
      %swap3A_666 = arith.index_cast %add3A_665 : i32 to index
      %swap3A_667 = tpu.vector_load %arg7[%swap3A_666] {strides = array<i32>} : memref<13824xf32, #tpu.memory_space<vmem>>, vector<16xf32>,
      %swap3A_668 = vector.shape_cast %swap3A_667 : vector<16xf32> to vector<16xf32>
      %swap3A_669 = vector.shape_cast %mul3A_663 : vector<16xf32> to vector<16xf32>
      tpu.vector_store %arg7[%swap3A_666], %swap3A_669 {strides = array<i32>} : memref<13824xf32, #tpu.memory_space<vmem>>, vector<16xf32>,
      %add3A_670 = arith.constant 1 : i32
      %add3A_671 = vector.broadcast %add3A_670 : i32 to vector<16xi32>
      %add3A_672 = arith.addi %add3A_653, %add3A_671 : vector<16xi32>
      %add3A_673 = arith.constant 12800 : i32
      %add3A_674 = arith.addi %add3A_673, %mul3A_231 : i32
      %swap3A_675 = arith.index_cast %add3A_674 : i32 to index
      %swap3A_676 = tpu.vector_load %arg6[%swap3A_675] {strides = array<i32>} : memref<13824xi32, #tpu.memory_space<vmem>>, vector<16xi32>,
      %swap3A_677 = vector.shape_cast %swap3A_676 : vector<16xi32> to vector<16xi32>
      %swap3A_678 = vector.shape_cast %add3A_672 : vector<16xi32> to vector<16xi32>
      tpu.vector_store %arg6[%swap3A_675], %swap3A_678 {strides = array<i32>} : memref<13824xi32, #tpu.memory_space<vmem>>, vector<16xi32>,
      %mul3A_679 = arith.mulf %mul3A_650, %min3A_211 : vector<16xf32>
      %add3A_680 = arith.constant 12800 : i32
      %add3A_681 = arith.addi %add3A_680, %mul3A_231 : i32
      %swap3A_682 = arith.index_cast %add3A_681 : i32 to index
      %swap3A_683 = tpu.vector_load %arg7[%swap3A_682] {strides = array<i32>} : memref<13824xf32, #tpu.memory_space<vmem>>, vector<16xf32>,
      %swap3A_684 = vector.shape_cast %swap3A_683 : vector<16xf32> to vector<16xf32>
      %swap3A_685 = vector.shape_cast %mul3A_679 : vector<16xf32> to vector<16xf32>
      tpu.vector_store %arg7[%swap3A_682], %swap3A_685 {strides = array<i32>} : memref<13824xf32, #tpu.memory_space<vmem>>, vector<16xf32>,
      %add3A_686 = arith.constant 2 : i32
      %add3A_687 = vector.broadcast %add3A_686 : i32 to vector<16xi32>
      %add3A_688 = arith.addi %add3A_653, %add3A_687 : vector<16xi32>
      %add3A_689 = arith.constant 13312 : i32
      %add3A_690 = arith.addi %add3A_689, %mul3A_231 : i32
      %swap3A_691 = arith.index_cast %add3A_690 : i32 to index
      %swap3A_692 = tpu.vector_load %arg6[%swap3A_691] {strides = array<i32>} : memref<13824xi32, #tpu.memory_space<vmem>>, vector<16xi32>,
      %swap3A_693 = vector.shape_cast %swap3A_692 : vector<16xi32> to vector<16xi32>
      %swap3A_694 = vector.shape_cast %add3A_688 : vector<16xi32> to vector<16xi32>
      tpu.vector_store %arg6[%swap3A_691], %swap3A_694 {strides = array<i32>} : memref<13824xi32, #tpu.memory_space<vmem>>, vector<16xi32>,
      %mul3A_695 = arith.mulf %mul3A_650, %min3A_221 : vector<16xf32>
      %add3A_696 = arith.constant 13312 : i32
      %add3A_697 = arith.addi %add3A_696, %mul3A_231 : i32
      %swap3A_698 = arith.index_cast %add3A_697 : i32 to index
      %swap3A_699 = tpu.vector_load %arg7[%swap3A_698] {strides = array<i32>} : memref<13824xf32, #tpu.memory_space<vmem>>, vector<16xf32>,
      %swap3A_700 = vector.shape_cast %swap3A_699 : vector<16xf32> to vector<16xf32>
      %swap3A_701 = vector.shape_cast %mul3A_695 : vector<16xf32> to vector<16xf32>
      tpu.vector_store %arg7[%swap3A_698], %swap3A_701 {strides = array<i32>} : memref<13824xf32, #tpu.memory_space<vmem>>, vector<16xf32>,
    }
    %scan3A_45 = arith.constant 32 : i32
    %scan3A_46 = arith.constant 0 : i32
    %scan3A_47 = arith.constant 0 : i32
    %scan3A_48 = arith.constant 108 : i32
    %scan3A_49 = arith.addi %scan3A_47, %scan3A_48 : i32
    %scan3A_50 = arith.constant 1 : i32
    scf.for %scan3A_73 = %scan3A_47 to %scan3A_49 step %scan3A_50  : i32 {
      %mul3A_74 = arith.constant 128 : i32
      %mul3A_75 = arith.muli %scan3A_73, %mul3A_74 : i32
      %mul3A_76 = arith.constant 128 : i32
      %mul3A_77 = arith.muli %scan3A_73, %mul3A_76 : i32
      %dma_start3A_78 = tpu.memref_slice %arg7[%mul3A_75] : memref<13824xf32, #tpu.memory_space<vmem>> -> memref<128xf32, #tpu.memory_space<vmem>>
      %dma_start3A_79 = tpu.memref_slice %arg6[%mul3A_77] : memref<13824xi32, #tpu.memory_space<vmem>> -> memref<128xi32, #tpu.memory_space<vmem>>
      %dma_start3A_80 = arith.constant 0 : i32
      %dma_start3A_81 = tpu.memref_slice %arg11[%dma_start3A_80] : memref<131072xf32, #tpu.memory_space<vmem_shared>> -> memref<131072xf32, #tpu.memory_space<vmem_shared>>
      tpu.enqueue_indirect_dma source(%dma_start3A_78 : memref<128xf32, #tpu.memory_space<vmem>>) target(%dma_start3A_81 : memref<131072xf32, #tpu.memory_space<vmem_shared>>) offsets(%dma_start3A_79 : memref<128xi32, #tpu.memory_space<vmem>>) semaphore(%arg12 : memref<!tpu.dma_semaphore, #tpu.memory_space<semaphore_mem>>) {add = true}
    }
    %scan3A_51 = arith.constant 108 : i32
    %scan3A_52 = arith.constant 0 : i32
    %scan3A_53 = arith.constant 0 : i32
    %scan3A_54 = arith.constant 108 : i32
    %scan3A_55 = arith.addi %scan3A_53, %scan3A_54 : i32
    %scan3A_56 = arith.constant 1 : i32
    scf.for %scan3A_73 = %scan3A_53 to %scan3A_55 step %scan3A_56  : i32 {
      %mul3A_74 = arith.constant 128 : i32
      %mul3A_75 = arith.muli %scan3A_73, %mul3A_74 : i32
      %mul3A_76 = arith.constant 128 : i32
      %mul3A_77 = arith.muli %scan3A_73, %mul3A_76 : i32
      %dma_wait3A_78 = tpu.memref_slice %arg7[%mul3A_75] : memref<13824xf32, #tpu.memory_space<vmem>> -> memref<128xf32, #tpu.memory_space<vmem>>
      %dma_wait3A_79 = tpu.memref_slice %arg6[%mul3A_77] : memref<13824xi32, #tpu.memory_space<vmem>> -> memref<128xi32, #tpu.memory_space<vmem>>
      %dma_wait3A_80 = arith.constant 0 : i32
      %dma_wait3A_81 = tpu.memref_slice %arg11[%dma_wait3A_80] : memref<131072xf32, #tpu.memory_space<vmem_shared>> -> memref<131072xf32, #tpu.memory_space<vmem_shared>>
      tpu.wait_indirect_dma semaphore(%arg12 : memref<!tpu.dma_semaphore, #tpu.memory_space<semaphore_mem>>) src(%dma_wait3A_78 : memref<128xf32, #tpu.memory_space<vmem>>) dst(%dma_wait3A_81 : memref<131072xf32, #tpu.memory_space<vmem_shared>>)
    }
    %scan3A_57 = arith.constant 108 : i32
    %while3A_58 = arith.constant 0 : i32
    %while3A_59 = arith.constant 0 : i32
    %while3A_60 = arith.subi %scan3A_26#1, %while3A_59 : i32
    %while3A_61 = arith.addi %while3A_59, %while3A_60 : i32
    %while3A_62 = arith.constant 1 : i32
    %while3A_63 = arith.divsi %while3A_60, %while3A_62 : i32
    %while3A_64 = arith.muli %while3A_63, %while3A_62 : i32
    %while3A_65 = arith.addi %while3A_59, %while3A_64 : i32
    %while3A_66 = arith.constant 1 : i32
    scf.for %while3A_73 = %while3A_59 to %while3A_65 step %while3A_66  : i32 {
      %mul3A_74 = arith.constant 128 : i32
      %mul3A_75 = arith.muli %while3A_73, %mul3A_74 : i32
      %mul3A_76 = arith.constant 128 : i32
      %mul3A_77 = arith.muli %while3A_73, %mul3A_76 : i32
      %dma_wait3A_78 = tpu.memref_slice %arg9[%mul3A_75] : memref<13824xf32, #tpu.memory_space<vmem>> -> memref<128xf32, #tpu.memory_space<vmem>>
      %dma_wait3A_79 = tpu.memref_slice %arg8[%mul3A_77] : memref<13824xi32, #tpu.memory_space<vmem>> -> memref<128xi32, #tpu.memory_space<vmem>>
      %dma_wait3A_80 = arith.constant 0 : i32
      %dma_wait3A_81 = tpu.memref_slice %arg11[%dma_wait3A_80] : memref<131072xf32, #tpu.memory_space<vmem_shared>> -> memref<131072xf32, #tpu.memory_space<vmem_shared>>
      tpu.wait_indirect_dma semaphore(%arg13 : memref<!tpu.dma_semaphore, #tpu.memory_space<semaphore_mem>>) src(%dma_wait3A_78 : memref<128xf32, #tpu.memory_space<vmem>>) dst(%dma_wait3A_81 : memref<131072xf32, #tpu.memory_space<vmem_shared>>)
    }
    %while3A_67 = arith.constant 1 : i32
    scf.for %while3A_73 = %while3A_65 to %while3A_61 step %while3A_67  : i32 {
      %mul3A_74 = arith.constant 128 : i32
      %mul3A_75 = arith.muli %while3A_73, %mul3A_74 : i32
      %mul3A_76 = arith.constant 128 : i32
      %mul3A_77 = arith.muli %while3A_73, %mul3A_76 : i32
      %dma_wait3A_78 = tpu.memref_slice %arg9[%mul3A_75] : memref<13824xf32, #tpu.memory_space<vmem>> -> memref<128xf32, #tpu.memory_space<vmem>>
      %dma_wait3A_79 = tpu.memref_slice %arg8[%mul3A_77] : memref<13824xi32, #tpu.memory_space<vmem>> -> memref<128xi32, #tpu.memory_space<vmem>>
      %dma_wait3A_80 = arith.constant 0 : i32
      %dma_wait3A_81 = tpu.memref_slice %arg11[%dma_wait3A_80] : memref<131072xf32, #tpu.memory_space<vmem_shared>> -> memref<131072xf32, #tpu.memory_space<vmem_shared>>
      tpu.wait_indirect_dma semaphore(%arg13 : memref<!tpu.dma_semaphore, #tpu.memory_space<semaphore_mem>>) src(%dma_wait3A_78 : memref<128xf32, #tpu.memory_space<vmem>>) dst(%dma_wait3A_81 : memref<131072xf32, #tpu.memory_space<vmem_shared>>)
    }
    %barrier3A_68 = arith.constant 0 : index
    tpu.barrier barrier_id(%barrier3A_68)
    %mul3A_69 = arith.constant 8192 : i32
    %mul3A_70 = arith.muli %arg1, %mul3A_69 : i32
    "tpu.region"() ({
      %run_scoped3A = tpu.sem_alloc : memref<!tpu.dma_semaphore, #tpu.memory_space<semaphore_mem>>
      %dma_start3A_73 = tpu.memref_slice %arg11[%mul3A_70] : memref<131072xf32, #tpu.memory_space<vmem_shared>> -> memref<8192xf32, #tpu.memory_space<vmem_shared>>
      %dma_start3A_74 = tpu.memref_slice %arg11[%mul3A_70] : memref<131072xf32, #tpu.memory_space<vmem_shared>> -> memref<8192xf32, #tpu.memory_space<vmem_shared>>
      tpu.enqueue_dma source(%dma_start3A_74 : memref<8192xf32, #tpu.memory_space<vmem_shared>>) target(%arg10 : memref<8192xf32, #tpu.memory_space<vmem>>) target_semaphore(%run_scoped3A : memref<!tpu.dma_semaphore, #tpu.memory_space<semaphore_mem>>)
      %dma_wait3A_75 = tpu.memref_slice %arg11[%mul3A_70] : memref<131072xf32, #tpu.memory_space<vmem_shared>> -> memref<8192xf32, #tpu.memory_space<vmem_shared>>
      %dma_wait3A_76 = tpu.memref_slice %arg11[%mul3A_70] : memref<131072xf32, #tpu.memory_space<vmem_shared>> -> memref<8192xf32, #tpu.memory_space<vmem_shared>>
      tpu.wait_dma2 semaphore(%run_scoped3A : memref<!tpu.dma_semaphore, #tpu.memory_space<semaphore_mem>>) src(%dma_wait3A_76 : memref<8192xf32, #tpu.memory_space<vmem_shared>>) dst(%arg10 : memref<8192xf32, #tpu.memory_space<vmem>>)
      tpu.yield
    }) : () -> ()
    %mul3A_71 = arith.constant 8192 : i32
    %mul3A_72 = arith.muli %arg1, %mul3A_71 : i32
    "tpu.region"() ({
      %run_scoped3A = tpu.sem_alloc : memref<!tpu.dma_semaphore, #tpu.memory_space<semaphore_mem>>
      %dma_start3A_73 = tpu.memref_slice %arg3[%arg0, %mul3A_72] : memref<2x131072xf32, #tpu.memory_space<hbm>> -> memref<1x8192xf32, #tpu.memory_space<hbm>>
      %dma_start3A_74 = tpu.memref_squeeze %dma_start3A_73 : memref<1x8192xf32, #tpu.memory_space<hbm>> -> memref<8192xf32, #tpu.memory_space<hbm>>
      %dma_start3A_75 = tpu.memref_slice %arg3[%arg0, %mul3A_72] : memref<2x131072xf32, #tpu.memory_space<hbm>> -> memref<1x8192xf32, #tpu.memory_space<hbm>>
      %dma_start3A_76 = tpu.memref_squeeze %dma_start3A_75 : memref<1x8192xf32, #tpu.memory_space<hbm>> -> memref<8192xf32, #tpu.memory_space<hbm>>
      tpu.enqueue_dma source(%arg10 : memref<8192xf32, #tpu.memory_space<vmem>>) target(%dma_start3A_76 : memref<8192xf32, #tpu.memory_space<hbm>>) target_semaphore(%run_scoped3A : memref<!tpu.dma_semaphore, #tpu.memory_space<semaphore_mem>>)
      %dma_wait3A_77 = tpu.memref_slice %arg3[%arg0, %mul3A_72] : memref<2x131072xf32, #tpu.memory_space<hbm>> -> memref<1x8192xf32, #tpu.memory_space<hbm>>
      %dma_wait3A_78 = tpu.memref_squeeze %dma_wait3A_77 : memref<1x8192xf32, #tpu.memory_space<hbm>> -> memref<8192xf32, #tpu.memory_space<hbm>>
      %dma_wait3A_79 = tpu.memref_slice %arg3[%arg0, %mul3A_72] : memref<2x131072xf32, #tpu.memory_space<hbm>> -> memref<1x8192xf32, #tpu.memory_space<hbm>>
      %dma_wait3A_80 = tpu.memref_squeeze %dma_wait3A_79 : memref<1x8192xf32, #tpu.memory_space<hbm>> -> memref<8192xf32, #tpu.memory_space<hbm>>
      tpu.wait_dma2 semaphore(%run_scoped3A : memref<!tpu.dma_semaphore, #tpu.memory_space<semaphore_mem>>) src(%arg10 : memref<8192xf32, #tpu.memory_space<vmem>>) dst(%dma_wait3A_80 : memref<8192xf32, #tpu.memory_space<hbm>>)
      tpu.yield
    }) : () -> ()
    return
  }
}

module attributes {stable_mosaic.version = 14 : i64} {
  func.func @_tc_tail(%arg0: memref<2x1024x128xf32, #tpu.memory_space<vmem>>, %arg1: memref<1024x128xf32, #tpu.memory_space<vmem>>, %arg2: memref<8x128xf32, #tpu.memory_space<vmem>>) attributes {dimension_semantics = [], scalar_prefetch = 0 : i64, scratch_operands = 0 : i64, tpu.core_type = #tpu.core_type<tc>} {
    %get3A = arith.constant 0 : index
    %get3A_0 = arith.constant 0 : index
    %get3A_1 = arith.constant 0 : index
    %get3A_2 = vector.load %arg0[%get3A, %get3A_0, %get3A_1] : memref<2x1024x128xf32, #tpu.memory_space<vmem>>, vector<1x1024x128xf32>
    %get3A_3 = vector.shape_cast %get3A_2 : vector<1x1024x128xf32> to vector<1024x128xf32>
    %get3A_4 = arith.constant 1 : index
    %get3A_5 = arith.constant 0 : index
    %get3A_6 = arith.constant 0 : index
    %get3A_7 = vector.load %arg0[%get3A_4, %get3A_5, %get3A_6] : memref<2x1024x128xf32, #tpu.memory_space<vmem>>, vector<1x1024x128xf32>
    %get3A_8 = vector.shape_cast %get3A_7 : vector<1x1024x128xf32> to vector<1024x128xf32>
    %add3A = arith.addf %get3A_3, %get3A_8 : vector<1024x128xf32>
    %get3A_9 = arith.constant 0 : index
    %get3A_10 = arith.constant 0 : index
    %get3A_11 = vector.load %arg1[%get3A_9, %get3A_10] : memref<1024x128xf32, #tpu.memory_space<vmem>>, vector<1024x128xf32>
    %add3A_12 = arith.addf %add3A, %get3A_11 : vector<1024x128xf32>
    %sub3A = arith.constant 1.843200e+03 : f32
    %sub3A_13 = vector.broadcast %sub3A : f32 to vector<1024x128xf32>
    %sub3A_14 = arith.subf %add3A_12, %sub3A_13 : vector<1024x128xf32>
    %max3A = arith.constant 0.000000e+00 : f32
    %max3A_15 = vector.broadcast %max3A : f32 to vector<1024x128xf32>
    %max3A_16 = arith.maximumf %sub3A_14, %max3A_15 : vector<1024x128xf32>
    %reduce_sum3A = vector.shape_cast %max3A_16 : vector<1024x128xf32> to vector<1x1024x128xf32>
    %reduce_sum3A_17 = arith.constant dense<0.000000e+00> : vector<1xf32>
    %reduce_sum3A_18 = vector.multi_reduction <add>, %reduce_sum3A, %reduce_sum3A_17 [1, 2] : vector<1x1024x128xf32> to vector<1xf32>
    %reduce_sum3A_19 = vector.shape_cast %reduce_sum3A_18 : vector<1xf32> to vector<1x1x1xf32>
    %reduce_sum3A_20 = vector.extract %reduce_sum3A_19[0, 0, 0] : f32 from vector<1x1x1xf32>
    %reduce_max3A = vector.shape_cast %add3A_12 : vector<1024x128xf32> to vector<1x1024x128xf32>
    %reduce_max3A_21 = arith.constant dense<0xFF800000> : vector<1xf32>
    %reduce_max3A_22 = vector.multi_reduction <maximumf>, %reduce_max3A, %reduce_max3A_21 [1, 2] : vector<1x1024x128xf32> to vector<1xf32>
    %reduce_max3A_23 = vector.shape_cast %reduce_max3A_22 : vector<1xf32> to vector<1x1x1xf32>
    %reduce_max3A_24 = vector.extract %reduce_max3A_23[0, 0, 0] : f32 from vector<1x1x1xf32>
    %mul3A = arith.constant 4.8828125E-4 : f32
    %mul3A_25 = arith.mulf %reduce_max3A_24, %mul3A : f32
    %iota3A = tpu.iota {dimensions = array<i32: 0>} : vector<8x128xi32>
    %iota3A_26 = tpu.iota {dimensions = array<i32: 1>} : vector<8x128xi32>
    %eq3A = arith.constant 0 : i32
    %eq3A_27 = vector.broadcast %eq3A : i32 to vector<8x128xi32>
    %eq3A_28 = arith.cmpi eq, %iota3A, %eq3A_27 : vector<8x128xi32>
    %eq3A_29 = arith.constant 0 : i32
    %eq3A_30 = vector.broadcast %eq3A_29 : i32 to vector<8x128xi32>
    %eq3A_31 = arith.cmpi eq, %iota3A_26, %eq3A_30 : vector<8x128xi32>
    %and3A = arith.andi %eq3A_28, %eq3A_31 : vector<8x128xi1>
    %eq3A_32 = arith.constant 0 : i32
    %eq3A_33 = vector.broadcast %eq3A_32 : i32 to vector<8x128xi32>
    %eq3A_34 = arith.cmpi eq, %iota3A, %eq3A_33 : vector<8x128xi32>
    %eq3A_35 = arith.constant 1 : i32
    %eq3A_36 = vector.broadcast %eq3A_35 : i32 to vector<8x128xi32>
    %eq3A_37 = arith.cmpi eq, %iota3A_26, %eq3A_36 : vector<8x128xi32>
    %and3A_38 = arith.andi %eq3A_34, %eq3A_37 : vector<8x128xi1>
    %jit3A = arith.constant 0.000000e+00 : f32
    %broadcast_in_dim3A = vector.broadcast %mul3A_25 : f32 to vector<8x128xf32>
    %broadcast_in_dim3A_39 = vector.broadcast %jit3A : f32 to vector<8x128xf32>
    %select_n3A = arith.select %and3A_38, %broadcast_in_dim3A, %broadcast_in_dim3A_39 : vector<8x128xi1>, vector<8x128xf32>
    %broadcast_in_dim3A_40 = vector.broadcast %reduce_sum3A_20 : f32 to vector<8x128xf32>
    %select_n3A_41 = arith.select %and3A, %broadcast_in_dim3A_40, %select_n3A : vector<8x128xi1>, vector<8x128xf32>
    %swap3A = arith.constant 0 : index
    %swap3A_42 = arith.constant 0 : index
    %swap3A_43 = vector.load %arg2[%swap3A, %swap3A_42] : memref<8x128xf32, #tpu.memory_space<vmem>>, vector<8x128xf32>
    tpu.vector_store %arg2[%swap3A, %swap3A_42], %select_n3A_41 {strides = array<i32>} : memref<8x128xf32, #tpu.memory_space<vmem>>, vector<8x128xf32>,
    return
  }
}

</mosaic_0001>

<sc_bundles>
// kernel: kernel.4.cloned.1.call-start
scs
__scs_entry_jumppad:
0x0: {  	(pc) =	sbr.rel $0x88, $3  }
0x1: {  	(tag) =	ssettag $0x0;
	lr =	simm.s32 $0x1  }
0x2: {  	[smem:$0x3F9C] =	sst lr;
	_ =	strace $0xD0000000  }
0x3: {  	_ = 	snop  }
0x4: {  	_ = 	snop  }
0x5: {  	_ = 	snop  }
0x6: {  	_ = 	snop  }
0x7: {  	_ = 	snop  }
__scs_overlays_trampoline_lowered:
0x8: {  	[smem:$0x3FAB] =	sst s0  }
0x9: {  	[smem:$0x3FAC] =	sst s1  }
0xa: {  	[smem:$0x3FAD] =	sst s2  }
0xb: {  	[smem:$0x3FAE] =	sst s3  }
0xc: {  	[smem:$0x3FAF] =	sst s4  }
0xd: {  	[smem:$0x3FB0] =	sst s5  }
0xe: {  	[smem:$0x3FB1] =	sst s6  }
0xf: {  	[smem:$0x3FB2] =	sst s7  }
0x10: {  	[smem:$0x3FB3] =	sst s8  }
0x11: {  	[smem:$0x3FB4] =	sst s9;
	s0 =	simm.s32 @!p0 $0x0  }
0x12: {  	s1 =	sld [smem:$0x3F9A];
	s0 =	simm.s32 @p0 $0x1  }
0x13: {  	[smem:$0x3FB5] =	sst s0;
	s0 =	simm.s32 @!p1 $0x0  }
0x14: {  	s2 =	sld [smem:$0x3F99];
	s0 =	simm.s32 @p1 $0x1  }
0x15: {  	[smem:$0x3FB6] =	sst s0;
	s0 =	simm.s32 @!p2 $0x0  }
0x16: {  	s3 =	sld [smem:$0x3FDB];
	s0 =	simm.s32 @p2 $0x1  }
0x17: {  	s4 =	simm.s32 $0x1BF5;
	[smem:$0x3FB8] =	sst s0  }
0x18: {  	s0 =	sld [smem:$0x3F9B];
	_ =	swait.ge [sflag:s4], $0x0  }
0x19: {  	s7 =	sld [smem:$0x3F9C]  }
0x1a: {  	s8 =	sadd.s32 $0xFFFFE003, lr  }
0x1b: {  	s9 =	sadd.s32 $0xFFFFFEF7, lr;
	s5 =	simm.s32 $0xFFFFFFFF;
	p2 =	slt.u32 s8, $0xFFFFF086  }
0x1c: {  	p1 =	slt.u32 s9, $0xF7A;
	s5 =	simm.s32 @!p2 $0x0  }
0x1d: {  	s5 =	simm.s32 @p1 $0x1;
	p0 =	seq.s32 s7, s2  }
0x1e: {  	s7 =	smul.u32 @!p0 $0xF7A, s2;
	p2 =	seq.s32 @!p0 s5, $0x0  }
0x1f: {  	s9 =	smul.u32 $0xF7A, s1;
	s8 =	simm.s32 @!p0 $0x1BF5;
	p2 =	por !p2, p0  }
0x20: {  	[sflag:s8] =	ssyncset.s32 @!p0 $0xFFFFF086;
	s6 =	sadd.s32 @!p0 s3, s7;
	s7 =	simm.s32 @!p0 $0x108  }
0x21: {  	s3 =	sadd.s32 s3, s9;
	s6 =	sadd.s32 @!p0 $0x88, s6;
	s7 =	simm.s32 @p2 $0x1082  }
0x22: {  	[simem:s7], [sflag:s8] =	dma.local @!p0 [hbm:s6], $0xF7A  }
0x23: {  	s9 =	sor.u32 $0xD0000000, s2;
	s6 =	simm.s32 $0x108;
	_ =	swait.ge @!p0 [sflag:s8], $0x0  }
0x24: {  	s3 =	sadd.s32 $0x88, s3;
	s6 =	simm.s32 @!p1 $0x1082;
	[sflag:s4] =	ssyncset.s32 $0xFFFFF086  }
0x25: {  	[simem:s6], [sflag:s4] =	dma.local [hbm:s3], $0xF7A  }
0x26: {  	[smem:$0x3F9C] =	sst s1;
	(tag) =	ssettag s2;
	_ =	strace s9  }
0x27: {  	s1 =	sld [smem:$0x3FAC]  }
0x28: {  	s2 =	sld [smem:$0x3FAD]  }
0x29: {  	s4 =	sld [smem:$0x3FAF]  }
0x2a: {  	p0 =	seq.s32 s5, $0x0;
	s5 =	sld [smem:$0x3FB0]  }
0x2b: {  	s6 =	sld [smem:$0x3FB1]  }
0x2c: {  	s7 =	sld [smem:$0x3FB2]  }
0x2d: {  	s3 =	simm.s32 $0x108;
	s8 =	sld [smem:$0x3FB3]  }
0x2e: {  	s3 =	simm.s32 @!p0 $0x1082;
	s9 =	sld [smem:$0x3FB4]  }
0x2f: {  	lr =	sadd.s32 s0, s3;
	s0 =	sld [smem:$0x3FAB]  }
0x30: {  	s3 =	sld [smem:$0x3FAE]  }
0x31: {  	[smem:$0x3FB7] =	sst s10  }
0x32: {  	s10 =	sld [smem:$0x3FB5];
	_ =	sdelay $0x3  }
0x33: {  	p0 =	seq.s32 s10, $0x1;
	s10 =	sld [smem:$0x3FB7];
	_ =	sdelay $0x3  }
0x34: {  	[smem:$0x3FB7] =	sst s10  }
0x35: {  	s10 =	sld [smem:$0x3FB6];
	_ =	sdelay $0x3  }
0x36: {  	p1 =	seq.s32 s10, $0x1;
	s10 =	sld [smem:$0x3FB7];
	_ =	sdelay $0x3  }
0x37: {  	[smem:$0x3FB7] =	sst s10  }
0x38: {  	s10 =	sld [smem:$0x3FB8]  }
0x39: {  	_ = 	snop;
	(pc) =	sbr.ind lr, $3  }
0x3a: {  	_ = 	snop  }
0x3b: {  	_ = 	snop  }
0x3c: {  	p2 =	seq.s32 s10, $0x1;
	s10 =	sld [smem:$0x3FB7]  }
0x3d: {  	_ =	shalt  }
0x3e: {  	_ =	shalt  }
0x3f: {  	_ =	shalt  }
0x40: {  	_ =	shalt  }
0x41: {  	_ =	shalt  }
0x42: {  	_ =	shalt  }
0x43: {  	_ =	shalt  }
0x44: {  	_ =	shalt  }
0x45: {  	_ =	shalt  }
0x46: {  	_ =	shalt  }
0x47: {  	_ =	shalt  }
0x48: {  	_ =	shalt  }
0x49: {  	_ =	shalt  }
0x4a: {  	_ =	shalt  }
0x4b: {  	_ =	shalt  }
0x4c: {  	_ =	shalt  }
0x4d: {  	_ =	shalt  }
0x4e: {  	_ =	shalt  }
0x4f: {  	_ =	shalt  }
0x50: {  	_ =	shalt  }
0x51: {  	_ =	shalt  }
0x52: {  	_ =	shalt  }
0x53: {  	_ =	shalt  }
0x54: {  	_ =	shalt  }
0x55: {  	_ =	shalt  }
0x56: {  	_ =	shalt  }
0x57: {  	_ =	shalt  }
0x58: {  	_ =	shalt  }
0x59: {  	_ =	shalt  }
0x5a: {  	_ =	shalt  }
0x5b: {  	_ =	shalt  }
0x5c: {  	_ =	shalt  }
0x5d: {  	_ =	shalt  }
0x5e: {  	_ =	shalt  }
0x5f: {  	_ =	shalt  }
0x60: {  	_ =	shalt  }
0x61: {  	_ =	shalt  }
0x62: {  	_ =	shalt  }
0x63: {  	_ =	shalt  }
0x64: {  	_ =	shalt  }
0x65: {  	_ =	shalt  }
0x66: {  	_ =	shalt  }
0x67: {  	_ =	shalt  }
0x68: {  	_ =	shalt  }
0x69: {  	_ =	shalt  }
0x6a: {  	_ =	shalt  }
0x6b: {  	_ =	shalt  }
0x6c: {  	_ =	shalt  }
0x6d: {  	_ =	shalt  }
0x6e: {  	_ =	shalt  }
0x6f: {  	_ =	shalt  }
0x70: {  	_ =	shalt  }
0x71: {  	_ =	shalt  }
0x72: {  	_ =	shalt  }
0x73: {  	_ =	shalt  }
0x74: {  	_ =	shalt  }
0x75: {  	_ =	shalt  }
0x76: {  	_ =	shalt  }
0x77: {  	_ =	shalt  }
0x78: {  	_ =	shalt  }
0x79: {  	_ =	shalt  }
0x7a: {  	_ =	shalt  }
0x7b: {  	_ =	shalt  }
0x7c: {  	_ =	shalt  }
0x7d: {  	_ =	shalt  }
0x7e: {  	_ =	shalt  }
0x7f: {  	_ =	shalt  }
0x80: {  	_ =	shalt  }
0x81: {  	_ =	shalt  }
0x82: {  	_ =	shalt  }
0x83: {  	_ =	shalt  }
0x84: {  	_ =	shalt  }
0x85: {  	_ =	shalt  }
0x86: {  	_ =	shalt  }
0x87: {  	_ =	shalt  }
.Lfunc_end0:
.L_simem_size_0:
called_computation_lowered:
.L_overlay_start_0:
0x88: {  	s2 =	sld [smem:$0x3FD9]  }
0x89: {  	s3 =	sld [smem:$0x3FFE];
	_ =	sdelay $0x1  }
0x8a: {  	s1 =	srdreg.scid  }
0x8b: {  	s0 =	sand.u32 $0x1, s1  }
0x8c: {  	s16 =	sshll.u32 s0, $0xA;
	s2 =	sadd.s32 s3, s2  }
0x8d: {  	s2 =	sadd.s32 s2, s16  }
0x8e: {  	[smem:$0x3FC3] =	sst s2  }
0x8f: {  	_ = 	snop  }
0x90: {  	(tm) =	ssettm $0x1  }
0x91: {  	s17 =	sld [smem:$0x3FFB];
	_ =	sdelay $0x3  }
0x92: {  	_ =	strace s17  }
0x93: {  	s2 =	sld [smem:$0x3FFC];
	_ =	sdelay $0x3  }
0x94: {  	_ =	strace s2  }
0x95: {  	s2 =	sld [smem:$0x3FFD];
	_ =	sdelay $0x3  }
0x96: {  	_ =	strace s2  }
0x97: {  	_ =	strace $0x8FFFFFFF  }
0x98: {  	s18 =	sld [smem:$0x3FDB];
	_ =	sdelay $0x1  }
0x99: {  	s19 =	simm.s32 $_scs_section_size  }
0x9a: {  	s4 =	simm.s32 $_size__tile_overlayer_lowered;
	s5 =	simm.s32 $_tile_overlayer_lowered  }
0x9b: {  	s22 =	simm.s32 $0x1BFF;
	s21 =	sshll.u32 s5, $0x1;
	s2 =	sadd.s32 s19, s18  }
0x9c: {  	s6 =	simm.s32 $0x0;
	s20 =	sshll.u32 s4, $0x1;
	s4 =	sadd.s32 s21, s2  }
0x9d: {  	[timem:s6], [sflag:s22] =	dma.local [hbm:s4], s20  }
0x9e: {  	_ =	swait.ge [sflag:s22], s20  }
0x9f: {  	s3 =	ssub.s32 $0x0, s20;
	[sflag:s22] =	ssyncset.done $0x0  }
0xa0: {  	[sflag:s22] =	ssyncadd.s32 s3;
	_ =	sdelay $0x1  }
0xa1: {  	s23 =	simm.s32 $0x1B8B  }
0xa2: {  	_ =	swait.ge [sflag:s23], $0x1  }
0xa3: {  	[sflag:s23] =	ssyncset.done $0x0  }
0xa4: {  	s25 =	simm.s32 $0x1B8E;
	s24 =	sld [smem:$0x3FFE];
	[sflag:s23] =	ssyncadd.s32 $0xFFFFFFFF  }
0xa5: {  	s26 =	simm.s32 $execute0_lowered;
	[smem:$0x3FD2] =	sst s25  }
0xa6: {  	s4 =	sshll.u32 s26, $0x1;
	_ =	strace $0x80000046;
	[dreg:$0x1] =	wrdreg $0xFFFFFFFF  }
0xa7: {  	s28 =	simm.s32 $_size_execute0_lowered;
	s2 =	sadd.s32 s2, s4;
	[dreg:$0x0] =	wrdreg $0x0  }
0xa8: {  	s4 =	sshll.u32 s28, $0x1;
	[dreg:$0x2] =	wrdreg s2  }
0xa9: {  	[dreg:$0x3] =	wrdreg s4  }
0xaa: {  	[dreg:$0x4] =	wrdreg $0xC0  }
0xab: {  	_ =	task [dreg:s6], $0x5FFFF  }
0xac: {  	[dreg:$0x1] =	wrdreg $0xFFFFFFFF  }
0xad: {  	[dreg:$0x0] =	wrdreg $0x60  }
0xae: {  	[dreg:$0x2] =	wrdreg s24  }
0xaf: {  	[dreg:$0x3] =	wrdreg $0x110000  }
0xb0: {  	[dreg:$0x4] =	wrdreg $0x9  }
0xb1: {  	_ =	task.clear_ibuf [dreg:s6], $0x5FFFF;
	_ =	strace $0x90000046  }
0xb2: {  	s29 =	simm.s32 $0x9;
	_ =	strace $0x80000048  }
0xb3: {  	_ =	swait.ge [sflag:s29], $0x1  }
0xb4: {  	[sflag:s29] =	ssyncadd.s32 $0xFFFFFFFF  }
0xb5: {  	_ =	strace $0x90000048  }
0xb6: {  	_ =	sfence  }
0xb7: {  	s30 =	sld [smem:$0x0];
	_ =	sdelay $0x2  }
0xb8: {  	s31 =	sshll.u32 s1, $0xD;
	s1 =	sshrl.u32 s1, $0x2  }
0xb9: {  	s3 =	sand.u32 $0x4000, s31;
	s1 =	sadd.s32 s1, s30  }
0xba: {  	s0 =	sor.u32 s3, s0;
	s1 =	sshll.u32 s1, $0x11  }
0xbb: {  	s0 =	sor.u32 s1, s0  }
0xbc: {  	s0 =	sadd.s32 $0x8F2B, s0  }
0xbd: {  	[sflag:s0] =	ssyncadd.remote.s32 $0x1  }
0xbe: {  	_ =	sfence.sel $0xFFFF  }
0xbf: {  	[dreg:$0x0] =	wrdreg $0xFFFFFFFF;
	(pc) =	sbr.abs _section_cstart, $3  }
0xc0: {  	[dreg:$0x1] =	wrdreg $0xFFFFFFFF  }
0xc1: {  	_ =	task.clear_ibuf [dreg:s6], $0x2FFFF;
	_ =	strace $0x9FFFFFFF  }
0xc2: {  	(tm) =	ssettm $0x7FFFFFFF  }
0xc3: {  	_ =	shalt  }
tec
execute0_lowered:
.L_overlay_start_1:
0x0: {  	(tag) =	ssettag $0x1  }
0x1: {  	s5 =	rddreg [dreg:$0x0]  }
0x2: {  	s2 =	rddreg [dreg:$0x1]  }
0x3: {  	s0 =	rddreg [dreg:$0x2];
	s3 =	simm.s32 $0x0;
	s4 =	srdreg.scid  }
0x4: {  	s1 =	stileid.u32;
	s14 =	simm.s32 $0x5;
	s15 =	simm.s32 $0x3  }
0x5: {  	s16 =	simm.s32 $0x1;
	s17 =	simm.s32 $0x80;
	s18 =	simm.s32 $0x4  }
0x6: {  	s19 =	simm.s32 $0x2;
	s20 =	simm.s32 $0x100;
	s21 =	simm.s32 $0x0  }
0x7: {  	[smem:$0x7FF] =	sst s3;
	s6 =	sand.u32 $0x1, s4;
	s26 =	sshll.u32 s1, $0x1  }
0x8: {  	s4 =	sadd.s32 $0x1000, s5;
	s30 =	sshll.u32 s1, $0xB;
	s7 =	sor.u32 s6, s26  }
0x9: {  	s31 =	sshll.u32 s1, $0xD;
	_ =	strace $0x80000047;
	s9 =	smul.u32 $0xE400, s7  }
0xa: {  	s8 =	ssub.s32 $0x2, s6;
	s6 =	sshll.u32 s6, $0x4;
	s11 =	smul.u32 $0x1C80, s7  }
0xb: {  	s10 =	sshrl.u32 s8, $0x1;
	s12 =	sadd.s32 s6, s5;
	s5 =	smul.u32 $0x13, s7  }
0xc: {  	s13 =	ssub.s32 s8, s10;
	s8 =	sadd.s32 s31, s2;
	s10 =	sadd.s32 s30, s12  }
0xd: {  	s12 =	simm.s32 $0xC00;
	s28 =	sshrl.u32 s9, $0x3;
	s6 =	sadd.s32 s4, s11  }
0xe: {  	s9 =	sadd.s32 $0x1, s5;
	s10 =	sadd.s32 $0x3A000, s10;
	s29 =	sadd.s32 s4, s28  }
0xf: {  	v0 =	vimm.f32 $0.0e+00;
	s11 =	smax.u32 s13, $0x1;
	s13 =	simm.s32 $0xF000;
	s7 =	sadd.s32 $0x180, s29  }
.LBB2_1:
0x10: {  	[tilespmem:s3], [sflag:$0x3] =	stream.linear.gather [hbm4b:s6+s3], $0xC00, $0x38;
	[tilespmem:$0x13000] =	vst v63  }
0x11: {  	s22 =	simm.s32 $0x40;
	s23 =	simm.s32 $0x0  }
0x12: {  	[tilespmem:s12], [sflag:$0x4] =	stream.linear.gather [hbm4b:s7+s3], $0xC00, $0x38;
	[tilespmem:$0x13000] =	vst v63  }
.LBB2_2:
0x13: {  	p0 =	sne.s32 s22, $0x7FC0;
	[tilespmem:s23+$0xF000] =	vst v0;
	s23 =	smov.u32 s22;
	s22 =	sadd.s32 $0x40, s22  }
.Ltmp0:
0x14: {  	(pc) =	sbr.rel @p0 .LBB2_2-.Ltmp0, $2  }
0x15: {  	_ =	sdelay $0x2  }
0x16: {  	s23 =	sshra.s32 s23, $0x2  }
0x17: {  	[tilespmem:s23+$0xF000] =	vst v0  }
0x18: {  	[spmem:s8] =	stream.linear.scatter [tilespmem:s13], [sflag:$0x5], $0x2000, $0x38;
	[tilespmem:$0x13000] =	vst v63  }
0x19: {  	_ =	swait.ge [sflag:s14], $0x2000  }
0x1a: {  	[sflag:s14] =	ssyncset.done $0x0  }
0x1b: {  	s22 =	simm.s32 $0x0;
	[sflag:s14] =	ssyncadd.s32 $0xFFFFE000  }
0x1c: {  	s24 =	simm.s32 $0x1;
	p0 =	por $0x0, $0x0;
	[bflag:$0x0] =	sbarrier.arrive $0xFFFF  }
.LBB2_4:
.Ltmp1:
0x1d: {  	(pc) =	sbr.rel @!p0 .LBB2_8-.Ltmp1, $4  }
0x1e: {  	_ = 	snop  }
0x1f: {  	_ =	swait.ge [sflag:s15], $0xC00  }
0x20: {  	[sflag:s15] =	ssyncset.done $0x0  }
0x21: {  	[sflag:s15] =	ssyncadd.s32 $0xFFFFF400  }
0x22: {  	p1 =	sne.s32 s24, $0x1  }
.Ltmp2:
0x23: {  	_ = 	snop;
	(pc) =	sbr.rel @!p1 .LBB2_7-.Ltmp2, $3  }
0x24: {  	_ =	sdelay $0x1  }
0x25: {  	_ =	swait.ge [sflag:s16], $0x80  }
0x26: {  	s23 =	sadd.s32 $0xFFFFFFFF, s24;
	[sflag:s16] =	ssyncset.done $0x0  }
.LBB2_6:
0x27: {  	p1 =	sne.s32 s23, $0x1;
	s23 =	sadd.s32 $0xFFFFFFFF, s23;
	[sflag:s16] =	ssyncadd.s32 $0xFFFFFF80  }
.Ltmp3:
0x28: {  	(pc) =	sbr.rel @p1 .LBB2_6-.Ltmp3, $3  }
0x29: {  	_ =	sdelay $0x1  }
0x2a: {  	_ =	swait.ge [sflag:s16], $0x80  }
0x2b: {  	[sflag:s16] =	ssyncset.done $0x0  }
.LBB2_7:
0x2c: {  	[sflag:s16] =	ssyncadd.s32 $0xFFFFFF80  }
.LBB2_8:
0x2d: {  	s25 =	simm.s32 $0xFFFFFE00  }
0x2e: {  	v1 =	vld [tilespmem:s25+$0x800]  }
0x2f: {  	v2 =	vld [tilespmem:s25+$0xC00]  }
0x30: {  	v3 =	vld [tilespmem:s25+$0xA00];
	_ =	sdelay $0x2  }
0x31: {  	v5 =	vld [tilespmem:s25+$0x200];
	v4 =	vmax.f32 v1, $2.262741660e+01  }
0x32: {  	v8 =	vld [tilespmem:s25+$0x600];
	v6 =	vmax.f32 v2, $1.131370830e+01;
	v7 =	vsub.f32 v1, v4  }
0x33: {  	v10 =	vld [tilespmem:s25+$0x400];
	v9 =	vmax.f32 v3, $2.262741660e+01;
	v11 =	vsub.f32 v2, v6  }
0x34: {  	v12 =	vsub.f32 v3, v9;
	v7 =	vmul.f32 $5.000000000e-01, v7  }
0x35: {  	v11 =	vmul.f32 $5.000000000e-01, v11  }
0x36: {  	v5 =	vadd.f32 v7, v5;
	v7 =	vmul.f32 $5.000000000e-01, v12  }
0x37: {  	v8 =	vadd.f32 v11, v8;
	v11 =	vmul.f32 v9, v4  }
0x38: {  	v7 =	vadd.f32 v7, v10;
	v10 =	vmul.f32 $6.250000000e-02, v5  }
0x39: {  	v11 =	vmul.f32 v6, v11  }
0x3a: {  	v12 =	vmul.f32 $1.250000000e-01, v8;
	v10 =	vtrunc.f32 v10  }
0x3b: {  	v13 =	vmul.f32 $6.250000000e-02, v7;
	(erf) = vrcp.f32 v11  }
0x3c: {  	v12 =	vtrunc.f32 v12;
	v10 =	vcvt.f32.s32 v10  }
0x3d: {  	v12 =	vcvt.f32.s32 v12;
	v11 =	vtrunc.f32 v13  }
0x3e: {  	v11 =	vcvt.f32.s32 v11;
	v13 =	vcvt.s32.f32 v10  }
0x3f: {  	v1 =	vmul.f32 v3, v1;
	v15 =	vcvt.s32.f32 v12  }
0x40: {  	v13 =	vmul.f32 $1.600000000e+01, v13;
	v14 =	vcvt.s32.f32 v11  }
0x41: {  	v10 =	vshll.u32 v10, $0xA;
	v11 =	vshll.u32 v11, $0x3;
	v3 =	vmul.f32 $8.000000000e+00, v15  }
0x42: {  	v10 =	vadd.s32 v10, v11;
	v5 =	vsub.f32 v5, v13;
	v11 =	vmul.f32 $1.600000000e+01, v14  }
0x43: {  	v1 =	vmul.f32 v2, v1;
	v2 =	vsub.f32 v8, v3  }
0x44: {  	v7 =	vsub.f32 v7, v11;
	v4 =	vadd.f32 v5, v4  }
0x45: {  	v23 =	vadd.s32 v12, v10;
	v3 =	vsub.f32 $1.600000000e+01, v5;
	v6 =	vadd.f32 v2, v6  }
0x46: {  	v10 =	vadd.s32 $0x1, v23;
	v2 =	vsub.f32 $8.000000000e+00, v2;
	v8 =	vadd.f32 $-3.200000000e+01, v4  }
0x47: {  	v12 =	vadd.s32 $0x8, v23;
	v9 =	vadd.f32 v7, v9;
	v4 =	vadd.f32 $-1.600000000e+01, v4  }
0x48: {  	v11 =	vadd.s32 $0x2, v23;
	v5 =	vpop (erf);
	v13 =	vadd.f32 $-1.600000000e+01, v6;
	v6 =	vadd.f32 $-8.000000000e+00, v6  }
0x49: {  	v1 =	vmul.f32 v5, v1;
	v5 =	vsub.f32 $1.600000000e+01, v7;
	v7 =	vmax.f32 v8, $0.0e+00  }
0x4a: {  	v8 =	vadd.f32 $-3.200000000e+01, v9;
	v4 =	vmax.f32 v4, $0.0e+00;
	v9 =	vadd.f32 $-1.600000000e+01, v9  }
0x4b: {  	v13 =	vmax.f32 v13, $0.0e+00;
	v7 =	vmin.f32 v7, $1.600000000e+01;
	v4 =	vmin.f32 v4, $1.600000000e+01  }
0x4c: {  	v8 =	vmax.f32 v8, $0.0e+00;
	v7 =	vmul.f32 v7, v1;
	v4 =	vmul.f32 v4, v1  }
0x4d: {  	v9 =	vmax.f32 v9, $0.0e+00;
	v1 =	vmul.f32 v3, v1;
	v8 =	vmin.f32 v8, $1.600000000e+01  }
0x4e: {  	v3 =	vmin.f32 v9, $1.600000000e+01;
	v18 =	vmul.f32 v8, v7;
	v9 =	vmul.f32 v4, v5  }
0x4f: {  	[tilespmem:s25+$0x1A00] =	vst v23;
	v25 =	vmin.f32 v13, $8.000000000e+00;
	v13 =	vmul.f32 v3, v4;
	v4 =	vmul.f32 v8, v4  }
0x50: {  	[tilespmem:s25+$0x1C00] =	vst v10;
	v6 =	vmax.f32 v6, $0.0e+00;
	v16 =	vmul.f32 v7, v5;
	v7 =	vmul.f32 v3, v7  }
0x51: {  	[tilespmem:s25+$0x2000] =	vst v12;
	v6 =	vmin.f32 v6, $8.000000000e+00;
	v3 =	vmul.f32 v3, v1;
	v8 =	vmul.f32 v8, v1  }
0x52: {  	[tilespmem:s25+$0x1E00] =	vst v11;
	v1 =	vmul.f32 v5, v1;
	v5 =	vadd.s32 $0x9, v23;
	v10 =	vmul.f32 v25, v18  }
0x53: {  	[tilespmem:s25+$0x2200] =	vst v5;
	v5 =	vmul.f32 v6, v9;
	v17 =	vmul.f32 v6, v13  }
0x54: {  	v19 =	vmul.f32 v4, v2;
	v22 =	vmul.f32 v6, v16;
	[tilespmem:s25+$0x8400] =	vst v10  }
0x55: {  	v35 =	vmul.f32 v25, v16;
	v36 =	vmul.f32 v7, v2;
	[tilespmem:s25+$0x6400] =	vst v5  }
0x56: {  	v14 =	vadd.s32 $0x12, v23;
	v37 =	vmul.f32 v6, v7;
	v38 =	vmul.f32 v25, v7;
	[tilespmem:s25+$0x6A00] =	vst v17  }
0x57: {  	v15 =	vadd.s32 $0x400, v23;
	v34 =	vmul.f32 v18, v2;
	v32 =	vmul.f32 v6, v18;
	[tilespmem:s25+$0x6E00] =	vst v19  }
0x58: {  	v20 =	vadd.s32 $0x40A, v23;
	v31 =	vmul.f32 v3, v2;
	v29 =	vmul.f32 v6, v3;
	[tilespmem:s25+$0x7600] =	vst v22  }
0x59: {  	v21 =	vadd.s32 $0x410, v23;
	v33 =	vmul.f32 v25, v3;
	v30 =	vmul.f32 v8, v2;
	[tilespmem:s25+$0x7800] =	vst v35  }
0x5a: {  	v12 =	vadd.s32 $0x10, v23;
	v28 =	vmul.f32 v6, v8;
	v26 =	vmul.f32 v25, v8;
	[tilespmem:s25+$0x7A00] =	vst v36  }
0x5b: {  	v11 =	vadd.s32 $0xA, v23;
	v27 =	vmul.f32 v2, v1;
	v10 =	vmul.f32 v9, v2;
	[tilespmem:s25+$0x7C00] =	vst v37  }
0x5c: {  	v18 =	vadd.s32 $0x408, v23;
	v24 =	vmul.f32 v6, v1;
	v9 =	vmul.f32 v25, v9;
	[tilespmem:s25+$0x7E00] =	vst v38  }
0x5d: {  	v8 =	vadd.s32 $0x801, v23;
	v7 =	vadd.s32 $0x802, v23;
	v5 =	vmul.f32 v25, v13;
	[tilespmem:s25+$0x6200] =	vst v10  }
0x5e: {  	v3 =	vadd.s32 $0x811, v23;
	v17 =	vadd.s32 $0x402, v23;
	v10 =	vmul.f32 v13, v2;
	[tilespmem:s25+$0x6600] =	vst v9  }
0x5f: {  	v19 =	vadd.s32 $0x409, v23;
	v22 =	vadd.s32 $0x411, v23;
	v9 =	vmul.f32 v6, v4;
	[tilespmem:s25+$0x6C00] =	vst v5  }
0x60: {  	v13 =	vadd.s32 $0x11, v23;
	v4 =	vmul.f32 v25, v4;
	v25 =	vmul.f32 v25, v1;
	[tilespmem:s25+$0x6800] =	vst v10  }
0x61: {  	v6 =	vadd.s32 $0x808, v23;
	v5 =	vadd.s32 $0x809, v23;
	v10 =	vmul.f32 v16, v2;
	[tilespmem:s25+$0x7000] =	vst v9  }
0x62: {  	v1 =	vadd.s32 $0x812, v23;
	v16 =	vadd.s32 $0x401, v23;
	[tilespmem:s25+$0x7200] =	vst v4;
	v9 =	vadd.s32 $0x800, v23  }
0x63: {  	s23 =	sshll.u32 s22, $0x1;
	s26 =	simm.s32 $0xFFFFFE10;
	s28 =	simm.s32 $0xFFFFF880;
	v4 =	vadd.s32 $0x80A, v23;
	v2 =	vadd.s32 $0x810, v23;
	[tilespmem:s25+$0x7400] =	vst v10;
	v10 =	vadd.s32 $0x412, v23  }
.LBB2_9:
0x64: {  	p1 =	sne.s32 s28, $0xFFFFFFC0;
	v35 =	vld [tilespmem:s26+$0x800];
	[tilespmem:s25+$0x8000] =	vst v34  }
0x65: {  	v34 =	vld [tilespmem:s26+$0xC00];
	[tilespmem:s25+$0x8200] =	vst v32  }
0x66: {  	v32 =	vld [tilespmem:s26+$0xA00];
	[tilespmem:s25+$0x5600] =	vst v31  }
0x67: {  	[tilespmem:s25+$0x5800] =	vst v29  }
0x68: {  	[tilespmem:s25+$0x5A00] =	vst v33  }
0x69: {  	v29 =	vmax.f32 v35, $2.262741660e+01;
	v23 =	vld [tilespmem:s26+$0x200];
	[tilespmem:s25+$0x5C00] =	vst v30  }
0x6a: {  	v30 =	vmax.f32 v34, $1.131370830e+01;
	v31 =	vsub.f32 v35, v29;
	v33 =	vld [tilespmem:s26+$0x600];
	[tilespmem:s25+$0x5E00] =	vst v28  }
0x6b: {  	v28 =	vmax.f32 v32, $2.262741660e+01;
	v36 =	vld [tilespmem:s26+$0x400];
	v37 =	vsub.f32 v34, v30;
	[tilespmem:s25+$0x6000] =	vst v26  }
0x6c: {  	v26 =	vmul.f32 $5.000000000e-01, v31;
	v31 =	vsub.f32 v32, v28;
	[tilespmem:s25+$0x5000] =	vst v27  }
0x6d: {  	v27 =	vmul.f32 $5.000000000e-01, v37;
	[tilespmem:s25+$0x5200] =	vst v24  }
0x6e: {  	v23 =	vadd.f32 v26, v23;
	v24 =	vmul.f32 $5.000000000e-01, v31;
	[tilespmem:s25+$0x5400] =	vst v25  }
0x6f: {  	v26 =	vmul.f32 v28, v29;
	v25 =	vadd.f32 v27, v33;
	[tilespmem:s25+$0x2400] =	vst v11  }
0x70: {  	v11 =	vadd.f32 v24, v36;
	v24 =	vmul.f32 $6.250000000e-02, v23;
	[tilespmem:s25+$0x2600] =	vst v12  }
0x71: {  	v12 =	vmul.f32 v30, v26;
	v26 =	vmul.f32 $1.250000000e-01, v25;
	[tilespmem:s25+$0x2800] =	vst v13  }
0x72: {  	v13 =	vtrunc.f32 v24;
	v24 =	vmul.f32 $6.250000000e-02, v11;
	[tilespmem:s25+$0x2A00] =	vst v14  }
0x73: {  	v13 =	vcvt.f32.s32 v13;
	(erf) = vrcp.f32 v12;
	[tilespmem:s25+$0x2C00] =	vst v15  }
0x74: {  	v14 =	vtrunc.f32 v26;
	v12 =	vtrunc.f32 v24;
	[tilespmem:s25+$0x2E00] =	vst v16  }
0x75: {  	v12 =	vcvt.f32.s32 v12;
	v15 =	vcvt.s32.f32 v13;
	v13 =	vshll.u32 v13, $0xA;
	[tilespmem:s25+$0x3000] =	vst v17  }
0x76: {  	v14 =	vcvt.f32.s32 v14;
	[tilespmem:s25+$0x3200] =	vst v18  }
0x77: {  	v15 =	vmul.f32 $1.600000000e+01, v15;
	v16 =	vcvt.s32.f32 v12;
	v12 =	vshll.u32 v12, $0x3;
	[tilespmem:s25+$0x3400] =	vst v19  }
0x78: {  	v17 =	vcvt.s32.f32 v14;
	v12 =	vadd.s32 v13, v12;
	[tilespmem:s25+$0x3600] =	vst v20  }
0x79: {  	v13 =	vsub.f32 v23, v15;
	v15 =	vmul.f32 $1.600000000e+01, v16;
	v23 =	vadd.s32 v14, v12;
	[tilespmem:s25+$0x3800] =	vst v21  }
0x7a: {  	v12 =	vmul.f32 v32, v35;
	v14 =	vmul.f32 $8.000000000e+00, v17;
	v18 =	vadd.s32 $0x1, v23;
	[tilespmem:s25+$0x3A00] =	vst v22  }
0x7b: {  	v17 =	vadd.s32 $0x2, v23;
	v11 =	vsub.f32 v11, v15;
	v15 =	vadd.f32 v13, v29;
	[tilespmem:s26+$0x1C00] =	vst v18  }
0x7c: {  	v12 =	vmul.f32 v34, v12;
	v14 =	vsub.f32 v25, v14;
	v13 =	vsub.f32 $1.600000000e+01, v13;
	[tilespmem:s26+$0x1E00] =	vst v17;
	v16 =	vpop (erf)  }
0x7d: {  	v19 =	vadd.s32 $0x8, v23;
	v17 =	vadd.f32 $-3.200000000e+01, v15;
	v18 =	vadd.f32 v11, v28;
	[tilespmem:s25+$0x3C00] =	vst v10  }
0x7e: {  	v10 =	vmul.f32 v16, v12;
	v12 =	vadd.f32 $-1.600000000e+01, v15;
	v11 =	vsub.f32 $1.600000000e+01, v11;
	[tilespmem:s26+$0x2000] =	vst v19  }
0x7f: {  	v15 =	vmax.f32 v17, $0.0e+00;
	v16 =	vadd.f32 $-3.200000000e+01, v18;
	v17 =	vadd.f32 v14, v30;
	[tilespmem:s25+$0x3E00] =	vst v9  }
0x80: {  	v9 =	vmax.f32 v12, $0.0e+00;
	v12 =	vmin.f32 v15, $1.600000000e+01;
	v15 =	vadd.f32 $-1.600000000e+01, v18;
	[tilespmem:s25+$0x4000] =	vst v8  }
0x81: {  	v8 =	vmax.f32 v16, $0.0e+00;
	v16 =	vadd.f32 $-1.600000000e+01, v17;
	v12 =	vmul.f32 v12, v10;
	[tilespmem:s25+$0x4200] =	vst v7  }
0x82: {  	v7 =	vmin.f32 v9, $1.600000000e+01;
	v9 =	vmax.f32 v15, $0.0e+00;
	v8 =	vmin.f32 v8, $1.600000000e+01;
	[tilespmem:s25+$0x4400] =	vst v6  }
0x83: {  	v7 =	vmul.f32 v7, v10;
	v6 =	vmax.f32 v16, $0.0e+00;
	v19 =	vmul.f32 v8, v12;
	[tilespmem:s25+$0x4600] =	vst v5  }
0x84: {  	v10 =	vmul.f32 v13, v10;
	v5 =	vadd.f32 $-8.000000000e+00, v17;
	v6 =	vmin.f32 v6, $8.000000000e+00;
	[tilespmem:s25+$0x4800] =	vst v4  }
0x85: {  	v4 =	vmin.f32 v9, $1.600000000e+01;
	v9 =	vmul.f32 v7, v11;
	v13 =	vmul.f32 v6, v19;
	[tilespmem:s25+$0x4A00] =	vst v2  }
0x86: {  	v2 =	vmax.f32 v5, $0.0e+00;
	v5 =	vmul.f32 v4, v7;
	v7 =	vmul.f32 v8, v7;
	[tilespmem:s25+$0x4C00] =	vst v3  }
0x87: {  	v17 =	vmul.f32 v12, v11;
	v18 =	vmul.f32 v4, v12;
	v3 =	vsub.f32 $8.000000000e+00, v14;
	[tilespmem:s26+$0x8400] =	vst v13  }
0x88: {  	v4 =	vmul.f32 v4, v10;
	v8 =	vmul.f32 v8, v10;
	v2 =	vmin.f32 v2, $8.000000000e+00;
	[tilespmem:s25+$0x4E00] =	vst v1;
	s25 =	smov.u32 s26  }
0x89: {  	v1 =	vmul.f32 v11, v10;
	v10 =	vadd.s32 $0x9, v23;
	v13 =	vmul.f32 v9, v3;
	[tilespmem:s25+$0x1A00] =	vst v23  }
0x8a: {  	v11 =	vadd.s32 $0xA, v23;
	[tilespmem:s25+$0x2200] =	vst v10;
	v10 =	vmul.f32 v2, v9;
	v9 =	vmul.f32 v6, v9  }
0x8b: {  	v12 =	vadd.s32 $0x10, v23;
	v20 =	vmul.f32 v2, v5;
	v16 =	vmul.f32 v5, v3;
	[tilespmem:s25+$0x6200] =	vst v13  }
0x8c: {  	v5 =	vmul.f32 v6, v5;
	v13 =	vadd.s32 $0x11, v23;
	[tilespmem:s25+$0x6400] =	vst v10;
	v10 =	vmul.f32 v7, v3  }
0x8d: {  	v14 =	vadd.s32 $0x12, v23;
	[tilespmem:s25+$0x6600] =	vst v9;
	v9 =	vmul.f32 v2, v7;
	v7 =	vmul.f32 v6, v7  }
0x8e: {  	v15 =	vadd.s32 $0x400, v23;
	v25 =	vmul.f32 v2, v17;
	v22 =	vmul.f32 v17, v3;
	[tilespmem:s25+$0x6800] =	vst v16  }
0x8f: {  	v35 =	vmul.f32 v6, v17;
	v36 =	vmul.f32 v18, v3;
	v16 =	vadd.s32 $0x401, v23;
	[tilespmem:s25+$0x6A00] =	vst v20  }
0x90: {  	v37 =	vmul.f32 v2, v18;
	v38 =	vmul.f32 v6, v18;
	v17 =	vadd.s32 $0x402, v23;
	[tilespmem:s25+$0x6C00] =	vst v5  }
0x91: {  	v32 =	vmul.f32 v2, v19;
	v18 =	vadd.s32 $0x408, v23;
	v34 =	vmul.f32 v19, v3;
	[tilespmem:s25+$0x6E00] =	vst v10  }
0x92: {  	v29 =	vmul.f32 v2, v4;
	v31 =	vmul.f32 v4, v3;
	v19 =	vadd.s32 $0x409, v23;
	[tilespmem:s25+$0x7000] =	vst v9  }
0x93: {  	v33 =	vmul.f32 v6, v4;
	v30 =	vmul.f32 v8, v3;
	v20 =	vadd.s32 $0x40A, v23;
	[tilespmem:s25+$0x7200] =	vst v7  }
0x94: {  	v21 =	vadd.s32 $0x410, v23;
	v28 =	vmul.f32 v2, v8;
	v26 =	vmul.f32 v6, v8;
	[tilespmem:s25+$0x7400] =	vst v22  }
.Ltmp4:
0x95: {  	v27 =	vmul.f32 v3, v1;
	v24 =	vmul.f32 v2, v1;
	v22 =	vadd.s32 $0x411, v23;
	[tilespmem:s25+$0x7600] =	vst v25;
	(pc) =	sbr.rel @p1 .LBB2_9-.Ltmp4, $4  }
0x96: {  	v10 =	vadd.s32 $0x412, v23;
	v9 =	vadd.s32 $0x800, v23;
	v25 =	vmul.f32 v6, v1;
	[tilespmem:s25+$0x7800] =	vst v35  }
0x97: {  	v8 =	vadd.s32 $0x801, v23;
	v7 =	vadd.s32 $0x802, v23;
	v6 =	vadd.s32 $0x808, v23;
	[tilespmem:s25+$0x7A00] =	vst v36  }
0x98: {  	v4 =	vadd.s32 $0x80A, v23;
	v2 =	vadd.s32 $0x810, v23;
	v5 =	vadd.s32 $0x809, v23;
	[tilespmem:s25+$0x7C00] =	vst v37  }
0x99: {  	s26 =	sshra.s32 s28, $0x2;
	s28 =	sadd.s32 $0x40, s28;
	v3 =	vadd.s32 $0x811, v23;
	v1 =	vadd.s32 $0x812, v23;
	[tilespmem:s25+$0x7E00] =	vst v38  }
0x9a: {  	v23 =	vld [tilespmem:s26+$0x800];
	[tilespmem:s25+$0x8000] =	vst v34  }
0x9b: {  	v34 =	vld [tilespmem:s26+$0xC00];
	[tilespmem:s25+$0x8200] =	vst v32  }
0x9c: {  	v32 =	vld [tilespmem:s26+$0xA00];
	[tilespmem:s25+$0x5600] =	vst v31  }
0x9d: {  	[tilespmem:s25+$0x5800] =	vst v29  }
0x9e: {  	[tilespmem:s25+$0x5A00] =	vst v33  }
0x9f: {  	v29 =	vld [tilespmem:s26+$0x200];
	[tilespmem:s25+$0x5C00] =	vst v30;
	v63 =	vmax.f32 v23, $2.262741660e+01  }
0xa0: {  	v30 =	vld [tilespmem:s26+$0x600];
	[tilespmem:s25+$0x5E00] =	vst v28;
	v40 =	vmax.f32 v34, $1.131370830e+01;
	v41 =	vsub.f32 v23, v63  }
0xa1: {  	v35 =	vld [tilespmem:s26+$0x400];
	[tilespmem:s25+$0x6000] =	vst v26;
	v36 =	vmax.f32 v32, $2.262741660e+01;
	v37 =	vsub.f32 v34, v40  }
0xa2: {  	[tilespmem:s25+$0x5000] =	vst v27;
	v42 =	vmul.f32 $5.000000000e-01, v41;
	v43 =	vsub.f32 v32, v36  }
0xa3: {  	[tilespmem:s25+$0x5200] =	vst v24;
	v44 =	vmul.f32 $5.000000000e-01, v37  }
0xa4: {  	[tilespmem:s25+$0x5400] =	vst v25;
	v45 =	vadd.f32 v42, v29;
	v46 =	vmul.f32 $5.000000000e-01, v43  }
0xa5: {  	[tilespmem:s25+$0x2400] =	vst v11;
	v48 =	vmul.f32 v36, v63;
	v47 =	vadd.f32 v44, v30  }
0xa6: {  	[tilespmem:s25+$0x2600] =	vst v12;
	v26 =	vadd.f32 v46, v35;
	v49 =	vmul.f32 $6.250000000e-02, v45  }
0xa7: {  	[tilespmem:s25+$0x2800] =	vst v13;
	v50 =	vmul.f32 v40, v48;
	v51 =	vmul.f32 $1.250000000e-01, v47  }
0xa8: {  	[tilespmem:s25+$0x2A00] =	vst v14;
	v11 =	vtrunc.f32 v49;
	v52 =	vmul.f32 $6.250000000e-02, v26  }
0xa9: {  	[tilespmem:s25+$0x2C00] =	vst v15;
	(erf) = vrcp.f32 v50;
	v11 =	vcvt.f32.s32 v11  }
0xaa: {  	[tilespmem:s25+$0x2E00] =	vst v16;
	v54 =	vtrunc.f32 v51;
	v53 =	vtrunc.f32 v52  }
0xab: {  	[tilespmem:s25+$0x3000] =	vst v17;
	v12 =	vcvt.f32.s32 v53;
	v55 =	vcvt.s32.f32 v11  }
0xac: {  	[tilespmem:s25+$0x3200] =	vst v18;
	v13 =	vcvt.f32.s32 v54;
	v11 =	vshll.u32 v11, $0xA  }
0xad: {  	[tilespmem:s25+$0x3400] =	vst v19;
	v14 =	vmul.f32 $1.600000000e+01, v55;
	v56 =	vcvt.s32.f32 v12;
	v12 =	vshll.u32 v12, $0x3  }
0xae: {  	[tilespmem:s25+$0x3600] =	vst v20;
	v57 =	vcvt.s32.f32 v13;
	v11 =	vadd.s32 v11, v12  }
0xaf: {  	[tilespmem:s25+$0x3800] =	vst v21;
	v58 =	vsub.f32 v45, v14;
	v59 =	vmul.f32 $1.600000000e+01, v56;
	v11 =	vadd.s32 v13, v11  }
0xb0: {  	[tilespmem:s25+$0x3A00] =	vst v22;
	v60 =	vmul.f32 v32, v23;
	v61 =	vmul.f32 $8.000000000e+00, v57;
	v62 =	vadd.s32 $0x1, v11  }
0xb1: {  	v23 =	vadd.s32 $0x2, v11;
	v14 =	vsub.f32 v26, v59;
	v63 =	vadd.f32 v58, v63;
	[tilespmem:s26+$0x1C00] =	vst v62  }
0xb2: {  	v13 =	vmul.f32 v34, v60;
	v15 =	vsub.f32 v47, v61;
	[tilespmem:s26+$0x1E00] =	vst v23  }
0xb3: {  	v24 =	vpop (erf);
	v27 =	vadd.s32 $0x8, v11;
	[tilespmem:s25+$0x3C00] =	vst v10;
	v25 =	vadd.f32 $-3.200000000e+01, v63;
	v26 =	vadd.f32 v14, v36  }
0xb4: {  	v29 =	vmul.f32 v24, v13;
	[tilespmem:s26+$0x2000] =	vst v27  }
0xb5: {  	v32 =	vadd.f32 v15, v40;
	[tilespmem:s25+$0x3E00] =	vst v9;
	v30 =	vmax.f32 v25, $0.0e+00;
	v31 =	vadd.f32 $-3.200000000e+01, v26  }
0xb6: {  	v33 =	vadd.f32 $-1.600000000e+01, v63;
	[tilespmem:s25+$0x4000] =	vst v8;
	v13 =	vmin.f32 v30, $1.600000000e+01  }
0xb7: {  	v35 =	vadd.f32 $-1.600000000e+01, v32;
	[tilespmem:s25+$0x4200] =	vst v7;
	v34 =	vmax.f32 v31, $0.0e+00;
	v13 =	vmul.f32 v13, v29  }
0xb8: {  	[tilespmem:s25+$0x4400] =	vst v6;
	v36 =	vmin.f32 v34, $1.600000000e+01  }
0xb9: {  	[tilespmem:s25+$0x4600] =	vst v5;
	v37 =	vmax.f32 v33, $0.0e+00;
	v38 =	vmax.f32 v35, $0.0e+00;
	v39 =	vmul.f32 v36, v13  }
0xba: {  	[tilespmem:s25+$0x4800] =	vst v4;
	v41 =	vadd.f32 $-1.600000000e+01, v26;
	v6 =	vmin.f32 v37, $1.600000000e+01;
	v8 =	vmin.f32 v38, $8.000000000e+00  }
0xbb: {  	v40 =	vsub.f32 $1.600000000e+01, v14;
	[tilespmem:s25+$0x4A00] =	vst v2;
	v6 =	vmul.f32 v6, v29;
	v42 =	vmul.f32 v8, v39  }
0xbc: {  	v2 =	vadd.f32 $-8.000000000e+00, v32;
	[tilespmem:s25+$0x4C00] =	vst v3;
	v3 =	vmax.f32 v41, $0.0e+00  }
0xbd: {  	v15 =	vsub.f32 $8.000000000e+00, v15;
	v3 =	vmin.f32 v3, $1.600000000e+01;
	v43 =	vmul.f32 v6, v40;
	[tilespmem:s26+$0x8400] =	vst v42  }
0xbe: {  	v2 =	vmax.f32 v2, $0.0e+00;
	v45 =	vmul.f32 v3, v6;
	[tilespmem:s25+$0x4E00] =	vst v1  }
0xbf: {  	v44 =	vmul.f32 v43, v15;
	v1 =	vmin.f32 v2, $8.000000000e+00;
	v2 =	vadd.s32 $0x9, v11;
	[tilespmem:s26+$0x1A00] =	vst v11  }
0xc0: {  	v4 =	vmul.f32 v8, v43;
	[tilespmem:s26+$0x2200] =	vst v2  }
0xc1: {  	v46 =	vmul.f32 v45, v15;
	[tilespmem:s26+$0x6200] =	vst v44  }
0xc2: {  	v50 =	vmul.f32 v13, v40;
	v48 =	vmul.f32 v8, v45;
	[tilespmem:s26+$0x6600] =	vst v4  }
0xc3: {  	v13 =	vmul.f32 v3, v13;
	v2 =	vmul.f32 v1, v43;
	[tilespmem:s26+$0x6800] =	vst v46  }
0xc4: {  	v52 =	vmul.f32 v50, v15;
	[tilespmem:s26+$0x6C00] =	vst v48  }
0xc5: {  	v54 =	vmul.f32 v13, v15;
	[tilespmem:s26+$0x6400] =	vst v2;
	v2 =	vmul.f32 v36, v6  }
0xc6: {  	v56 =	vmul.f32 v8, v13;
	[tilespmem:s26+$0x7400] =	vst v52  }
0xc7: {  	v57 =	vmul.f32 v39, v15;
	[tilespmem:s26+$0x7A00] =	vst v54;
	v49 =	vmul.f32 v2, v15  }
0xc8: {  	[tilespmem:s26+$0x7E00] =	vst v56;
	v51 =	vmul.f32 v1, v2;
	v2 =	vmul.f32 v8, v2  }
0xc9: {  	v47 =	vmul.f32 v1, v45;
	[tilespmem:s26+$0x8000] =	vst v57  }
0xca: {  	v53 =	vmul.f32 v1, v50;
	[tilespmem:s26+$0x7200] =	vst v2;
	v2 =	vsub.f32 $1.600000000e+01, v58  }
0xcb: {  	v55 =	vmul.f32 v1, v13;
	[tilespmem:s26+$0x6A00] =	vst v47  }
0xcc: {  	v9 =	vmul.f32 v1, v39;
	[tilespmem:s26+$0x7600] =	vst v53;
	v2 =	vmul.f32 v2, v29  }
0xcd: {  	v6 =	vmul.f32 v8, v50;
	[tilespmem:s26+$0x7C00] =	vst v55  }
0xce: {  	[tilespmem:s26+$0x8200] =	vst v9;
	v3 =	vmul.f32 v3, v2  }
0xcf: {  	[tilespmem:s26+$0x7800] =	vst v6  }
0xd0: {  	[tilespmem:s26+$0x6E00] =	vst v49;
	v58 =	vmul.f32 v3, v15  }
0xd1: {  	[tilespmem:s26+$0x7000] =	vst v51;
	v59 =	vmul.f32 v36, v2;
	v60 =	vmul.f32 v1, v3  }
0xd2: {  	v3 =	vmul.f32 v8, v3;
	[tilespmem:s26+$0x5600] =	vst v58  }
0xd3: {  	v2 =	vmul.f32 v40, v2;
	v61 =	vmul.f32 v59, v15;
	[tilespmem:s26+$0x5800] =	vst v60  }
0xd4: {  	v62 =	vmul.f32 v1, v59;
	[tilespmem:s26+$0x5A00] =	vst v3  }
0xd5: {  	v63 =	vmul.f32 v15, v2;
	[tilespmem:s26+$0x5C00] =	vst v61  }
0xd6: {  	v1 =	vmul.f32 v1, v2;
	[tilespmem:s26+$0x5E00] =	vst v62  }
0xd7: {  	v2 =	vmul.f32 v8, v2;
	[tilespmem:s26+$0x5000] =	vst v63  }
0xd8: {  	[tilespmem:s26+$0x5200] =	vst v1  }
0xd9: {  	v1 =	vadd.s32 $0xA, v11;
	[tilespmem:s26+$0x5400] =	vst v2  }
0xda: {  	v3 =	vmul.f32 v8, v59;
	v2 =	vadd.s32 $0x10, v11;
	[tilespmem:s26+$0x2400] =	vst v1  }
0xdb: {  	[tilespmem:s26+$0x2600] =	vst v2  }
0xdc: {  	v1 =	vadd.s32 $0x11, v11;
	[tilespmem:s26+$0x6000] =	vst v3  }
0xdd: {  	v2 =	vadd.s32 $0x12, v11;
	[tilespmem:s26+$0x2800] =	vst v1  }
0xde: {  	v1 =	vadd.s32 $0x400, v11;
	[tilespmem:s26+$0x2A00] =	vst v2  }
0xdf: {  	v2 =	vadd.s32 $0x401, v11;
	[tilespmem:s26+$0x2C00] =	vst v1  }
0xe0: {  	v1 =	vadd.s32 $0x402, v11;
	[tilespmem:s26+$0x2E00] =	vst v2  }
0xe1: {  	v2 =	vadd.s32 $0x408, v11;
	[tilespmem:s26+$0x3000] =	vst v1  }
0xe2: {  	v1 =	vadd.s32 $0x409, v11;
	[tilespmem:s26+$0x3200] =	vst v2  }
0xe3: {  	v2 =	vadd.s32 $0x40A, v11;
	[tilespmem:s26+$0x3400] =	vst v1  }
0xe4: {  	v1 =	vadd.s32 $0x410, v11;
	[tilespmem:s26+$0x3600] =	vst v2  }
0xe5: {  	v2 =	vadd.s32 $0x411, v11;
	[tilespmem:s26+$0x3800] =	vst v1  }
0xe6: {  	v1 =	vadd.s32 $0x412, v11;
	[tilespmem:s26+$0x3A00] =	vst v2  }
0xe7: {  	v2 =	vadd.s32 $0x800, v11;
	[tilespmem:s26+$0x3C00] =	vst v1  }
0xe8: {  	v1 =	vadd.s32 $0x801, v11;
	[tilespmem:s26+$0x3E00] =	vst v2  }
0xe9: {  	v2 =	vadd.s32 $0x802, v11;
	[tilespmem:s26+$0x4000] =	vst v1  }
0xea: {  	v1 =	vadd.s32 $0x808, v11;
	[tilespmem:s26+$0x4200] =	vst v2  }
0xeb: {  	s30 =	sadd.s32 s5, s23;
	v2 =	vadd.s32 $0x809, v11;
	[tilespmem:s26+$0x4400] =	vst v1  }
0xec: {  	s25 =	smul.u32 $0xC00, s30;
	v1 =	vadd.s32 $0x80A, v11;
	[tilespmem:s26+$0x4600] =	vst v2  }
0xed: {  	v2 =	vadd.s32 $0x810, v11;
	[tilespmem:s26+$0x4800] =	vst v1  }
0xee: {  	s25 =	sshrl.u32 s25, $0x3;
	v1 =	vadd.s32 $0x811, v11;
	[tilespmem:s26+$0x4A00] =	vst v2  }
0xef: {  	s25 =	sadd.s32 s4, s25;
	v2 =	vadd.s32 $0x812, v11;
	[tilespmem:s26+$0x4C00] =	vst v1  }
0xf0: {  	s31 =	simm.s32 $0x0;
	s25 =	sadd.s32 $0x300, s25;
	[tilespmem:s26+$0x4E00] =	vst v2  }
0xf1: {  	[tilespmem:s31], [sflag:$0x3] =	stream.linear.gather [hbm4b:s25+s31], $0xC00, $0x38;
	[tilespmem:$0x13000] =	vst v63  }
0xf2: {  	s28 =	simm.s32 $0x1800;
	s26 =	simm.s32 $0x4E00;
	s25 =	simm.s32 $0x200  }
.LBB2_11:
0xf3: {  	[spmem:s2] =	stream.indirect.scatter.add.f32 [tilespmem:s26], [sflag:$0x1], $0x1, s28, s17, $0xb8;
	[tilespmem:$0x13000] =	vst v63  }
0xf4: {  	s26 =	smov.u32 s25;
	p1 =	sne.s32 s25, $0xD600  }
.Ltmp5:
0xf5: {  	s25 =	sadd.s32 $0x200, s25;
	(pc) =	sbr.rel @p1 .LBB2_11-.Ltmp5, $3  }
0xf6: {  	_ =	sdelay $0x1  }
0xf7: {  	s28 =	sshra.s32 s26, $0x2  }
0xf8: {  	s26 =	sadd.s32 $0x4E00, s28;
	s28 =	sadd.s32 $0x1800, s28  }
.Ltmp6:
0xf9: {  	(pc) =	sbr.rel @!p0 .LBB2_16-.Ltmp6, $4  }
0xfa: {  	[spmem:s2] =	stream.indirect.scatter.add.f32 [tilespmem:s26], [sflag:$0x1], $0x1, s28, s17, $0xb8;
	[tilespmem:$0x13000] =	vst v63  }
0xfb: {  	_ =	swait.ge [sflag:s18], $0xC00  }
0xfc: {  	[sflag:s18] =	ssyncset.done $0x0  }
0xfd: {  	[sflag:s18] =	ssyncadd.s32 $0xFFFFF400  }
0xfe: {  	p0 =	sne.s32 s24, $0x1  }
.Ltmp7:
0xff: {  	_ = 	snop;
	(pc) =	sbr.rel @!p0 .LBB2_15-.Ltmp7, $3  }
0x100: {  	_ =	sdelay $0x1  }
0x101: {  	_ =	swait.ge [sflag:s19], $0x80  }
0x102: {  	s24 =	sadd.s32 $0xFFFFFFFF, s24;
	[sflag:s19] =	ssyncset.done $0x0  }
.LBB2_14:
0x103: {  	p0 =	sne.s32 s24, $0x1;
	s24 =	sadd.s32 $0xFFFFFFFF, s24;
	[sflag:s19] =	ssyncadd.s32 $0xFFFFFF80  }
.Ltmp8:
0x104: {  	(pc) =	sbr.rel @p0 .LBB2_14-.Ltmp8, $3  }
0x105: {  	_ =	sdelay $0x1  }
0x106: {  	_ =	swait.ge [sflag:s19], $0x80  }
0x107: {  	[sflag:s19] =	ssyncset.done $0x0  }
.LBB2_15:
0x108: {  	[sflag:s19] =	ssyncadd.s32 $0xFFFFFF80  }
.LBB2_16:
0x109: {  	s24 =	simm.s32 $0xFFFFFE00  }
0x10a: {  	v1 =	vld [tilespmem:s24+$0x1400]  }
0x10b: {  	v2 =	vld [tilespmem:s24+$0x1800]  }
0x10c: {  	v3 =	vld [tilespmem:s24+$0x1600];
	_ =	sdelay $0x2  }
0x10d: {  	v5 =	vld [tilespmem:s24+$0xE00];
	v4 =	vmax.f32 v1, $2.262741660e+01  }
0x10e: {  	v8 =	vld [tilespmem:s24+$0x1200];
	v6 =	vmax.f32 v2, $1.131370830e+01;
	v7 =	vsub.f32 v1, v4  }
0x10f: {  	v10 =	vld [tilespmem:s24+$0x1000];
	v9 =	vmax.f32 v3, $2.262741660e+01;
	v11 =	vsub.f32 v2, v6  }
0x110: {  	v12 =	vsub.f32 v3, v9;
	v7 =	vmul.f32 $5.000000000e-01, v7  }
0x111: {  	v11 =	vmul.f32 $5.000000000e-01, v11  }
0x112: {  	v5 =	vadd.f32 v7, v5;
	v7 =	vmul.f32 $5.000000000e-01, v12  }
0x113: {  	v8 =	vadd.f32 v11, v8;
	v11 =	vmul.f32 v9, v4  }
0x114: {  	v7 =	vadd.f32 v7, v10;
	v10 =	vmul.f32 $6.250000000e-02, v5  }
0x115: {  	v11 =	vmul.f32 v6, v11  }
0x116: {  	v12 =	vmul.f32 $1.250000000e-01, v8;
	v10 =	vtrunc.f32 v10  }
0x117: {  	v13 =	vmul.f32 $6.250000000e-02, v7;
	(erf) = vrcp.f32 v11  }
0x118: {  	v12 =	vtrunc.f32 v12;
	v10 =	vcvt.f32.s32 v10  }
0x119: {  	v12 =	vcvt.f32.s32 v12;
	v11 =	vtrunc.f32 v13  }
0x11a: {  	v11 =	vcvt.f32.s32 v11;
	v13 =	vcvt.s32.f32 v10  }
0x11b: {  	v1 =	vmul.f32 v3, v1;
	v15 =	vcvt.s32.f32 v12  }
0x11c: {  	v13 =	vmul.f32 $1.600000000e+01, v13;
	v14 =	vcvt.s32.f32 v11  }
0x11d: {  	v10 =	vshll.u32 v10, $0xA;
	v11 =	vshll.u32 v11, $0x3;
	v3 =	vmul.f32 $8.000000000e+00, v15  }
0x11e: {  	v10 =	vadd.s32 v10, v11;
	v5 =	vsub.f32 v5, v13;
	v11 =	vmul.f32 $1.600000000e+01, v14  }
0x11f: {  	v1 =	vmul.f32 v2, v1;
	v2 =	vsub.f32 v8, v3  }
0x120: {  	v7 =	vsub.f32 v7, v11;
	v4 =	vadd.f32 v5, v4  }
0x121: {  	v23 =	vadd.s32 v12, v10;
	v3 =	vsub.f32 $1.600000000e+01, v5;
	v6 =	vadd.f32 v2, v6  }
0x122: {  	v10 =	vadd.s32 $0x1, v23;
	v2 =	vsub.f32 $8.000000000e+00, v2;
	v8 =	vadd.f32 $-3.200000000e+01, v4  }
0x123: {  	v12 =	vadd.s32 $0x8, v23;
	v9 =	vadd.f32 v7, v9;
	v4 =	vadd.f32 $-1.600000000e+01, v4  }
0x124: {  	v11 =	vadd.s32 $0x2, v23;
	v5 =	vpop (erf);
	v13 =	vadd.f32 $-1.600000000e+01, v6;
	v6 =	vadd.f32 $-8.000000000e+00, v6  }
0x125: {  	v1 =	vmul.f32 v5, v1;
	v5 =	vsub.f32 $1.600000000e+01, v7;
	v7 =	vmax.f32 v8, $0.0e+00  }
0x126: {  	v8 =	vadd.f32 $-3.200000000e+01, v9;
	v4 =	vmax.f32 v4, $0.0e+00;
	v9 =	vadd.f32 $-1.600000000e+01, v9  }
0x127: {  	v13 =	vmax.f32 v13, $0.0e+00;
	v7 =	vmin.f32 v7, $1.600000000e+01;
	v4 =	vmin.f32 v4, $1.600000000e+01  }
0x128: {  	v8 =	vmax.f32 v8, $0.0e+00;
	v7 =	vmul.f32 v7, v1;
	v4 =	vmul.f32 v4, v1  }
0x129: {  	v9 =	vmax.f32 v9, $0.0e+00;
	v1 =	vmul.f32 v3, v1;
	v8 =	vmin.f32 v8, $1.600000000e+01  }
0x12a: {  	v3 =	vmin.f32 v9, $1.600000000e+01;
	v18 =	vmul.f32 v8, v7;
	v9 =	vmul.f32 v4, v5  }
0x12b: {  	[tilespmem:s24+$0x8600] =	vst v23;
	v25 =	vmin.f32 v13, $8.000000000e+00;
	v13 =	vmul.f32 v3, v4;
	v4 =	vmul.f32 v8, v4  }
0x12c: {  	[tilespmem:s24+$0x8800] =	vst v10;
	v6 =	vmax.f32 v6, $0.0e+00;
	v16 =	vmul.f32 v7, v5;
	v7 =	vmul.f32 v3, v7  }
0x12d: {  	[tilespmem:s24+$0x8C00] =	vst v12;
	v6 =	vmin.f32 v6, $8.000000000e+00;
	v3 =	vmul.f32 v3, v1;
	v8 =	vmul.f32 v8, v1  }
0x12e: {  	[tilespmem:s24+$0x8A00] =	vst v11;
	v1 =	vmul.f32 v5, v1;
	v5 =	vadd.s32 $0x9, v23;
	v10 =	vmul.f32 v25, v18  }
0x12f: {  	[tilespmem:s24+$0x8E00] =	vst v5;
	v5 =	vmul.f32 v6, v9;
	v17 =	vmul.f32 v6, v13  }
0x130: {  	v19 =	vmul.f32 v4, v2;
	v22 =	vmul.f32 v6, v16;
	[tilespmem:s24+$0xF000] =	vst v10  }
0x131: {  	v35 =	vmul.f32 v25, v16;
	v36 =	vmul.f32 v7, v2;
	[tilespmem:s24+$0xD000] =	vst v5  }
0x132: {  	v14 =	vadd.s32 $0x12, v23;
	v37 =	vmul.f32 v6, v7;
	v38 =	vmul.f32 v25, v7;
	[tilespmem:s24+$0xD600] =	vst v17  }
0x133: {  	v15 =	vadd.s32 $0x400, v23;
	v34 =	vmul.f32 v18, v2;
	v32 =	vmul.f32 v6, v18;
	[tilespmem:s24+$0xDA00] =	vst v19  }
0x134: {  	v20 =	vadd.s32 $0x40A, v23;
	v31 =	vmul.f32 v3, v2;
	v29 =	vmul.f32 v6, v3;
	[tilespmem:s24+$0xE200] =	vst v22  }
0x135: {  	v21 =	vadd.s32 $0x410, v23;
	v33 =	vmul.f32 v25, v3;
	v30 =	vmul.f32 v8, v2;
	[tilespmem:s24+$0xE400] =	vst v35  }
0x136: {  	v12 =	vadd.s32 $0x10, v23;
	v28 =	vmul.f32 v6, v8;
	v26 =	vmul.f32 v25, v8;
	[tilespmem:s24+$0xE600] =	vst v36  }
0x137: {  	v11 =	vadd.s32 $0xA, v23;
	v27 =	vmul.f32 v2, v1;
	v10 =	vmul.f32 v9, v2;
	[tilespmem:s24+$0xE800] =	vst v37  }
0x138: {  	v18 =	vadd.s32 $0x408, v23;
	v24 =	vmul.f32 v6, v1;
	v9 =	vmul.f32 v25, v9;
	[tilespmem:s24+$0xEA00] =	vst v38  }
0x139: {  	v8 =	vadd.s32 $0x801, v23;
	v7 =	vadd.s32 $0x802, v23;
	v5 =	vmul.f32 v25, v13;
	[tilespmem:s24+$0xCE00] =	vst v10  }
0x13a: {  	v3 =	vadd.s32 $0x811, v23;
	v17 =	vadd.s32 $0x402, v23;
	v10 =	vmul.f32 v13, v2;
	[tilespmem:s24+$0xD200] =	vst v9  }
0x13b: {  	v19 =	vadd.s32 $0x409, v23;
	v22 =	vadd.s32 $0x411, v23;
	v9 =	vmul.f32 v6, v4;
	[tilespmem:s24+$0xD800] =	vst v5  }
0x13c: {  	v13 =	vadd.s32 $0x11, v23;
	v4 =	vmul.f32 v25, v4;
	v25 =	vmul.f32 v25, v1;
	[tilespmem:s24+$0xD400] =	vst v10  }
0x13d: {  	v6 =	vadd.s32 $0x808, v23;
	v5 =	vadd.s32 $0x809, v23;
	v10 =	vmul.f32 v16, v2;
	[tilespmem:s24+$0xDC00] =	vst v9  }
0x13e: {  	v1 =	vadd.s32 $0x812, v23;
	v16 =	vadd.s32 $0x401, v23;
	[tilespmem:s24+$0xDE00] =	vst v4;
	v9 =	vadd.s32 $0x800, v23  }
0x13f: {  	s25 =	simm.s32 $0xFFFFFE10;
	s26 =	simm.s32 $0xFFFFF880;
	v4 =	vadd.s32 $0x80A, v23;
	v2 =	vadd.s32 $0x810, v23;
	[tilespmem:s24+$0xE000] =	vst v10;
	v10 =	vadd.s32 $0x412, v23  }
.LBB2_17:
0x140: {  	p0 =	sne.s32 s26, $0xFFFFFFC0;
	v35 =	vld [tilespmem:s25+$0x1400];
	[tilespmem:s24+$0xEC00] =	vst v34  }
0x141: {  	v34 =	vld [tilespmem:s25+$0x1800];
	[tilespmem:s24+$0xEE00] =	vst v32  }
0x142: {  	v32 =	vld [tilespmem:s25+$0x1600];
	[tilespmem:s24+$0xC200] =	vst v31  }
0x143: {  	[tilespmem:s24+$0xC400] =	vst v29  }
0x144: {  	[tilespmem:s24+$0xC600] =	vst v33  }
0x145: {  	v29 =	vmax.f32 v35, $2.262741660e+01;
	v23 =	vld [tilespmem:s25+$0xE00];
	[tilespmem:s24+$0xC800] =	vst v30  }
0x146: {  	v30 =	vmax.f32 v34, $1.131370830e+01;
	v31 =	vsub.f32 v35, v29;
	v33 =	vld [tilespmem:s25+$0x1200];
	[tilespmem:s24+$0xCA00] =	vst v28  }
0x147: {  	v28 =	vmax.f32 v32, $2.262741660e+01;
	v36 =	vld [tilespmem:s25+$0x1000];
	v37 =	vsub.f32 v34, v30;
	[tilespmem:s24+$0xCC00] =	vst v26  }
0x148: {  	v26 =	vmul.f32 $5.000000000e-01, v31;
	v31 =	vsub.f32 v32, v28;
	[tilespmem:s24+$0xBC00] =	vst v27  }
0x149: {  	v27 =	vmul.f32 $5.000000000e-01, v37;
	[tilespmem:s24+$0xBE00] =	vst v24  }
0x14a: {  	v23 =	vadd.f32 v26, v23;
	v24 =	vmul.f32 $5.000000000e-01, v31;
	[tilespmem:s24+$0xC000] =	vst v25  }
0x14b: {  	v26 =	vmul.f32 v28, v29;
	v25 =	vadd.f32 v27, v33;
	[tilespmem:s24+$0x9000] =	vst v11  }
0x14c: {  	v11 =	vadd.f32 v24, v36;
	v24 =	vmul.f32 $6.250000000e-02, v23;
	[tilespmem:s24+$0x9200] =	vst v12  }
0x14d: {  	v12 =	vmul.f32 v30, v26;
	v26 =	vmul.f32 $1.250000000e-01, v25;
	[tilespmem:s24+$0x9400] =	vst v13  }
0x14e: {  	v13 =	vtrunc.f32 v24;
	v24 =	vmul.f32 $6.250000000e-02, v11;
	[tilespmem:s24+$0x9600] =	vst v14  }
0x14f: {  	v13 =	vcvt.f32.s32 v13;
	(erf) = vrcp.f32 v12;
	[tilespmem:s24+$0x9800] =	vst v15  }
0x150: {  	v14 =	vtrunc.f32 v26;
	v12 =	vtrunc.f32 v24;
	[tilespmem:s24+$0x9A00] =	vst v16  }
0x151: {  	v12 =	vcvt.f32.s32 v12;
	v15 =	vcvt.s32.f32 v13;
	v13 =	vshll.u32 v13, $0xA;
	[tilespmem:s24+$0x9C00] =	vst v17  }
0x152: {  	v14 =	vcvt.f32.s32 v14;
	[tilespmem:s24+$0x9E00] =	vst v18  }
0x153: {  	v15 =	vmul.f32 $1.600000000e+01, v15;
	v16 =	vcvt.s32.f32 v12;
	v12 =	vshll.u32 v12, $0x3;
	[tilespmem:s24+$0xA000] =	vst v19  }
0x154: {  	v17 =	vcvt.s32.f32 v14;
	v12 =	vadd.s32 v13, v12;
	[tilespmem:s24+$0xA200] =	vst v20  }
0x155: {  	v13 =	vsub.f32 v23, v15;
	v15 =	vmul.f32 $1.600000000e+01, v16;
	v23 =	vadd.s32 v14, v12;
	[tilespmem:s24+$0xA400] =	vst v21  }
0x156: {  	v12 =	vmul.f32 v32, v35;
	v14 =	vmul.f32 $8.000000000e+00, v17;
	v18 =	vadd.s32 $0x1, v23;
	[tilespmem:s24+$0xA600] =	vst v22  }
0x157: {  	v17 =	vadd.s32 $0x2, v23;
	v11 =	vsub.f32 v11, v15;
	v15 =	vadd.f32 v13, v29;
	[tilespmem:s25+$0x8800] =	vst v18  }
0x158: {  	v12 =	vmul.f32 v34, v12;
	v14 =	vsub.f32 v25, v14;
	v13 =	vsub.f32 $1.600000000e+01, v13;
	[tilespmem:s25+$0x8A00] =	vst v17;
	v16 =	vpop (erf)  }
0x159: {  	v19 =	vadd.s32 $0x8, v23;
	v17 =	vadd.f32 $-3.200000000e+01, v15;
	v18 =	vadd.f32 v11, v28;
	[tilespmem:s24+$0xA800] =	vst v10  }
0x15a: {  	v10 =	vmul.f32 v16, v12;
	v12 =	vadd.f32 $-1.600000000e+01, v15;
	v11 =	vsub.f32 $1.600000000e+01, v11;
	[tilespmem:s25+$0x8C00] =	vst v19  }
0x15b: {  	v15 =	vmax.f32 v17, $0.0e+00;
	v16 =	vadd.f32 $-3.200000000e+01, v18;
	v17 =	vadd.f32 v14, v30;
	[tilespmem:s24+$0xAA00] =	vst v9  }
0x15c: {  	v9 =	vmax.f32 v12, $0.0e+00;
	v12 =	vmin.f32 v15, $1.600000000e+01;
	v15 =	vadd.f32 $-1.600000000e+01, v18;
	[tilespmem:s24+$0xAC00] =	vst v8  }
0x15d: {  	v8 =	vmax.f32 v16, $0.0e+00;
	v16 =	vadd.f32 $-1.600000000e+01, v17;
	v12 =	vmul.f32 v12, v10;
	[tilespmem:s24+$0xAE00] =	vst v7  }
0x15e: {  	v7 =	vmin.f32 v9, $1.600000000e+01;
	v9 =	vmax.f32 v15, $0.0e+00;
	v8 =	vmin.f32 v8, $1.600000000e+01;
	[tilespmem:s24+$0xB000] =	vst v6  }
0x15f: {  	v7 =	vmul.f32 v7, v10;
	v6 =	vmax.f32 v16, $0.0e+00;
	v19 =	vmul.f32 v8, v12;
	[tilespmem:s24+$0xB200] =	vst v5  }
0x160: {  	v10 =	vmul.f32 v13, v10;
	v5 =	vadd.f32 $-8.000000000e+00, v17;
	v6 =	vmin.f32 v6, $8.000000000e+00;
	[tilespmem:s24+$0xB400] =	vst v4  }
0x161: {  	v4 =	vmin.f32 v9, $1.600000000e+01;
	v9 =	vmul.f32 v7, v11;
	v13 =	vmul.f32 v6, v19;
	[tilespmem:s24+$0xB600] =	vst v2  }
0x162: {  	v2 =	vmax.f32 v5, $0.0e+00;
	v5 =	vmul.f32 v4, v7;
	v7 =	vmul.f32 v8, v7;
	[tilespmem:s24+$0xB800] =	vst v3  }
0x163: {  	v17 =	vmul.f32 v12, v11;
	v18 =	vmul.f32 v4, v12;
	v3 =	vsub.f32 $8.000000000e+00, v14;
	[tilespmem:s25+$0xF000] =	vst v13  }
0x164: {  	v4 =	vmul.f32 v4, v10;
	v8 =	vmul.f32 v8, v10;
	v2 =	vmin.f32 v2, $8.000000000e+00;
	[tilespmem:s24+$0xBA00] =	vst v1;
	s24 =	smov.u32 s25  }
0x165: {  	v1 =	vmul.f32 v11, v10;
	v10 =	vadd.s32 $0x9, v23;
	v13 =	vmul.f32 v9, v3;
	[tilespmem:s24+$0x8600] =	vst v23  }
0x166: {  	v11 =	vadd.s32 $0xA, v23;
	[tilespmem:s24+$0x8E00] =	vst v10;
	v10 =	vmul.f32 v2, v9;
	v9 =	vmul.f32 v6, v9  }
0x167: {  	v12 =	vadd.s32 $0x10, v23;
	v20 =	vmul.f32 v2, v5;
	v16 =	vmul.f32 v5, v3;
	[tilespmem:s24+$0xCE00] =	vst v13  }
0x168: {  	v5 =	vmul.f32 v6, v5;
	v13 =	vadd.s32 $0x11, v23;
	[tilespmem:s24+$0xD000] =	vst v10;
	v10 =	vmul.f32 v7, v3  }
0x169: {  	v14 =	vadd.s32 $0x12, v23;
	[tilespmem:s24+$0xD200] =	vst v9;
	v9 =	vmul.f32 v2, v7;
	v7 =	vmul.f32 v6, v7  }
0x16a: {  	v15 =	vadd.s32 $0x400, v23;
	v25 =	vmul.f32 v2, v17;
	v22 =	vmul.f32 v17, v3;
	[tilespmem:s24+$0xD400] =	vst v16  }
0x16b: {  	v35 =	vmul.f32 v6, v17;
	v36 =	vmul.f32 v18, v3;
	v16 =	vadd.s32 $0x401, v23;
	[tilespmem:s24+$0xD600] =	vst v20  }
0x16c: {  	v37 =	vmul.f32 v2, v18;
	v38 =	vmul.f32 v6, v18;
	v17 =	vadd.s32 $0x402, v23;
	[tilespmem:s24+$0xD800] =	vst v5  }
0x16d: {  	v32 =	vmul.f32 v2, v19;
	v18 =	vadd.s32 $0x408, v23;
	v34 =	vmul.f32 v19, v3;
	[tilespmem:s24+$0xDA00] =	vst v10  }
0x16e: {  	v29 =	vmul.f32 v2, v4;
	v31 =	vmul.f32 v4, v3;
	v19 =	vadd.s32 $0x409, v23;
	[tilespmem:s24+$0xDC00] =	vst v9  }
0x16f: {  	v33 =	vmul.f32 v6, v4;
	v30 =	vmul.f32 v8, v3;
	v20 =	vadd.s32 $0x40A, v23;
	[tilespmem:s24+$0xDE00] =	vst v7  }
0x170: {  	v21 =	vadd.s32 $0x410, v23;
	v28 =	vmul.f32 v2, v8;
	v26 =	vmul.f32 v6, v8;
	[tilespmem:s24+$0xE000] =	vst v22  }
.Ltmp9:
0x171: {  	v27 =	vmul.f32 v3, v1;
	v24 =	vmul.f32 v2, v1;
	v22 =	vadd.s32 $0x411, v23;
	[tilespmem:s24+$0xE200] =	vst v25;
	(pc) =	sbr.rel @p0 .LBB2_17-.Ltmp9, $4  }
0x172: {  	v10 =	vadd.s32 $0x412, v23;
	v9 =	vadd.s32 $0x800, v23;
	v25 =	vmul.f32 v6, v1;
	[tilespmem:s24+$0xE400] =	vst v35  }
0x173: {  	v8 =	vadd.s32 $0x801, v23;
	v7 =	vadd.s32 $0x802, v23;
	v6 =	vadd.s32 $0x808, v23;
	[tilespmem:s24+$0xE600] =	vst v36  }
0x174: {  	v4 =	vadd.s32 $0x80A, v23;
	v2 =	vadd.s32 $0x810, v23;
	v5 =	vadd.s32 $0x809, v23;
	[tilespmem:s24+$0xE800] =	vst v37  }
0x175: {  	s25 =	sshra.s32 s26, $0x2;
	s26 =	sadd.s32 $0x40, s26;
	v3 =	vadd.s32 $0x811, v23;
	v1 =	vadd.s32 $0x812, v23;
	[tilespmem:s24+$0xEA00] =	vst v38  }
0x176: {  	v23 =	vld [tilespmem:s25+$0x1400];
	[tilespmem:s24+$0xEC00] =	vst v34  }
0x177: {  	v34 =	vld [tilespmem:s25+$0x1800];
	[tilespmem:s24+$0xEE00] =	vst v32  }
0x178: {  	v32 =	vld [tilespmem:s25+$0x1600];
	[tilespmem:s24+$0xC200] =	vst v31  }
0x179: {  	[tilespmem:s24+$0xC400] =	vst v29  }
0x17a: {  	[tilespmem:s24+$0xC600] =	vst v33  }
0x17b: {  	v29 =	vld [tilespmem:s25+$0xE00];
	[tilespmem:s24+$0xC800] =	vst v30;
	v63 =	vmax.f32 v23, $2.262741660e+01  }
0x17c: {  	v30 =	vld [tilespmem:s25+$0x1200];
	[tilespmem:s24+$0xCA00] =	vst v28;
	v40 =	vmax.f32 v34, $1.131370830e+01;
	v41 =	vsub.f32 v23, v63  }
0x17d: {  	v35 =	vld [tilespmem:s25+$0x1000];
	[tilespmem:s24+$0xCC00] =	vst v26;
	v36 =	vmax.f32 v32, $2.262741660e+01;
	v37 =	vsub.f32 v34, v40  }
0x17e: {  	[tilespmem:s24+$0xBC00] =	vst v27;
	v42 =	vmul.f32 $5.000000000e-01, v41;
	v43 =	vsub.f32 v32, v36  }
0x17f: {  	[tilespmem:s24+$0xBE00] =	vst v24;
	v44 =	vmul.f32 $5.000000000e-01, v37  }
0x180: {  	[tilespmem:s24+$0xC000] =	vst v25;
	v45 =	vadd.f32 v42, v29;
	v46 =	vmul.f32 $5.000000000e-01, v43  }
0x181: {  	[tilespmem:s24+$0x9000] =	vst v11;
	v48 =	vmul.f32 v36, v63;
	v47 =	vadd.f32 v44, v30  }
0x182: {  	[tilespmem:s24+$0x9200] =	vst v12;
	v26 =	vadd.f32 v46, v35;
	v49 =	vmul.f32 $6.250000000e-02, v45  }
0x183: {  	[tilespmem:s24+$0x9400] =	vst v13;
	v50 =	vmul.f32 v40, v48;
	v51 =	vmul.f32 $1.250000000e-01, v47  }
0x184: {  	[tilespmem:s24+$0x9600] =	vst v14;
	v11 =	vtrunc.f32 v49;
	v52 =	vmul.f32 $6.250000000e-02, v26  }
0x185: {  	[tilespmem:s24+$0x9800] =	vst v15;
	(erf) = vrcp.f32 v50;
	v11 =	vcvt.f32.s32 v11  }
0x186: {  	[tilespmem:s24+$0x9A00] =	vst v16;
	v54 =	vtrunc.f32 v51;
	v53 =	vtrunc.f32 v52  }
0x187: {  	[tilespmem:s24+$0x9C00] =	vst v17;
	v12 =	vcvt.f32.s32 v53;
	v55 =	vcvt.s32.f32 v11  }
0x188: {  	[tilespmem:s24+$0x9E00] =	vst v18;
	v13 =	vcvt.f32.s32 v54;
	v11 =	vshll.u32 v11, $0xA  }
0x189: {  	[tilespmem:s24+$0xA000] =	vst v19;
	v14 =	vmul.f32 $1.600000000e+01, v55;
	v56 =	vcvt.s32.f32 v12;
	v12 =	vshll.u32 v12, $0x3  }
0x18a: {  	[tilespmem:s24+$0xA200] =	vst v20;
	v57 =	vcvt.s32.f32 v13;
	v11 =	vadd.s32 v11, v12  }
0x18b: {  	[tilespmem:s24+$0xA400] =	vst v21;
	v58 =	vsub.f32 v45, v14;
	v59 =	vmul.f32 $1.600000000e+01, v56;
	v11 =	vadd.s32 v13, v11  }
0x18c: {  	[tilespmem:s24+$0xA600] =	vst v22;
	v60 =	vmul.f32 v32, v23;
	v61 =	vmul.f32 $8.000000000e+00, v57;
	v62 =	vadd.s32 $0x1, v11  }
0x18d: {  	v23 =	vadd.s32 $0x2, v11;
	v14 =	vsub.f32 v26, v59;
	v63 =	vadd.f32 v58, v63;
	[tilespmem:s25+$0x8800] =	vst v62  }
0x18e: {  	v13 =	vmul.f32 v34, v60;
	v15 =	vsub.f32 v47, v61;
	[tilespmem:s25+$0x8A00] =	vst v23  }
0x18f: {  	v24 =	vpop (erf);
	v27 =	vadd.s32 $0x8, v11;
	[tilespmem:s24+$0xA800] =	vst v10;
	v25 =	vadd.f32 $-3.200000000e+01, v63;
	v26 =	vadd.f32 v14, v36  }
0x190: {  	v29 =	vmul.f32 v24, v13;
	[tilespmem:s25+$0x8C00] =	vst v27  }
0x191: {  	v32 =	vadd.f32 v15, v40;
	[tilespmem:s24+$0xAA00] =	vst v9;
	v30 =	vmax.f32 v25, $0.0e+00;
	v31 =	vadd.f32 $-3.200000000e+01, v26  }
0x192: {  	v33 =	vadd.f32 $-1.600000000e+01, v63;
	[tilespmem:s24+$0xAC00] =	vst v8;
	v13 =	vmin.f32 v30, $1.600000000e+01  }
0x193: {  	v35 =	vadd.f32 $-1.600000000e+01, v32;
	[tilespmem:s24+$0xAE00] =	vst v7;
	v34 =	vmax.f32 v31, $0.0e+00;
	v13 =	vmul.f32 v13, v29  }
0x194: {  	[tilespmem:s24+$0xB000] =	vst v6;
	v36 =	vmin.f32 v34, $1.600000000e+01  }
0x195: {  	[tilespmem:s24+$0xB200] =	vst v5;
	v37 =	vmax.f32 v33, $0.0e+00;
	v38 =	vmax.f32 v35, $0.0e+00;
	v39 =	vmul.f32 v36, v13  }
0x196: {  	[tilespmem:s24+$0xB400] =	vst v4;
	v41 =	vadd.f32 $-1.600000000e+01, v26;
	v6 =	vmin.f32 v37, $1.600000000e+01;
	v8 =	vmin.f32 v38, $8.000000000e+00  }
0x197: {  	v40 =	vsub.f32 $1.600000000e+01, v14;
	[tilespmem:s24+$0xB600] =	vst v2;
	v6 =	vmul.f32 v6, v29;
	v42 =	vmul.f32 v8, v39  }
0x198: {  	v2 =	vadd.f32 $-8.000000000e+00, v32;
	[tilespmem:s24+$0xB800] =	vst v3;
	v3 =	vmax.f32 v41, $0.0e+00  }
0x199: {  	v15 =	vsub.f32 $8.000000000e+00, v15;
	v3 =	vmin.f32 v3, $1.600000000e+01;
	v43 =	vmul.f32 v6, v40;
	[tilespmem:s25+$0xF000] =	vst v42  }
0x19a: {  	v2 =	vmax.f32 v2, $0.0e+00;
	v45 =	vmul.f32 v3, v6;
	[tilespmem:s24+$0xBA00] =	vst v1  }
0x19b: {  	v44 =	vmul.f32 v43, v15;
	v1 =	vmin.f32 v2, $8.000000000e+00;
	v2 =	vadd.s32 $0x9, v11;
	[tilespmem:s25+$0x8600] =	vst v11  }
0x19c: {  	v4 =	vmul.f32 v8, v43;
	[tilespmem:s25+$0x8E00] =	vst v2  }
0x19d: {  	v46 =	vmul.f32 v45, v15;
	[tilespmem:s25+$0xCE00] =	vst v44  }
0x19e: {  	v50 =	vmul.f32 v13, v40;
	v48 =	vmul.f32 v8, v45;
	[tilespmem:s25+$0xD200] =	vst v4  }
0x19f: {  	v13 =	vmul.f32 v3, v13;
	v2 =	vmul.f32 v1, v43;
	[tilespmem:s25+$0xD400] =	vst v46  }
0x1a0: {  	v52 =	vmul.f32 v50, v15;
	[tilespmem:s25+$0xD800] =	vst v48  }
0x1a1: {  	v54 =	vmul.f32 v13, v15;
	[tilespmem:s25+$0xD000] =	vst v2;
	v2 =	vmul.f32 v36, v6  }
0x1a2: {  	v56 =	vmul.f32 v8, v13;
	[tilespmem:s25+$0xE000] =	vst v52  }
0x1a3: {  	v57 =	vmul.f32 v39, v15;
	[tilespmem:s25+$0xE600] =	vst v54;
	v49 =	vmul.f32 v2, v15  }
0x1a4: {  	[tilespmem:s25+$0xEA00] =	vst v56;
	v51 =	vmul.f32 v1, v2;
	v2 =	vmul.f32 v8, v2  }
0x1a5: {  	v47 =	vmul.f32 v1, v45;
	[tilespmem:s25+$0xEC00] =	vst v57  }
0x1a6: {  	v53 =	vmul.f32 v1, v50;
	[tilespmem:s25+$0xDE00] =	vst v2;
	v2 =	vsub.f32 $1.600000000e+01, v58  }
0x1a7: {  	v55 =	vmul.f32 v1, v13;
	[tilespmem:s25+$0xD600] =	vst v47  }
0x1a8: {  	v9 =	vmul.f32 v1, v39;
	[tilespmem:s25+$0xE200] =	vst v53;
	v2 =	vmul.f32 v2, v29  }
0x1a9: {  	v6 =	vmul.f32 v8, v50;
	[tilespmem:s25+$0xE800] =	vst v55  }
0x1aa: {  	[tilespmem:s25+$0xEE00] =	vst v9;
	v3 =	vmul.f32 v3, v2  }
0x1ab: {  	[tilespmem:s25+$0xE400] =	vst v6  }
0x1ac: {  	[tilespmem:s25+$0xDA00] =	vst v49;
	v58 =	vmul.f32 v3, v15  }
0x1ad: {  	[tilespmem:s25+$0xDC00] =	vst v51;
	v59 =	vmul.f32 v36, v2;
	v60 =	vmul.f32 v1, v3  }
0x1ae: {  	v3 =	vmul.f32 v8, v3;
	[tilespmem:s25+$0xC200] =	vst v58  }
0x1af: {  	v2 =	vmul.f32 v40, v2;
	v61 =	vmul.f32 v59, v15;
	[tilespmem:s25+$0xC400] =	vst v60  }
0x1b0: {  	v62 =	vmul.f32 v1, v59;
	[tilespmem:s25+$0xC600] =	vst v3  }
0x1b1: {  	v63 =	vmul.f32 v15, v2;
	[tilespmem:s25+$0xC800] =	vst v61  }
0x1b2: {  	v1 =	vmul.f32 v1, v2;
	[tilespmem:s25+$0xCA00] =	vst v62  }
0x1b3: {  	v2 =	vmul.f32 v8, v2;
	[tilespmem:s25+$0xBC00] =	vst v63  }
0x1b4: {  	[tilespmem:s25+$0xBE00] =	vst v1  }
0x1b5: {  	v1 =	vadd.s32 $0xA, v11;
	[tilespmem:s25+$0xC000] =	vst v2  }
0x1b6: {  	v3 =	vmul.f32 v8, v59;
	v2 =	vadd.s32 $0x10, v11;
	[tilespmem:s25+$0x9000] =	vst v1  }
0x1b7: {  	[tilespmem:s25+$0x9200] =	vst v2  }
0x1b8: {  	v1 =	vadd.s32 $0x11, v11;
	[tilespmem:s25+$0xCC00] =	vst v3  }
0x1b9: {  	v2 =	vadd.s32 $0x12, v11;
	[tilespmem:s25+$0x9400] =	vst v1  }
0x1ba: {  	v1 =	vadd.s32 $0x400, v11;
	[tilespmem:s25+$0x9600] =	vst v2  }
0x1bb: {  	v2 =	vadd.s32 $0x401, v11;
	[tilespmem:s25+$0x9800] =	vst v1  }
0x1bc: {  	v1 =	vadd.s32 $0x402, v11;
	[tilespmem:s25+$0x9A00] =	vst v2  }
0x1bd: {  	v2 =	vadd.s32 $0x408, v11;
	[tilespmem:s25+$0x9C00] =	vst v1  }
0x1be: {  	v1 =	vadd.s32 $0x409, v11;
	[tilespmem:s25+$0x9E00] =	vst v2  }
0x1bf: {  	v2 =	vadd.s32 $0x40A, v11;
	[tilespmem:s25+$0xA000] =	vst v1  }
0x1c0: {  	v1 =	vadd.s32 $0x410, v11;
	[tilespmem:s25+$0xA200] =	vst v2  }
0x1c1: {  	v2 =	vadd.s32 $0x411, v11;
	[tilespmem:s25+$0xA400] =	vst v1  }
0x1c2: {  	v1 =	vadd.s32 $0x412, v11;
	[tilespmem:s25+$0xA600] =	vst v2  }
0x1c3: {  	v2 =	vadd.s32 $0x800, v11;
	[tilespmem:s25+$0xA800] =	vst v1  }
0x1c4: {  	v1 =	vadd.s32 $0x801, v11;
	[tilespmem:s25+$0xAA00] =	vst v2  }
0x1c5: {  	v2 =	vadd.s32 $0x802, v11;
	[tilespmem:s25+$0xAC00] =	vst v1  }
0x1c6: {  	p0 =	seq.s32 s22, $0x8;
	v1 =	vadd.s32 $0x808, v11;
	[tilespmem:s25+$0xAE00] =	vst v2  }
0x1c7: {  	s23 =	sadd.s32 @!p0 s23, s9;
	v2 =	vadd.s32 $0x809, v11;
	[tilespmem:s25+$0xB000] =	vst v1  }
0x1c8: {  	s23 =	smul.u32 @!p0 $0xC00, s23;
	v1 =	vadd.s32 $0x80A, v11;
	[tilespmem:s25+$0xB200] =	vst v2  }
0x1c9: {  	v2 =	vadd.s32 $0x810, v11;
	[tilespmem:s25+$0xB400] =	vst v1  }
0x1ca: {  	s23 =	sshrl.u32 @!p0 s23, $0x3;
	v1 =	vadd.s32 $0x811, v11;
	[tilespmem:s25+$0xB600] =	vst v2  }
0x1cb: {  	s23 =	sadd.s32 @!p0 s4, s23;
	v2 =	vadd.s32 $0x812, v11;
	[tilespmem:s25+$0xB800] =	vst v1  }
0x1cc: {  	s23 =	sadd.s32 @!p0 $0x300, s23;
	s24 =	simm.s32 @!p0 $0x0;
	[tilespmem:s25+$0xBA00] =	vst v2;
	s25 =	simm.s32 @!p0 $0xC00  }
0x1cd: {  	[tilespmem:s25], [sflag:$0x4] =	stream.linear.gather @!p0 [hbm4b:s23+s24], $0xC00, $0x38;
	[tilespmem:$0x13000] =	vst v63  }
0x1ce: {  	s23 =	simm.s32 $0x200;
	s24 =	simm.s32 $0xBA00;
	s25 =	simm.s32 $0x8400  }
.LBB2_19:
0x1cf: {  	[spmem:s2] =	stream.indirect.scatter.add.f32 [tilespmem:s24], [sflag:$0x2], $0x1, s25, s17, $0xb8;
	[tilespmem:$0x13000] =	vst v63  }
0x1d0: {  	s24 =	smov.u32 s23;
	p0 =	sne.s32 s23, $0xD600  }
.Ltmp10:
0x1d1: {  	s23 =	sadd.s32 $0x200, s23;
	(pc) =	sbr.rel @p0 .LBB2_19-.Ltmp10, $3  }
0x1d2: {  	_ =	sdelay $0x1  }
0x1d3: {  	s25 =	sshra.s32 s24, $0x2  }
0x1d4: {  	s24 =	sadd.s32 $0xBA00, s25;
	s25 =	sadd.s32 $0x8400, s25  }
0x1d5: {  	s22 =	sadd.s32 $0x1, s22  }
0x1d6: {  	p1 =	sne.s32 s22, $0x9  }
.Ltmp11:
0x1d7: {  	_ = 	snop;
	(pc) =	sbr.rel @p1 .LBB2_4-.Ltmp11, $3  }
0x1d8: {  	_ =	sdelay $0x1  }
0x1d9: {  	[spmem:s2] =	stream.indirect.scatter.add.f32 [tilespmem:s24], [sflag:$0x2], $0x1, s25, s17, $0xb8;
	[tilespmem:$0x13000] =	vst v63  }
0x1da: {  	s24 =	simm.s32 $0x6C;
	p0 =	por $0x1, $0x1  }
0x1db: {  	_ =	swait.ge [sflag:s15], $0xC00  }
0x1dc: {  	[sflag:s15] =	ssyncset.done $0x0  }
0x1dd: {  	s22 =	simm.s32 $0x6C;
	[sflag:s15] =	ssyncadd.s32 $0xFFFFF400  }
.LBB2_22:
0x1de: {  	p0 =	sne.s32 s22, $0x1  }
.Ltmp12:
0x1df: {  	_ = 	snop;
	(pc) =	sbr.rel @p0 .LBB2_22-.Ltmp12, $4  }
0x1e0: {  	_ = 	snop  }
0x1e1: {  	_ =	swait.ge [sflag:s16], $0x80  }
0x1e2: {  	[sflag:s16] =	ssyncset.done $0x0  }
0x1e3: {  	s22 =	sadd.s32 $0xFFFFFFFF, s22;
	[sflag:s16] =	ssyncadd.s32 $0xFFFFFF80  }
0x1e4: {  	s22 =	simm.s32 $0xFFFFFE00  }
0x1e5: {  	v1 =	vld [tilespmem:s22+$0x800]  }
0x1e6: {  	v2 =	vld [tilespmem:s22+$0xC00]  }
0x1e7: {  	v3 =	vld [tilespmem:s22+$0xA00];
	_ =	sdelay $0x2  }
0x1e8: {  	v5 =	vld [tilespmem:s22+$0x200];
	v4 =	vmax.f32 v1, $2.262741660e+01  }
0x1e9: {  	v8 =	vld [tilespmem:s22+$0x600];
	v6 =	vmax.f32 v2, $1.131370830e+01;
	v7 =	vsub.f32 v1, v4  }
0x1ea: {  	v10 =	vld [tilespmem:s22+$0x400];
	v9 =	vmax.f32 v3, $2.262741660e+01;
	v11 =	vsub.f32 v2, v6  }
0x1eb: {  	v12 =	vsub.f32 v3, v9;
	v7 =	vmul.f32 $5.000000000e-01, v7  }
0x1ec: {  	v11 =	vmul.f32 $5.000000000e-01, v11  }
0x1ed: {  	v5 =	vadd.f32 v7, v5;
	v7 =	vmul.f32 $5.000000000e-01, v12  }
0x1ee: {  	v8 =	vadd.f32 v11, v8;
	v11 =	vmul.f32 v9, v4  }
0x1ef: {  	v7 =	vadd.f32 v7, v10;
	v10 =	vmul.f32 $6.250000000e-02, v5  }
0x1f0: {  	v11 =	vmul.f32 v6, v11  }
0x1f1: {  	v12 =	vmul.f32 $1.250000000e-01, v8;
	v10 =	vtrunc.f32 v10  }
0x1f2: {  	v13 =	vmul.f32 $6.250000000e-02, v7;
	(erf) = vrcp.f32 v11  }
0x1f3: {  	v12 =	vtrunc.f32 v12;
	v10 =	vcvt.f32.s32 v10  }
0x1f4: {  	v12 =	vcvt.f32.s32 v12;
	v11 =	vtrunc.f32 v13  }
0x1f5: {  	v11 =	vcvt.f32.s32 v11;
	v13 =	vcvt.s32.f32 v10  }
0x1f6: {  	v1 =	vmul.f32 v3, v1;
	v15 =	vcvt.s32.f32 v12  }
0x1f7: {  	v13 =	vmul.f32 $1.600000000e+01, v13;
	v14 =	vcvt.s32.f32 v11  }
0x1f8: {  	v10 =	vshll.u32 v10, $0xA;
	v11 =	vshll.u32 v11, $0x3;
	v3 =	vmul.f32 $8.000000000e+00, v15  }
0x1f9: {  	v10 =	vadd.s32 v10, v11;
	v5 =	vsub.f32 v5, v13;
	v11 =	vmul.f32 $1.600000000e+01, v14  }
0x1fa: {  	v1 =	vmul.f32 v2, v1;
	v2 =	vsub.f32 v8, v3  }
0x1fb: {  	v7 =	vsub.f32 v7, v11;
	v4 =	vadd.f32 v5, v4  }
0x1fc: {  	v23 =	vadd.s32 v12, v10;
	v3 =	vsub.f32 $1.600000000e+01, v5;
	v6 =	vadd.f32 v2, v6  }
0x1fd: {  	v10 =	vadd.s32 $0x1, v23;
	v2 =	vsub.f32 $8.000000000e+00, v2;
	v8 =	vadd.f32 $-3.200000000e+01, v4  }
0x1fe: {  	v12 =	vadd.s32 $0x8, v23;
	v9 =	vadd.f32 v7, v9;
	v4 =	vadd.f32 $-1.600000000e+01, v4  }
0x1ff: {  	v11 =	vadd.s32 $0x2, v23;
	v5 =	vpop (erf);
	v13 =	vadd.f32 $-1.600000000e+01, v6;
	v6 =	vadd.f32 $-8.000000000e+00, v6  }
0x200: {  	v1 =	vmul.f32 v5, v1;
	v5 =	vsub.f32 $1.600000000e+01, v7;
	v7 =	vmax.f32 v8, $0.0e+00  }
0x201: {  	v8 =	vadd.f32 $-3.200000000e+01, v9;
	v4 =	vmax.f32 v4, $0.0e+00;
	v9 =	vadd.f32 $-1.600000000e+01, v9  }
0x202: {  	v13 =	vmax.f32 v13, $0.0e+00;
	v7 =	vmin.f32 v7, $1.600000000e+01;
	v4 =	vmin.f32 v4, $1.600000000e+01  }
0x203: {  	v8 =	vmax.f32 v8, $0.0e+00;
	v7 =	vmul.f32 v7, v1;
	v4 =	vmul.f32 v4, v1  }
0x204: {  	v9 =	vmax.f32 v9, $0.0e+00;
	v1 =	vmul.f32 v3, v1;
	v8 =	vmin.f32 v8, $1.600000000e+01  }
0x205: {  	v3 =	vmin.f32 v9, $1.600000000e+01;
	v18 =	vmul.f32 v8, v7;
	v9 =	vmul.f32 v4, v5  }
0x206: {  	[tilespmem:s22+$0x1A00] =	vst v23;
	v25 =	vmin.f32 v13, $8.000000000e+00;
	v13 =	vmul.f32 v3, v4;
	v4 =	vmul.f32 v8, v4  }
0x207: {  	[tilespmem:s22+$0x1C00] =	vst v10;
	v6 =	vmax.f32 v6, $0.0e+00;
	v16 =	vmul.f32 v7, v5;
	v7 =	vmul.f32 v3, v7  }
0x208: {  	[tilespmem:s22+$0x2000] =	vst v12;
	v6 =	vmin.f32 v6, $8.000000000e+00;
	v3 =	vmul.f32 v3, v1;
	v8 =	vmul.f32 v8, v1  }
0x209: {  	[tilespmem:s22+$0x1E00] =	vst v11;
	v1 =	vmul.f32 v5, v1;
	v5 =	vadd.s32 $0x9, v23;
	v10 =	vmul.f32 v25, v18  }
0x20a: {  	[tilespmem:s22+$0x2200] =	vst v5;
	v5 =	vmul.f32 v6, v9;
	v17 =	vmul.f32 v6, v13  }
0x20b: {  	v19 =	vmul.f32 v4, v2;
	v22 =	vmul.f32 v6, v16;
	[tilespmem:s22+$0x8400] =	vst v10  }
0x20c: {  	v35 =	vmul.f32 v25, v16;
	v36 =	vmul.f32 v7, v2;
	[tilespmem:s22+$0x6400] =	vst v5  }
0x20d: {  	v14 =	vadd.s32 $0x12, v23;
	v37 =	vmul.f32 v6, v7;
	v38 =	vmul.f32 v25, v7;
	[tilespmem:s22+$0x6A00] =	vst v17  }
0x20e: {  	v15 =	vadd.s32 $0x400, v23;
	v34 =	vmul.f32 v18, v2;
	v32 =	vmul.f32 v6, v18;
	[tilespmem:s22+$0x6E00] =	vst v19  }
0x20f: {  	v20 =	vadd.s32 $0x40A, v23;
	v31 =	vmul.f32 v3, v2;
	v29 =	vmul.f32 v6, v3;
	[tilespmem:s22+$0x7600] =	vst v22  }
0x210: {  	v21 =	vadd.s32 $0x410, v23;
	v33 =	vmul.f32 v25, v3;
	v30 =	vmul.f32 v8, v2;
	[tilespmem:s22+$0x7800] =	vst v35  }
0x211: {  	v12 =	vadd.s32 $0x10, v23;
	v28 =	vmul.f32 v6, v8;
	v26 =	vmul.f32 v25, v8;
	[tilespmem:s22+$0x7A00] =	vst v36  }
0x212: {  	v11 =	vadd.s32 $0xA, v23;
	v27 =	vmul.f32 v2, v1;
	v10 =	vmul.f32 v9, v2;
	[tilespmem:s22+$0x7C00] =	vst v37  }
0x213: {  	v18 =	vadd.s32 $0x408, v23;
	v24 =	vmul.f32 v6, v1;
	v9 =	vmul.f32 v25, v9;
	[tilespmem:s22+$0x7E00] =	vst v38  }
0x214: {  	v8 =	vadd.s32 $0x801, v23;
	v7 =	vadd.s32 $0x802, v23;
	v5 =	vmul.f32 v25, v13;
	[tilespmem:s22+$0x6200] =	vst v10  }
0x215: {  	v3 =	vadd.s32 $0x811, v23;
	v17 =	vadd.s32 $0x402, v23;
	v10 =	vmul.f32 v13, v2;
	[tilespmem:s22+$0x6600] =	vst v9  }
0x216: {  	v19 =	vadd.s32 $0x409, v23;
	v22 =	vadd.s32 $0x411, v23;
	v9 =	vmul.f32 v6, v4;
	[tilespmem:s22+$0x6C00] =	vst v5  }
0x217: {  	v13 =	vadd.s32 $0x11, v23;
	v4 =	vmul.f32 v25, v4;
	v25 =	vmul.f32 v25, v1;
	[tilespmem:s22+$0x6800] =	vst v10  }
0x218: {  	v6 =	vadd.s32 $0x808, v23;
	v5 =	vadd.s32 $0x809, v23;
	v10 =	vmul.f32 v16, v2;
	[tilespmem:s22+$0x7000] =	vst v9  }
0x219: {  	v1 =	vadd.s32 $0x812, v23;
	v16 =	vadd.s32 $0x401, v23;
	[tilespmem:s22+$0x7200] =	vst v4;
	v9 =	vadd.s32 $0x800, v23  }
0x21a: {  	s23 =	simm.s32 $0xFFFFFE10;
	s24 =	simm.s32 $0xFFFFF880;
	v4 =	vadd.s32 $0x80A, v23;
	v2 =	vadd.s32 $0x810, v23;
	[tilespmem:s22+$0x7400] =	vst v10;
	v10 =	vadd.s32 $0x412, v23  }
.LBB2_24:
0x21b: {  	p0 =	sne.s32 s24, $0xFFFFFFC0;
	v35 =	vld [tilespmem:s23+$0x800];
	[tilespmem:s22+$0x8000] =	vst v34  }
0x21c: {  	v34 =	vld [tilespmem:s23+$0xC00];
	[tilespmem:s22+$0x8200] =	vst v32  }
0x21d: {  	v32 =	vld [tilespmem:s23+$0xA00];
	[tilespmem:s22+$0x5600] =	vst v31  }
0x21e: {  	[tilespmem:s22+$0x5800] =	vst v29  }
0x21f: {  	[tilespmem:s22+$0x5A00] =	vst v33  }
0x220: {  	v29 =	vmax.f32 v35, $2.262741660e+01;
	v23 =	vld [tilespmem:s23+$0x200];
	[tilespmem:s22+$0x5C00] =	vst v30  }
0x221: {  	v30 =	vmax.f32 v34, $1.131370830e+01;
	v31 =	vsub.f32 v35, v29;
	v33 =	vld [tilespmem:s23+$0x600];
	[tilespmem:s22+$0x5E00] =	vst v28  }
0x222: {  	v28 =	vmax.f32 v32, $2.262741660e+01;
	v36 =	vld [tilespmem:s23+$0x400];
	v37 =	vsub.f32 v34, v30;
	[tilespmem:s22+$0x6000] =	vst v26  }
0x223: {  	v26 =	vmul.f32 $5.000000000e-01, v31;
	v31 =	vsub.f32 v32, v28;
	[tilespmem:s22+$0x5000] =	vst v27  }
0x224: {  	v27 =	vmul.f32 $5.000000000e-01, v37;
	[tilespmem:s22+$0x5200] =	vst v24  }
0x225: {  	v23 =	vadd.f32 v26, v23;
	v24 =	vmul.f32 $5.000000000e-01, v31;
	[tilespmem:s22+$0x5400] =	vst v25  }
0x226: {  	v26 =	vmul.f32 v28, v29;
	v25 =	vadd.f32 v27, v33;
	[tilespmem:s22+$0x2400] =	vst v11  }
0x227: {  	v11 =	vadd.f32 v24, v36;
	v24 =	vmul.f32 $6.250000000e-02, v23;
	[tilespmem:s22+$0x2600] =	vst v12  }
0x228: {  	v12 =	vmul.f32 v30, v26;
	v26 =	vmul.f32 $1.250000000e-01, v25;
	[tilespmem:s22+$0x2800] =	vst v13  }
0x229: {  	v13 =	vtrunc.f32 v24;
	v24 =	vmul.f32 $6.250000000e-02, v11;
	[tilespmem:s22+$0x2A00] =	vst v14  }
0x22a: {  	v13 =	vcvt.f32.s32 v13;
	(erf) = vrcp.f32 v12;
	[tilespmem:s22+$0x2C00] =	vst v15  }
0x22b: {  	v14 =	vtrunc.f32 v26;
	v12 =	vtrunc.f32 v24;
	[tilespmem:s22+$0x2E00] =	vst v16  }
0x22c: {  	v12 =	vcvt.f32.s32 v12;
	v15 =	vcvt.s32.f32 v13;
	v13 =	vshll.u32 v13, $0xA;
	[tilespmem:s22+$0x3000] =	vst v17  }
0x22d: {  	v14 =	vcvt.f32.s32 v14;
	[tilespmem:s22+$0x3200] =	vst v18  }
0x22e: {  	v15 =	vmul.f32 $1.600000000e+01, v15;
	v16 =	vcvt.s32.f32 v12;
	v12 =	vshll.u32 v12, $0x3;
	[tilespmem:s22+$0x3400] =	vst v19  }
0x22f: {  	v17 =	vcvt.s32.f32 v14;
	v12 =	vadd.s32 v13, v12;
	[tilespmem:s22+$0x3600] =	vst v20  }
0x230: {  	v13 =	vsub.f32 v23, v15;
	v15 =	vmul.f32 $1.600000000e+01, v16;
	v23 =	vadd.s32 v14, v12;
	[tilespmem:s22+$0x3800] =	vst v21  }
0x231: {  	v12 =	vmul.f32 v32, v35;
	v14 =	vmul.f32 $8.000000000e+00, v17;
	v18 =	vadd.s32 $0x1, v23;
	[tilespmem:s22+$0x3A00] =	vst v22  }
0x232: {  	v17 =	vadd.s32 $0x2, v23;
	v11 =	vsub.f32 v11, v15;
	v15 =	vadd.f32 v13, v29;
	[tilespmem:s23+$0x1C00] =	vst v18  }
0x233: {  	v12 =	vmul.f32 v34, v12;
	v14 =	vsub.f32 v25, v14;
	v13 =	vsub.f32 $1.600000000e+01, v13;
	[tilespmem:s23+$0x1E00] =	vst v17;
	v16 =	vpop (erf)  }
0x234: {  	v19 =	vadd.s32 $0x8, v23;
	v17 =	vadd.f32 $-3.200000000e+01, v15;
	v18 =	vadd.f32 v11, v28;
	[tilespmem:s22+$0x3C00] =	vst v10  }
0x235: {  	v10 =	vmul.f32 v16, v12;
	v12 =	vadd.f32 $-1.600000000e+01, v15;
	v11 =	vsub.f32 $1.600000000e+01, v11;
	[tilespmem:s23+$0x2000] =	vst v19  }
0x236: {  	v15 =	vmax.f32 v17, $0.0e+00;
	v16 =	vadd.f32 $-3.200000000e+01, v18;
	v17 =	vadd.f32 v14, v30;
	[tilespmem:s22+$0x3E00] =	vst v9  }
0x237: {  	v9 =	vmax.f32 v12, $0.0e+00;
	v12 =	vmin.f32 v15, $1.600000000e+01;
	v15 =	vadd.f32 $-1.600000000e+01, v18;
	[tilespmem:s22+$0x4000] =	vst v8  }
0x238: {  	v8 =	vmax.f32 v16, $0.0e+00;
	v16 =	vadd.f32 $-1.600000000e+01, v17;
	v12 =	vmul.f32 v12, v10;
	[tilespmem:s22+$0x4200] =	vst v7  }
0x239: {  	v7 =	vmin.f32 v9, $1.600000000e+01;
	v9 =	vmax.f32 v15, $0.0e+00;
	v8 =	vmin.f32 v8, $1.600000000e+01;
	[tilespmem:s22+$0x4400] =	vst v6  }
0x23a: {  	v7 =	vmul.f32 v7, v10;
	v6 =	vmax.f32 v16, $0.0e+00;
	v19 =	vmul.f32 v8, v12;
	[tilespmem:s22+$0x4600] =	vst v5  }
0x23b: {  	v10 =	vmul.f32 v13, v10;
	v5 =	vadd.f32 $-8.000000000e+00, v17;
	v6 =	vmin.f32 v6, $8.000000000e+00;
	[tilespmem:s22+$0x4800] =	vst v4  }
0x23c: {  	v4 =	vmin.f32 v9, $1.600000000e+01;
	v9 =	vmul.f32 v7, v11;
	v13 =	vmul.f32 v6, v19;
	[tilespmem:s22+$0x4A00] =	vst v2  }
0x23d: {  	v2 =	vmax.f32 v5, $0.0e+00;
	v5 =	vmul.f32 v4, v7;
	v7 =	vmul.f32 v8, v7;
	[tilespmem:s22+$0x4C00] =	vst v3  }
0x23e: {  	v17 =	vmul.f32 v12, v11;
	v18 =	vmul.f32 v4, v12;
	v3 =	vsub.f32 $8.000000000e+00, v14;
	[tilespmem:s23+$0x8400] =	vst v13  }
0x23f: {  	v4 =	vmul.f32 v4, v10;
	v8 =	vmul.f32 v8, v10;
	v2 =	vmin.f32 v2, $8.000000000e+00;
	[tilespmem:s22+$0x4E00] =	vst v1;
	s22 =	smov.u32 s23  }
0x240: {  	v1 =	vmul.f32 v11, v10;
	v10 =	vadd.s32 $0x9, v23;
	v13 =	vmul.f32 v9, v3;
	[tilespmem:s22+$0x1A00] =	vst v23  }
0x241: {  	v11 =	vadd.s32 $0xA, v23;
	[tilespmem:s22+$0x2200] =	vst v10;
	v10 =	vmul.f32 v2, v9;
	v9 =	vmul.f32 v6, v9  }
0x242: {  	v12 =	vadd.s32 $0x10, v23;
	v20 =	vmul.f32 v2, v5;
	v16 =	vmul.f32 v5, v3;
	[tilespmem:s22+$0x6200] =	vst v13  }
0x243: {  	v5 =	vmul.f32 v6, v5;
	v13 =	vadd.s32 $0x11, v23;
	[tilespmem:s22+$0x6400] =	vst v10;
	v10 =	vmul.f32 v7, v3  }
0x244: {  	v14 =	vadd.s32 $0x12, v23;
	[tilespmem:s22+$0x6600] =	vst v9;
	v9 =	vmul.f32 v2, v7;
	v7 =	vmul.f32 v6, v7  }
0x245: {  	v15 =	vadd.s32 $0x400, v23;
	v25 =	vmul.f32 v2, v17;
	v22 =	vmul.f32 v17, v3;
	[tilespmem:s22+$0x6800] =	vst v16  }
0x246: {  	v35 =	vmul.f32 v6, v17;
	v36 =	vmul.f32 v18, v3;
	v16 =	vadd.s32 $0x401, v23;
	[tilespmem:s22+$0x6A00] =	vst v20  }
0x247: {  	v37 =	vmul.f32 v2, v18;
	v38 =	vmul.f32 v6, v18;
	v17 =	vadd.s32 $0x402, v23;
	[tilespmem:s22+$0x6C00] =	vst v5  }
0x248: {  	v32 =	vmul.f32 v2, v19;
	v18 =	vadd.s32 $0x408, v23;
	v34 =	vmul.f32 v19, v3;
	[tilespmem:s22+$0x6E00] =	vst v10  }
0x249: {  	v29 =	vmul.f32 v2, v4;
	v31 =	vmul.f32 v4, v3;
	v19 =	vadd.s32 $0x409, v23;
	[tilespmem:s22+$0x7000] =	vst v9  }
0x24a: {  	v33 =	vmul.f32 v6, v4;
	v30 =	vmul.f32 v8, v3;
	v20 =	vadd.s32 $0x40A, v23;
	[tilespmem:s22+$0x7200] =	vst v7  }
0x24b: {  	v21 =	vadd.s32 $0x410, v23;
	v28 =	vmul.f32 v2, v8;
	v26 =	vmul.f32 v6, v8;
	[tilespmem:s22+$0x7400] =	vst v22  }
.Ltmp13:
0x24c: {  	v27 =	vmul.f32 v3, v1;
	v24 =	vmul.f32 v2, v1;
	v22 =	vadd.s32 $0x411, v23;
	[tilespmem:s22+$0x7600] =	vst v25;
	(pc) =	sbr.rel @p0 .LBB2_24-.Ltmp13, $4  }
0x24d: {  	v10 =	vadd.s32 $0x412, v23;
	v9 =	vadd.s32 $0x800, v23;
	v25 =	vmul.f32 v6, v1;
	[tilespmem:s22+$0x7800] =	vst v35  }
0x24e: {  	v8 =	vadd.s32 $0x801, v23;
	v7 =	vadd.s32 $0x802, v23;
	v6 =	vadd.s32 $0x808, v23;
	[tilespmem:s22+$0x7A00] =	vst v36  }
0x24f: {  	v4 =	vadd.s32 $0x80A, v23;
	v2 =	vadd.s32 $0x810, v23;
	v5 =	vadd.s32 $0x809, v23;
	[tilespmem:s22+$0x7C00] =	vst v37  }
0x250: {  	s23 =	sshra.s32 s24, $0x2;
	s24 =	sadd.s32 $0x40, s24;
	v3 =	vadd.s32 $0x811, v23;
	v1 =	vadd.s32 $0x812, v23;
	[tilespmem:s22+$0x7E00] =	vst v38  }
0x251: {  	v23 =	vld [tilespmem:s23+$0x800];
	[tilespmem:s22+$0x8000] =	vst v34  }
0x252: {  	v34 =	vld [tilespmem:s23+$0xC00];
	[tilespmem:s22+$0x8200] =	vst v32  }
0x253: {  	v32 =	vld [tilespmem:s23+$0xA00];
	[tilespmem:s22+$0x5600] =	vst v31  }
0x254: {  	[tilespmem:s22+$0x5800] =	vst v29  }
0x255: {  	[tilespmem:s22+$0x5A00] =	vst v33  }
0x256: {  	v29 =	vld [tilespmem:s23+$0x200];
	[tilespmem:s22+$0x5C00] =	vst v30;
	v63 =	vmax.f32 v23, $2.262741660e+01  }
0x257: {  	v30 =	vld [tilespmem:s23+$0x600];
	[tilespmem:s22+$0x5E00] =	vst v28;
	v40 =	vmax.f32 v34, $1.131370830e+01;
	v41 =	vsub.f32 v23, v63  }
0x258: {  	v35 =	vld [tilespmem:s23+$0x400];
	[tilespmem:s22+$0x6000] =	vst v26;
	v36 =	vmax.f32 v32, $2.262741660e+01;
	v37 =	vsub.f32 v34, v40  }
0x259: {  	[tilespmem:s22+$0x5000] =	vst v27;
	v42 =	vmul.f32 $5.000000000e-01, v41;
	v43 =	vsub.f32 v32, v36  }
0x25a: {  	[tilespmem:s22+$0x5200] =	vst v24;
	v44 =	vmul.f32 $5.000000000e-01, v37  }
0x25b: {  	[tilespmem:s22+$0x5400] =	vst v25;
	v45 =	vadd.f32 v42, v29;
	v46 =	vmul.f32 $5.000000000e-01, v43  }
0x25c: {  	[tilespmem:s22+$0x2400] =	vst v11;
	v48 =	vmul.f32 v36, v63;
	v47 =	vadd.f32 v44, v30  }
0x25d: {  	[tilespmem:s22+$0x2600] =	vst v12;
	v26 =	vadd.f32 v46, v35;
	v49 =	vmul.f32 $6.250000000e-02, v45  }
0x25e: {  	[tilespmem:s22+$0x2800] =	vst v13;
	v50 =	vmul.f32 v40, v48;
	v51 =	vmul.f32 $1.250000000e-01, v47  }
0x25f: {  	[tilespmem:s22+$0x2A00] =	vst v14;
	v11 =	vtrunc.f32 v49;
	v52 =	vmul.f32 $6.250000000e-02, v26  }
0x260: {  	[tilespmem:s22+$0x2C00] =	vst v15;
	(erf) = vrcp.f32 v50;
	v11 =	vcvt.f32.s32 v11  }
0x261: {  	[tilespmem:s22+$0x2E00] =	vst v16;
	v54 =	vtrunc.f32 v51;
	v53 =	vtrunc.f32 v52  }
0x262: {  	[tilespmem:s22+$0x3000] =	vst v17;
	v12 =	vcvt.f32.s32 v53;
	v55 =	vcvt.s32.f32 v11  }
0x263: {  	[tilespmem:s22+$0x3200] =	vst v18;
	v13 =	vcvt.f32.s32 v54;
	v11 =	vshll.u32 v11, $0xA  }
0x264: {  	[tilespmem:s22+$0x3400] =	vst v19;
	v14 =	vmul.f32 $1.600000000e+01, v55;
	v56 =	vcvt.s32.f32 v12;
	v12 =	vshll.u32 v12, $0x3  }
0x265: {  	[tilespmem:s22+$0x3600] =	vst v20;
	v57 =	vcvt.s32.f32 v13;
	v11 =	vadd.s32 v11, v12  }
0x266: {  	[tilespmem:s22+$0x3800] =	vst v21;
	v58 =	vsub.f32 v45, v14;
	v59 =	vmul.f32 $1.600000000e+01, v56;
	v11 =	vadd.s32 v13, v11  }
0x267: {  	[tilespmem:s22+$0x3A00] =	vst v22;
	v60 =	vmul.f32 v32, v23;
	v61 =	vmul.f32 $8.000000000e+00, v57;
	v62 =	vadd.s32 $0x1, v11  }
0x268: {  	v23 =	vadd.s32 $0x2, v11;
	v14 =	vsub.f32 v26, v59;
	v63 =	vadd.f32 v58, v63;
	[tilespmem:s23+$0x1C00] =	vst v62  }
0x269: {  	v13 =	vmul.f32 v34, v60;
	v15 =	vsub.f32 v47, v61;
	[tilespmem:s23+$0x1E00] =	vst v23  }
0x26a: {  	v24 =	vpop (erf);
	v27 =	vadd.s32 $0x8, v11;
	[tilespmem:s22+$0x3C00] =	vst v10;
	v25 =	vadd.f32 $-3.200000000e+01, v63;
	v26 =	vadd.f32 v14, v36  }
0x26b: {  	v29 =	vmul.f32 v24, v13;
	[tilespmem:s23+$0x2000] =	vst v27  }
0x26c: {  	v32 =	vadd.f32 v15, v40;
	[tilespmem:s22+$0x3E00] =	vst v9;
	v30 =	vmax.f32 v25, $0.0e+00;
	v31 =	vadd.f32 $-3.200000000e+01, v26  }
0x26d: {  	v33 =	vadd.f32 $-1.600000000e+01, v63;
	[tilespmem:s22+$0x4000] =	vst v8;
	v13 =	vmin.f32 v30, $1.600000000e+01  }
0x26e: {  	v35 =	vadd.f32 $-1.600000000e+01, v32;
	[tilespmem:s22+$0x4200] =	vst v7;
	v34 =	vmax.f32 v31, $0.0e+00;
	v13 =	vmul.f32 v13, v29  }
0x26f: {  	[tilespmem:s22+$0x4400] =	vst v6;
	v36 =	vmin.f32 v34, $1.600000000e+01  }
0x270: {  	[tilespmem:s22+$0x4600] =	vst v5;
	v37 =	vmax.f32 v33, $0.0e+00;
	v38 =	vmax.f32 v35, $0.0e+00;
	v39 =	vmul.f32 v36, v13  }
0x271: {  	[tilespmem:s22+$0x4800] =	vst v4;
	v41 =	vadd.f32 $-1.600000000e+01, v26;
	v6 =	vmin.f32 v37, $1.600000000e+01;
	v8 =	vmin.f32 v38, $8.000000000e+00  }
0x272: {  	v40 =	vsub.f32 $1.600000000e+01, v14;
	[tilespmem:s22+$0x4A00] =	vst v2;
	v6 =	vmul.f32 v6, v29;
	v42 =	vmul.f32 v8, v39  }
0x273: {  	v2 =	vadd.f32 $-8.000000000e+00, v32;
	[tilespmem:s22+$0x4C00] =	vst v3;
	v3 =	vmax.f32 v41, $0.0e+00  }
0x274: {  	v15 =	vsub.f32 $8.000000000e+00, v15;
	v3 =	vmin.f32 v3, $1.600000000e+01;
	v43 =	vmul.f32 v6, v40;
	[tilespmem:s23+$0x8400] =	vst v42  }
0x275: {  	v2 =	vmax.f32 v2, $0.0e+00;
	v45 =	vmul.f32 v3, v6;
	[tilespmem:s22+$0x4E00] =	vst v1  }
0x276: {  	v44 =	vmul.f32 v43, v15;
	v1 =	vmin.f32 v2, $8.000000000e+00;
	v2 =	vadd.s32 $0x9, v11;
	[tilespmem:s23+$0x1A00] =	vst v11  }
0x277: {  	v4 =	vmul.f32 v8, v43;
	[tilespmem:s23+$0x2200] =	vst v2  }
0x278: {  	v46 =	vmul.f32 v45, v15;
	[tilespmem:s23+$0x6200] =	vst v44  }
0x279: {  	v50 =	vmul.f32 v13, v40;
	v48 =	vmul.f32 v8, v45;
	[tilespmem:s23+$0x6600] =	vst v4  }
0x27a: {  	v13 =	vmul.f32 v3, v13;
	v2 =	vmul.f32 v1, v43;
	[tilespmem:s23+$0x6800] =	vst v46  }
0x27b: {  	v52 =	vmul.f32 v50, v15;
	[tilespmem:s23+$0x6C00] =	vst v48  }
0x27c: {  	v54 =	vmul.f32 v13, v15;
	[tilespmem:s23+$0x6400] =	vst v2;
	v2 =	vmul.f32 v36, v6  }
0x27d: {  	v56 =	vmul.f32 v8, v13;
	[tilespmem:s23+$0x7400] =	vst v52  }
0x27e: {  	v57 =	vmul.f32 v39, v15;
	[tilespmem:s23+$0x7A00] =	vst v54;
	v49 =	vmul.f32 v2, v15  }
0x27f: {  	[tilespmem:s23+$0x7E00] =	vst v56;
	v51 =	vmul.f32 v1, v2;
	v2 =	vmul.f32 v8, v2  }
0x280: {  	v47 =	vmul.f32 v1, v45;
	[tilespmem:s23+$0x8000] =	vst v57  }
0x281: {  	v53 =	vmul.f32 v1, v50;
	[tilespmem:s23+$0x7200] =	vst v2;
	v2 =	vsub.f32 $1.600000000e+01, v58  }
0x282: {  	v55 =	vmul.f32 v1, v13;
	[tilespmem:s23+$0x6A00] =	vst v47  }
0x283: {  	v9 =	vmul.f32 v1, v39;
	[tilespmem:s23+$0x7600] =	vst v53;
	v2 =	vmul.f32 v2, v29  }
0x284: {  	v6 =	vmul.f32 v8, v50;
	[tilespmem:s23+$0x7C00] =	vst v55  }
0x285: {  	[tilespmem:s23+$0x8200] =	vst v9;
	v3 =	vmul.f32 v3, v2  }
0x286: {  	[tilespmem:s23+$0x7800] =	vst v6  }
0x287: {  	[tilespmem:s23+$0x6E00] =	vst v49;
	v58 =	vmul.f32 v3, v15  }
0x288: {  	[tilespmem:s23+$0x7000] =	vst v51;
	v59 =	vmul.f32 v36, v2;
	v60 =	vmul.f32 v1, v3  }
0x289: {  	v3 =	vmul.f32 v8, v3;
	[tilespmem:s23+$0x5600] =	vst v58  }
0x28a: {  	v2 =	vmul.f32 v40, v2;
	v61 =	vmul.f32 v59, v15;
	[tilespmem:s23+$0x5800] =	vst v60  }
0x28b: {  	v62 =	vmul.f32 v1, v59;
	[tilespmem:s23+$0x5A00] =	vst v3  }
0x28c: {  	v63 =	vmul.f32 v15, v2;
	[tilespmem:s23+$0x5C00] =	vst v61  }
0x28d: {  	v1 =	vmul.f32 v1, v2;
	[tilespmem:s23+$0x5E00] =	vst v62  }
0x28e: {  	v2 =	vmul.f32 v8, v2;
	[tilespmem:s23+$0x5000] =	vst v63  }
0x28f: {  	[tilespmem:s23+$0x5200] =	vst v1  }
0x290: {  	v1 =	vadd.s32 $0xA, v11;
	[tilespmem:s23+$0x5400] =	vst v2  }
0x291: {  	v3 =	vmul.f32 v8, v59;
	v2 =	vadd.s32 $0x10, v11;
	[tilespmem:s23+$0x2400] =	vst v1  }
0x292: {  	[tilespmem:s23+$0x2600] =	vst v2  }
0x293: {  	v1 =	vadd.s32 $0x11, v11;
	[tilespmem:s23+$0x6000] =	vst v3  }
0x294: {  	v2 =	vadd.s32 $0x12, v11;
	[tilespmem:s23+$0x2800] =	vst v1  }
0x295: {  	v1 =	vadd.s32 $0x400, v11;
	[tilespmem:s23+$0x2A00] =	vst v2  }
0x296: {  	v2 =	vadd.s32 $0x401, v11;
	[tilespmem:s23+$0x2C00] =	vst v1  }
0x297: {  	v1 =	vadd.s32 $0x402, v11;
	[tilespmem:s23+$0x2E00] =	vst v2  }
0x298: {  	v2 =	vadd.s32 $0x408, v11;
	[tilespmem:s23+$0x3000] =	vst v1  }
0x299: {  	v1 =	vadd.s32 $0x409, v11;
	[tilespmem:s23+$0x3200] =	vst v2  }
0x29a: {  	v2 =	vadd.s32 $0x40A, v11;
	[tilespmem:s23+$0x3400] =	vst v1  }
0x29b: {  	v1 =	vadd.s32 $0x410, v11;
	[tilespmem:s23+$0x3600] =	vst v2  }
0x29c: {  	v2 =	vadd.s32 $0x411, v11;
	[tilespmem:s23+$0x3800] =	vst v1  }
0x29d: {  	v1 =	vadd.s32 $0x412, v11;
	[tilespmem:s23+$0x3A00] =	vst v2  }
0x29e: {  	v2 =	vadd.s32 $0x800, v11;
	[tilespmem:s23+$0x3C00] =	vst v1  }
0x29f: {  	v1 =	vadd.s32 $0x801, v11;
	[tilespmem:s23+$0x3E00] =	vst v2  }
0x2a0: {  	v2 =	vadd.s32 $0x802, v11;
	[tilespmem:s23+$0x4000] =	vst v1  }
0x2a1: {  	v1 =	vadd.s32 $0x808, v11;
	[tilespmem:s23+$0x4200] =	vst v2  }
0x2a2: {  	v2 =	vadd.s32 $0x809, v11;
	[tilespmem:s23+$0x4400] =	vst v1  }
0x2a3: {  	v1 =	vadd.s32 $0x80A, v11;
	[tilespmem:s23+$0x4600] =	vst v2  }
0x2a4: {  	v2 =	vadd.s32 $0x810, v11;
	[tilespmem:s23+$0x4800] =	vst v1  }
0x2a5: {  	v1 =	vadd.s32 $0x811, v11;
	[tilespmem:s23+$0x4A00] =	vst v2  }
0x2a6: {  	v2 =	vadd.s32 $0x812, v11;
	[tilespmem:s23+$0x4C00] =	vst v1  }
0x2a7: {  	s24 =	simm.s32 $0x1800;
	s22 =	simm.s32 $0x200;
	[tilespmem:s23+$0x4E00] =	vst v2;
	s23 =	simm.s32 $0x4E00  }
.LBB2_26:
0x2a8: {  	[spmem:s2] =	stream.indirect.scatter.add.f32 [tilespmem:s23], [sflag:$0x1], $0x1, s24, s17, $0xb8;
	[tilespmem:$0x13000] =	vst v63  }
0x2a9: {  	s23 =	smov.u32 s22;
	p0 =	sne.s32 s22, $0xD600  }
.Ltmp14:
0x2aa: {  	s22 =	sadd.s32 $0x200, s22;
	(pc) =	sbr.rel @p0 .LBB2_26-.Ltmp14, $3  }
0x2ab: {  	_ =	sdelay $0x1  }
0x2ac: {  	s24 =	sshra.s32 s23, $0x2  }
0x2ad: {  	s23 =	sadd.s32 $0x4E00, s24;
	s24 =	sadd.s32 $0x1800, s24  }
0x2ae: {  	[spmem:s2] =	stream.indirect.scatter.add.f32 [tilespmem:s23], [sflag:$0x1], $0x1, s24, s17, $0xb8;
	[tilespmem:$0x13000] =	vst v63  }
0x2af: {  	_ =	swait.ge [sflag:s16], $0x80  }
0x2b0: {  	s22 =	simm.s32 $0x6B;
	[sflag:s16] =	ssyncset.done $0x0  }
.LBB2_28:
0x2b1: {  	p0 =	sne.s32 s22, $0x1;
	s22 =	sadd.s32 $0xFFFFFFFF, s22;
	[sflag:s16] =	ssyncadd.s32 $0xFFFFFF80  }
.Ltmp15:
0x2b2: {  	(pc) =	sbr.rel @p0 .LBB2_28-.Ltmp15, $3  }
0x2b3: {  	_ =	sdelay $0x1  }
0x2b4: {  	_ =	swait.ge [sflag:s16], $0x80  }
0x2b5: {  	[sflag:s16] =	ssyncset.done $0x0  }
0x2b6: {  	[sflag:s16] =	ssyncadd.s32 $0xFFFFFF80  }
0x2b7: {  	_ =	swait.ge [sflag:s19], $0x80  }
0x2b8: {  	s22 =	simm.s32 $0x6B;
	[sflag:s19] =	ssyncset.done $0x0  }
.LBB2_30:
0x2b9: {  	p0 =	sne.s32 s22, $0x1;
	s22 =	sadd.s32 $0xFFFFFFFF, s22;
	[sflag:s19] =	ssyncadd.s32 $0xFFFFFF80  }
.Ltmp16:
0x2ba: {  	(pc) =	sbr.rel @p0 .LBB2_30-.Ltmp16, $3  }
0x2bb: {  	_ =	sdelay $0x1  }
0x2bc: {  	_ =	swait.ge [sflag:s19], $0x80  }
0x2bd: {  	[sflag:s19] =	ssyncset.done $0x0  }
0x2be: {  	[sflag:s19] =	ssyncadd.s32 $0xFFFFFF80  }
0x2bf: {  	[bflag:$0x0] =	sbarrier.arrive $0xFFFF  }
0x2c0: {  	[tilespmem:s13], [sflag:$0x5] =	stream.linear.gather [spmem:s8], $0x2000, $0x38;
	[tilespmem:$0x13000] =	vst v63  }
0x2c1: {  	s21 =	sadd.s32 $0x1, s21;
	_ =	swait.ge [sflag:s14], $0x2000  }
0x2c2: {  	p0 =	sne.s32 s21, s11;
	[sflag:s14] =	ssyncset.done $0x0  }
.Ltmp17:
0x2c3: {  	[sflag:s14] =	ssyncadd.s32 $0xFFFFE000;
	(pc) =	sbr.rel @p0 .LBB2_1-.Ltmp17, $4  }
0x2c4: {  	[hbm4b:s10+s17] =	stream.strided.scatter [tilespmem:s13], [sflag:$0x5], $0x2000, s20, s17, $0x38;
	[tilespmem:$0x13000] =	vst v63  }
0x2c5: {  	_ =	swait.ge [sflag:s14], $0x2000  }
0x2c6: {  	[sflag:s14] =	ssyncset.done $0x0  }
0x2c7: {  	[sflag:s14] =	ssyncadd.s32 $0xFFFFE000  }
0x2c8: {  	_ =	sfence.sel $0x180000  }
0x2c9: {  	[bflag:$0x0] =	sbarrier.arrive $0xFFFF  }
0x2ca: {  	p0 =	sne.s32 s1, $0x0;
	_ =	strace $0x90000047  }
0x2cb: {  	s0 =	sadd.s32 @!p0 $0x100000, s0;
	[bflag:$0x2] =	sbarrier.arrive $0xFFFF  }
0x2cc: {  	[sflag:s0] =	ssyncadd.tile.s32 @!p0 $0x1;
	_ =	shalt  }
.Lfunc_end2:
_tile_overlayer_lowered:
.L_overlay_start_2:
0x2cd: {  	(tag) =	ssettag $0x2  }
0x2ce: {  	s0 =	rddreg [dreg:$0x0];
	s2 =	stileid.u32  }
0x2cf: {  	s1 =	rddreg [dreg:$0x1];
	p0 =	sne.s32 s2, $0x0  }
0x2d0: {  	s3 =	rddreg [dreg:$0x2];
	[bflag:$0x3] =	sbarrier.arrive $0xFFFF;
	s2 =	simm.s32 @!p0 $0x1C05  }
0x2d1: {  	[timem:s3], [sflag:s2] =	dma.local @!p0 [hbm:s0], s1  }
0x2d2: {  	s0 =	simm.s32 @!p0 $0x5  }
0x2d3: {  	_ =	swait.ge @!p0 [sflag:s0], s1  }
0x2d4: {  	s1 =	ssub.s32 @!p0 $0x0, s1;
	[sflag:s0] =	ssyncset.done @!p0 $0x0  }
0x2d5: {  	[sflag:s0] =	ssyncadd.s32 @!p0 s1  }
0x2d6: {  	[bflag:$0x3] =	sbarrier.arrive $0xFFFF  }
0x2d7: {  	_ =	shalt  }

</sc_bundles>
